<compile_context>
chip_gen: v7x
topology: tpu7x:2x2x1
jax: 0.10.2.dev20260603
libtpu: 0.0.44.dev20260713+nightly
codegen_flags: <defaults>
</compile_context>

<pallas_src>
import functools

import jax
import jax.numpy as jnp
from jax import lax
from jax.experimental import pallas as pl
from jax.experimental.pallas import tpu as pltpu
from jax.experimental.pallas import tpu_sc as plsc

F32 = jnp.float32
I32 = jnp.int32

NHEADS = 12
D = 768
DH = 64
DHID = 2048
E = 64
S = 2048
CAP = 128
NSLOT = E * CAP
TRASH = NSLOT
SLOT_ROWS = NSLOT + 8
RB = 512

_pcall = pl.pallas_call


BF16 = jnp.bfloat16


def _bdot(a, b, dims):
    return lax.dot_general(a.astype(BF16), b.astype(BF16), (dims, ((), ())),
                           preferred_element_type=F32)


def _qkv_body(x_ref, w_ref, b_ref, o_ref):
    o_ref[...] = _bdot(x_ref[...], w_ref[...], ((1,), (1,))) + b_ref[0]


def _qkv(x2d, in_w, in_b):
    rb = 1024
    return _pcall(
        _qkv_body,
        grid=(3, S // rb),
        in_specs=[
            pl.BlockSpec((rb, D), lambda j, r: (r, 0)),
            pl.BlockSpec((D, D), lambda j, r: (j, 0)),
            pl.BlockSpec((1, 1, D), lambda j, r: (j, 0, 0)),
        ],
        out_specs=pl.BlockSpec((rb, D), lambda j, r: (r, j)),
        out_shape=jax.ShapeDtypeStruct((S, 3 * D), F32),
    )(x2d, in_w, in_b.reshape(3, 1, D))


_KC = 1024


def _attn_body(q_ref, k_ref, v_ref, o_ref):
    outs = []
    for i in (0, 1):
        q = q_ref[:, i * DH:(i + 1) * DH]
        k = k_ref[:, i * DH:(i + 1) * DH]
        v = v_ref[:, i * DH:(i + 1) * DH]
        s = _bdot(q, k, ((1,), (1,))) * 0.125
        m = None
        for c in range(0, S, _KC):
            sc = s[:, c:c + _KC]
            mc = jnp.max(sc, axis=1, keepdims=True)
            if m is None:
                m_new = mc
            else:
                m_new = jnp.maximum(m, mc)
            p = jnp.exp(sc - m_new)
            ov = _bdot(p, v[c:c + _KC, :], ((1,), (0,)))
            lc = jnp.sum(p, axis=1, keepdims=True)
            if m is None:
                o, l = ov, lc
            else:
                alpha = jnp.exp(m - m_new)
                o = o * alpha + ov
                l = l * alpha + lc
            m = m_new
        outs.append(o / l)
    o_ref[...] = jnp.concatenate(outs, axis=1)


def _attn(qkv):
    hp = NHEADS // 2
    return _pcall(
        _attn_body,
        grid=(hp, S // RB),
        in_specs=[
            pl.BlockSpec((RB, 2 * DH), lambda h, r: (r, h)),
            pl.BlockSpec((S, 2 * DH), lambda h, r: (0, hp + h)),
            pl.BlockSpec((S, 2 * DH), lambda h, r: (0, 2 * hp + h)),
        ],
        out_specs=pl.BlockSpec((RB, 2 * DH), lambda h, r: (r, h)),
        out_shape=jax.ShapeDtypeStruct((S, D), F32),
    )(qkv, qkv, qkv)


def _outln_body(o_ref, w_ref, b_ref, x_ref, g_ref, bb_ref, y_ref):
    t = _bdot(o_ref[...], w_ref[...], ((1,), (1,)))
    t = t + b_ref[...] + x_ref[...]
    m = jnp.mean(t, axis=1, keepdims=True)
    d = t - m
    v = jnp.mean(d * d, axis=1, keepdims=True)
    y_ref[...] = d / jnp.sqrt(v + 1e-5) * g_ref[...] + bb_ref[...]


def _outln(o, out_w, out_b, x2d, ln_g, ln_b):
    rb = 512
    return _pcall(
        _outln_body,
        grid=(S // rb,),
        in_specs=[
            pl.BlockSpec((rb, D), lambda r: (r, 0)),
            pl.BlockSpec((D, D), lambda r: (0, 0)),
            pl.BlockSpec((1, D), lambda r: (0, 0)),
            pl.BlockSpec((rb, D), lambda r: (r, 0)),
            pl.BlockSpec((1, D), lambda r: (0, 0)),
            pl.BlockSpec((1, D), lambda r: (0, 0)),
        ],
        out_specs=pl.BlockSpec((rb, D), lambda r: (r, 0)),
        out_shape=jax.ShapeDtypeStruct((S, D), F32),
    )(o, out_w, out_b.reshape(1, D), x2d, ln_g.reshape(1, D), ln_b.reshape(1, D))


def _router_body(x_ref, wg_ref, bg_ref, dst_ref, gat_ref):
    l = _bdot(wg_ref[...], x_ref[...], ((0,), (1,))) + bg_ref[...]
    iota_e = lax.broadcasted_iota(I32, (E, S), 0)
    m0 = jnp.max(l, axis=0, keepdims=True)
    e0 = jnp.min(jnp.where(l == m0, iota_e, E), axis=0, keepdims=True)
    lm = jnp.where(iota_e == e0, -jnp.inf, l)
    m1 = jnp.max(lm, axis=0, keepdims=True)
    e1 = jnp.min(jnp.where(lm == m1, iota_e, E), axis=0, keepdims=True)
    u = jnp.exp(m1 - m0)
    den = 1.0 + u
    g0 = 1.0 / den
    g1 = u / den
    w = jnp.where(iota_e == e0, g0, 0.0) + jnp.where(iota_e == e1, g1, 0.0)
    wb = lax.bitcast_convert_type(w, I32)

    def bis(_, carry):
        lo, hi = carry
        mid = (lo + hi) // 2
        c = jnp.sum((wb >= mid).astype(I32), axis=1, keepdims=True)
        take = c >= CAP
        return jnp.where(take, mid, lo), jnp.where(take, hi, mid)

    lo = jnp.zeros((E, 1), I32)
    hi = jnp.full((E, 1), 0x3F800001, I32)
    lo, hi = lax.fori_loop(0, 31, bis, (lo, hi))
    thr = lo
    n_gt = jnp.sum((wb > thr).astype(I32), axis=1, keepdims=True)
    quota = (CAP - n_gt).astype(F32)
    tie = (wb == thr) & (w > 0)
    tri = (lax.broadcasted_iota(I32, (S, S), 0)
           < lax.broadcasted_iota(I32, (S, S), 1)).astype(F32)
    tiepos = jnp.dot(tie.astype(F32), tri, preferred_element_type=F32)
    keep = (wb > thr) | (tie & (tiepos < quota))
    pos = jnp.dot(keep.astype(F32), tri, preferred_element_type=F32).astype(I32)

    def slot(e_sel, g_sel):
        onehot = iota_e == e_sel
        kept = jnp.sum(jnp.where(onehot & keep, 1, 0), axis=0, keepdims=True)
        p = jnp.sum(jnp.where(onehot, pos, 0), axis=0, keepdims=True)
        dst = jnp.where(kept > 0, e_sel * CAP + p, TRASH)
        g = jnp.where((kept > 0) & (g_sel > 0), g_sel, 0.0)
        return dst, g

    dst0, gg0 = slot(e0, g0)
    dst1, gg1 = slot(e1, g1)
    z_i = jnp.zeros((1, S), I32)
    z_f = jnp.zeros((1, S), F32)
    dst_ref[...] = jnp.concatenate([dst0, dst1, z_i, z_i, z_i, z_i, z_i, z_i], axis=0)
    gat_ref[...] = jnp.transpose(
        jnp.concatenate([gg0, gg1, z_f, z_f, z_f, z_f, z_f, z_f], axis=0))


def _router(x2d, wg, bg):
    return _pcall(
        _router_body,
        grid=(1,),
        in_specs=[
            pl.BlockSpec((S, D), lambda i: (0, 0)),
            pl.BlockSpec((D, E), lambda i: (0, 0)),
            pl.BlockSpec((E, 1), lambda i: (0, 0)),
        ],
        out_specs=[
            pl.BlockSpec((8, S), lambda i: (0, 0)),
            pl.BlockSpec((S, 8), lambda i: (0, 0)),
        ],
        out_shape=[
            jax.ShapeDtypeStruct((8, S), I32),
            jax.ShapeDtypeStruct((S, 8), F32),
        ],
    )(x2d, wg, bg.reshape(E, 1))


_SC_MESH = functools.partial(plsc.VectorSubcoreMesh,
                             core_axis_name="c", subcore_axis_name="s")


def _sc_dispatch(x2d, dst_all):
    @functools.partial(
        pl.kernel,
        out_type=jax.ShapeDtypeStruct((SLOT_ROWS, D), F32),
        mesh=_SC_MESH(),
        scratch_types=[
            pltpu.VMEM((128,), I32),
            pltpu.VMEM((128, D), F32),
            pltpu.SemaphoreType.DMA,
        ],
    )
    def body(x_hbm, dst_hbm, out_hbm, idx_v, rows_v, sem):
        wid = lax.axis_index("s") * 2 + lax.axis_index("c")
        slot = wid // 16
        tok = lax.rem(wid, 16) * 128
        pltpu.sync_copy(dst_hbm.at[slot, pl.ds(tok, 128)], idx_v)
        pltpu.sync_copy(x_hbm.at[pl.ds(tok, 128)], rows_v)
        pltpu.async_copy(rows_v, out_hbm.at[idx_v], sem).wait()

    return body(x2d, dst_all)


def _sc_combine(he_all, dst_all):
    @functools.partial(
        pl.kernel,
        out_type=jax.ShapeDtypeStruct((2 * S, D), F32),
        mesh=_SC_MESH(),
        scratch_types=[
            pltpu.VMEM((128,), I32),
            pltpu.VMEM((128, D), F32),
            pltpu.SemaphoreType.DMA,
        ],
    )
    def body(he_hbm, dst_hbm, y_hbm, idx_v, rows_v, sem):
        wid = lax.axis_index("s") * 2 + lax.axis_index("c")
        slot = wid // 16
        tok = lax.rem(wid, 16) * 128
        pltpu.sync_copy(dst_hbm.at[slot, pl.ds(tok, 128)], idx_v)
        pltpu.async_copy(he_hbm.at[idx_v], rows_v, sem).wait()
        pltpu.sync_copy(rows_v, y_hbm.at[pl.ds(slot * S + tok, 128)])

    return body(he_all, dst_all)


def _ffn_body(x_ref, w1_ref, b1_ref, w2_ref, b2_ref, o_ref):
    h = _bdot(x_ref[...], w1_ref[0], ((1,), (0,))) + b1_ref[0]
    h = jnp.maximum(h, 0.0)
    o_ref[...] = _bdot(h, w2_ref[0], ((1,), (0,))) + b2_ref[0]


def _ffn(xe, w1, b1, w2, b2):
    return _pcall(
        _ffn_body,
        grid=(E,),
        in_specs=[
            pl.BlockSpec((CAP, D), lambda e: (e, 0)),
            pl.BlockSpec((1, D, DHID), lambda e: (e, 0, 0)),
            pl.BlockSpec((1, 1, DHID), lambda e: (e, 0, 0)),
            pl.BlockSpec((1, DHID, D), lambda e: (e, 0, 0)),
            pl.BlockSpec((1, 1, D), lambda e: (e, 0, 0)),
        ],
        out_specs=pl.BlockSpec((CAP, D), lambda e: (e, 0)),
        out_shape=jax.ShapeDtypeStruct((SLOT_ROWS, D), F32),
    )(xe, w1, b1.reshape(E, 1, DHID), w2, b2.reshape(E, 1, D))


def _comb_body(x_ref, y0_ref, y1_ref, g_ref, o_ref):
    g0 = g_ref[:, 0:1]
    g1 = g_ref[:, 1:2]
    c0 = jnp.where(g0 > 0, g0 * y0_ref[...], 0.0)
    c1 = jnp.where(g1 > 0, g1 * y1_ref[...], 0.0)
    o_ref[...] = x_ref[...] + c0 + c1


def _combine_add(x2d, y01, gates_t):
    rb = 256
    return _pcall(
        _comb_body,
        grid=(S // rb,),
        in_specs=[
            pl.BlockSpec((rb, D), lambda r: (r, 0)),
            pl.BlockSpec((rb, D), lambda r: (r, 0)),
            pl.BlockSpec((rb, D), lambda r: (r + S // rb, 0)),
            pl.BlockSpec((rb, 8), lambda r: (r, 0)),
        ],
        out_specs=pl.BlockSpec((rb, D), lambda r: (r, 0)),
        out_shape=jax.ShapeDtypeStruct((S, D), F32),
    )(x2d, y01, y01, gates_t)


def kernel(x, params):
    s, b, d = x.shape
    x2d = x.reshape(s * b, d)
    for p in params:
        qkv = _qkv(x2d, p["in_w"], p["in_b"])
        o = _attn(qkv)
        xl = _outln(o, p["out_w"], p["out_b"], x2d, p["ln_g"], p["ln_b"])
        dst8, gatT = _router(xl, p["wg"], p["bg"])
        xe = _sc_dispatch(xl, dst8)
        he = _ffn(xe, p["w1"], p["b1"], p["w2"], p["b2"])
        y01 = _sc_combine(he, dst8)
        x2d = _combine_add(xl, y01, gatT)
    return x2d.reshape(s, b, d)

# --- scband reference (transcript-rebuilt; emitter-appended) ---
"""Pipeline reference for scband-mo-etransformer-77146202570855 (READ-ONLY COPY).

The authoritative reference and input builder live on the scoring server;
editing this copy changes nothing except your own understanding.
"""

import jax, jax.numpy as jnp
import numpy as np

NUM_HEADS = 12
D_MODEL = 768
D_HIDDEN = 2048
NUM_LAYERS = 2
NUM_EXPERTS = 64
TOP_K = 2
SEQ = 2048
BATCH = 1
CAPACITY = (SEQ * BATCH * TOP_K * 2) // NUM_EXPERTS  # capacity factor 2 -> 128


def _init_layer(key):
    ks = jax.random.split(key, 6)
    s = 0.02
    return {
        "in_w": jax.random.normal(ks[0], (3 * D_MODEL, D_MODEL), jnp.float32) * s,
        "in_b": jnp.zeros((3 * D_MODEL,), jnp.float32),
        "out_w": jax.random.normal(ks[1], (D_MODEL, D_MODEL), jnp.float32) * s,
        "out_b": jnp.zeros((D_MODEL,), jnp.float32),
        "ln_g": jnp.ones((D_MODEL,), jnp.float32),
        "ln_b": jnp.zeros((D_MODEL,), jnp.float32),
        "wg": jax.random.normal(ks[2], (D_MODEL, NUM_EXPERTS), jnp.float32) * s,
        "bg": jnp.zeros((NUM_EXPERTS,), jnp.float32),
        "w1": jax.random.normal(ks[3], (NUM_EXPERTS, D_MODEL, D_HIDDEN), jnp.float32) * s,
        "b1": jnp.zeros((NUM_EXPERTS, D_HIDDEN), jnp.float32),
        "w2": jax.random.normal(ks[4], (NUM_EXPERTS, D_HIDDEN, D_MODEL), jnp.float32) * s,
        "b2": jnp.zeros((NUM_EXPERTS, D_MODEL), jnp.float32),
    }


def setup_inputs(seed: int = 0) -> dict:
    key = jax.random.key(seed)
    kx, kp = jax.random.split(key)
    x = jax.random.normal(kx, (SEQ, BATCH, D_MODEL), jnp.float32)
    params = [_init_layer(jax.random.fold_in(kp, i)) for i in range(NUM_LAYERS)]
    return {"x": x, "params": params}


def _layer_norm(x, g, b):
    m = x.mean(-1, keepdims=True)
    v = ((x - m) ** 2).mean(-1, keepdims=True)
    return (x - m) / jnp.sqrt(v + 1e-5) * g + b


def _mha(x, p):
    S, B, D = x.shape
    dh = D // NUM_HEADS
    qkv = x @ p["in_w"].T + p["in_b"]
    q, k, v = jnp.split(qkv, 3, axis=-1)

    def rs(t):
        return t.reshape(S, B, NUM_HEADS, dh).transpose(1, 2, 0, 3)

    q, k, v = rs(q), rs(k), rs(v)
    att = jax.nn.softmax((q @ k.transpose(0, 1, 3, 2)) / jnp.sqrt(jnp.float32(dh)), axis=-1)
    o = (att @ v).transpose(2, 0, 1, 3).reshape(S, B, D)
    return o @ p["out_w"].T + p["out_b"]


def _moe(x2d, p):
    # top-k softmax-gated mixture of expert FFNs with capacity-based dispatch
    logits = x2d @ p["wg"] + p["bg"]
    topv, topi = jax.lax.top_k(logits, TOP_K)
    gates = jax.nn.softmax(topv, axis=-1)  # [N, k]
    y = jnp.zeros_like(x2d)
    for e in range(NUM_EXPERTS):
        w = jnp.sum(gates * (topi == e), axis=-1)  # [N], 0 for unassigned tokens
        sel = jnp.argsort(-w)[:CAPACITY]  # assigned tokens first (static shape)
        xe = x2d[sel]  # gather [C, D]
        he = jax.nn.relu(xe @ p["w1"][e] + p["b1"][e]) @ p["w2"][e] + p["b2"][e]
        y = y.at[sel].add(w[sel][:, None] * he)  # scatter-add combine
    return y


def reference(x, params):
    for p in params:
        # AttentionLayer: self-attention + residual + LayerNorm (no padding mask)
        x = _layer_norm(x + _mha(x, p), p["ln_g"], p["ln_b"])
        # MoE FFN with residual
        S, B, D = x.shape
        y = _moe(x.reshape(S * B, D), p).reshape(S, B, D)
        x = x + y
    return x

if __name__ == "__main__":
    import jax
    _d = setup_inputs()
    print(jax.jit(kernel)(*tuple(_d.values())))

</pallas_src>

<mosaic_0001>
#map = affine_map<(d0, d1) -> (0, 0)>
module attributes {stable_mosaic.version = 14 : i64} {
  func.func @body(%arg0: i32, %arg1: i32, %arg2: memref<2048x768xf32, #tpu.memory_space<hbm>>, %arg3: memref<8x2048xi32, #tpu.memory_space<hbm>>, %arg4: memref<8200x768xf32, #tpu.memory_space<hbm>>, %arg5: memref<128xi32, #tpu.memory_space<vmem>>, %arg6: memref<128x768xf32, #tpu.memory_space<vmem>>, %arg7: memref<!tpu.dma_semaphore, #tpu.memory_space<semaphore_mem>>) attributes {dimension_semantics = [#tpu.dimension_semantics<core_parallel>, #tpu.dimension_semantics<subcore_parallel>], iteration_bounds = array<i64: 2, 16>, scalar_prefetch = 0 : i64, scratch_operands = 3 : i64, tpu.core_type = #tpu.core_type<sc_vector_subcore>, window_params = [{transform_indices = #map}, {transform_indices = #map}, {transform_indices = #map}]} {
    %mul3A = arith.constant 2 : i32
    %mul3A_0 = arith.muli %arg1, %mul3A : i32
    %add3A = arith.addi %mul3A_0, %arg0 : i32
    %jit3A = arith.constant 16 : i32
    %div3A = arith.divsi %add3A, %jit3A : i32
    %sign3A = arith.constant 0 : i32
    %sign3A_1 = arith.cmpi sgt, %add3A, %sign3A : i32
    %sign3A_2 = arith.extui %sign3A_1 : i1 to i32
    %sign3A_3 = arith.constant 0 : i32
    %sign3A_4 = arith.cmpi slt, %add3A, %sign3A_3 : i32
    %sign3A_5 = arith.extui %sign3A_4 : i1 to i32
    %sign3A_6 = arith.subi %sign3A_2, %sign3A_5 : i32
    %sign3A_7 = arith.constant 0 : i32
    %sign3A_8 = arith.cmpi sgt, %jit3A, %sign3A_7 : i32
    %sign3A_9 = arith.extui %sign3A_8 : i1 to i32
    %sign3A_10 = arith.constant 0 : i32
    %sign3A_11 = arith.cmpi slt, %jit3A, %sign3A_10 : i32
    %sign3A_12 = arith.extui %sign3A_11 : i1 to i32
    %sign3A_13 = arith.subi %sign3A_9, %sign3A_12 : i32
    %ne3A = arith.cmpi ne, %sign3A_6, %sign3A_13 : i32
    %rem3A = arith.remsi %add3A, %jit3A : i32
    %ne3A_14 = arith.constant 0 : i32
    %ne3A_15 = arith.cmpi ne, %rem3A, %ne3A_14 : i32
    %and3A = arith.andi %ne3A, %ne3A_15 : i1
    %sub3A = arith.constant 1 : i32
    %sub3A_16 = arith.subi %div3A, %sub3A : i32
    %select_n3A = arith.select %and3A, %sub3A_16, %div3A : i32
    %rem3A_17 = arith.constant 16 : i32
    %rem3A_18 = arith.remsi %add3A, %rem3A_17 : i32
    %mul3A_19 = arith.constant 128 : i32
    %mul3A_20 = arith.muli %rem3A_18, %mul3A_19 : i32
    "tpu.region"() ({
      %run_scoped3A = tpu.sem_alloc : memref<!tpu.dma_semaphore, #tpu.memory_space<semaphore_mem>>
      %dma_start3A_25 = tpu.memref_slice %arg3[%select_n3A, %mul3A_20] : memref<8x2048xi32, #tpu.memory_space<hbm>> -> memref<1x128xi32, #tpu.memory_space<hbm>>
      %dma_start3A_26 = tpu.memref_squeeze %dma_start3A_25 : memref<1x128xi32, #tpu.memory_space<hbm>> -> memref<128xi32, #tpu.memory_space<hbm>>
      %dma_start3A_27 = tpu.memref_slice %arg3[%select_n3A, %mul3A_20] : memref<8x2048xi32, #tpu.memory_space<hbm>> -> memref<1x128xi32, #tpu.memory_space<hbm>>
      %dma_start3A_28 = tpu.memref_squeeze %dma_start3A_27 : memref<1x128xi32, #tpu.memory_space<hbm>> -> memref<128xi32, #tpu.memory_space<hbm>>
      tpu.enqueue_dma source(%dma_start3A_28 : memref<128xi32, #tpu.memory_space<hbm>>) target(%arg5 : memref<128xi32, #tpu.memory_space<vmem>>) target_semaphore(%run_scoped3A : memref<!tpu.dma_semaphore, #tpu.memory_space<semaphore_mem>>)
      %dma_wait3A_29 = tpu.memref_slice %arg3[%select_n3A, %mul3A_20] : memref<8x2048xi32, #tpu.memory_space<hbm>> -> memref<1x128xi32, #tpu.memory_space<hbm>>
      %dma_wait3A_30 = tpu.memref_squeeze %dma_wait3A_29 : memref<1x128xi32, #tpu.memory_space<hbm>> -> memref<128xi32, #tpu.memory_space<hbm>>
      %dma_wait3A_31 = tpu.memref_slice %arg3[%select_n3A, %mul3A_20] : memref<8x2048xi32, #tpu.memory_space<hbm>> -> memref<1x128xi32, #tpu.memory_space<hbm>>
      %dma_wait3A_32 = tpu.memref_squeeze %dma_wait3A_31 : memref<1x128xi32, #tpu.memory_space<hbm>> -> memref<128xi32, #tpu.memory_space<hbm>>
      tpu.wait_dma2 semaphore(%run_scoped3A : memref<!tpu.dma_semaphore, #tpu.memory_space<semaphore_mem>>) src(%dma_wait3A_32 : memref<128xi32, #tpu.memory_space<hbm>>) dst(%arg5 : memref<128xi32, #tpu.memory_space<vmem>>)
      tpu.yield
    }) : () -> ()
    "tpu.region"() ({
      %run_scoped3A = tpu.sem_alloc : memref<!tpu.dma_semaphore, #tpu.memory_space<semaphore_mem>>
      %dma_start3A_25 = arith.constant 0 : i32
      %dma_start3A_26 = tpu.memref_slice %arg2[%mul3A_20, %dma_start3A_25] : memref<2048x768xf32, #tpu.memory_space<hbm>> -> memref<128x768xf32, #tpu.memory_space<hbm>>
      %dma_start3A_27 = arith.constant 0 : i32
      %dma_start3A_28 = tpu.memref_slice %arg2[%mul3A_20, %dma_start3A_27] : memref<2048x768xf32, #tpu.memory_space<hbm>> -> memref<128x768xf32, #tpu.memory_space<hbm>>
      tpu.enqueue_dma source(%dma_start3A_28 : memref<128x768xf32, #tpu.memory_space<hbm>>) target(%arg6 : memref<128x768xf32, #tpu.memory_space<vmem>>) target_semaphore(%run_scoped3A : memref<!tpu.dma_semaphore, #tpu.memory_space<semaphore_mem>>)
      %dma_wait3A_29 = arith.constant 0 : i32
      %dma_wait3A_30 = tpu.memref_slice %arg2[%mul3A_20, %dma_wait3A_29] : memref<2048x768xf32, #tpu.memory_space<hbm>> -> memref<128x768xf32, #tpu.memory_space<hbm>>
      %dma_wait3A_31 = arith.constant 0 : i32
      %dma_wait3A_32 = tpu.memref_slice %arg2[%mul3A_20, %dma_wait3A_31] : memref<2048x768xf32, #tpu.memory_space<hbm>> -> memref<128x768xf32, #tpu.memory_space<hbm>>
      tpu.wait_dma2 semaphore(%run_scoped3A : memref<!tpu.dma_semaphore, #tpu.memory_space<semaphore_mem>>) src(%dma_wait3A_32 : memref<128x768xf32, #tpu.memory_space<hbm>>) dst(%arg6 : memref<128x768xf32, #tpu.memory_space<vmem>>)
      tpu.yield
    }) : () -> ()
    %dma_start3A = arith.constant 0 : i32
    %dma_start3A_21 = arith.constant 0 : i32
    %dma_start3A_22 = tpu.memref_slice %arg4[%dma_start3A, %dma_start3A_21] : memref<8200x768xf32, #tpu.memory_space<hbm>> -> memref<8200x768xf32, #tpu.memory_space<hbm>>
    tpu.enqueue_indirect_dma source(%arg6 : memref<128x768xf32, #tpu.memory_space<vmem>>) target(%dma_start3A_22 : memref<8200x768xf32, #tpu.memory_space<hbm>>) offsets(%arg5 : memref<128xi32, #tpu.memory_space<vmem>>) semaphore(%arg7 : memref<!tpu.dma_semaphore, #tpu.memory_space<semaphore_mem>>)
    %dma_wait3A = arith.constant 0 : i32
    %dma_wait3A_23 = arith.constant 0 : i32
    %dma_wait3A_24 = tpu.memref_slice %arg4[%dma_wait3A, %dma_wait3A_23] : memref<8200x768xf32, #tpu.memory_space<hbm>> -> memref<8200x768xf32, #tpu.memory_space<hbm>>
    tpu.wait_indirect_dma semaphore(%arg7 : memref<!tpu.dma_semaphore, #tpu.memory_space<semaphore_mem>>) src(%arg6 : memref<128x768xf32, #tpu.memory_space<vmem>>) dst(%dma_wait3A_24 : memref<8200x768xf32, #tpu.memory_space<hbm>>)
    return
  }
}

#map = affine_map<(d0, d1) -> (0, 0)>
module attributes {stable_mosaic.version = 14 : i64} {
  func.func @body(%arg0: i32, %arg1: i32, %arg2: memref<8200x768xf32, #tpu.memory_space<hbm>>, %arg3: memref<8x2048xi32, #tpu.memory_space<hbm>>, %arg4: memref<4096x768xf32, #tpu.memory_space<hbm>>, %arg5: memref<128xi32, #tpu.memory_space<vmem>>, %arg6: memref<128x768xf32, #tpu.memory_space<vmem>>, %arg7: memref<!tpu.dma_semaphore, #tpu.memory_space<semaphore_mem>>) attributes {dimension_semantics = [#tpu.dimension_semantics<core_parallel>, #tpu.dimension_semantics<subcore_parallel>], iteration_bounds = array<i64: 2, 16>, scalar_prefetch = 0 : i64, scratch_operands = 3 : i64, tpu.core_type = #tpu.core_type<sc_vector_subcore>, window_params = [{transform_indices = #map}, {transform_indices = #map}, {transform_indices = #map}]} {
    %mul3A = arith.constant 2 : i32
    %mul3A_0 = arith.muli %arg1, %mul3A : i32
    %add3A = arith.addi %mul3A_0, %arg0 : i32
    %jit3A = arith.constant 16 : i32
    %div3A = arith.divsi %add3A, %jit3A : i32
    %sign3A = arith.constant 0 : i32
    %sign3A_1 = arith.cmpi sgt, %add3A, %sign3A : i32
    %sign3A_2 = arith.extui %sign3A_1 : i1 to i32
    %sign3A_3 = arith.constant 0 : i32
    %sign3A_4 = arith.cmpi slt, %add3A, %sign3A_3 : i32
    %sign3A_5 = arith.extui %sign3A_4 : i1 to i32
    %sign3A_6 = arith.subi %sign3A_2, %sign3A_5 : i32
    %sign3A_7 = arith.constant 0 : i32
    %sign3A_8 = arith.cmpi sgt, %jit3A, %sign3A_7 : i32
    %sign3A_9 = arith.extui %sign3A_8 : i1 to i32
    %sign3A_10 = arith.constant 0 : i32
    %sign3A_11 = arith.cmpi slt, %jit3A, %sign3A_10 : i32
    %sign3A_12 = arith.extui %sign3A_11 : i1 to i32
    %sign3A_13 = arith.subi %sign3A_9, %sign3A_12 : i32
    %ne3A = arith.cmpi ne, %sign3A_6, %sign3A_13 : i32
    %rem3A = arith.remsi %add3A, %jit3A : i32
    %ne3A_14 = arith.constant 0 : i32
    %ne3A_15 = arith.cmpi ne, %rem3A, %ne3A_14 : i32
    %and3A = arith.andi %ne3A, %ne3A_15 : i1
    %sub3A = arith.constant 1 : i32
    %sub3A_16 = arith.subi %div3A, %sub3A : i32
    %select_n3A = arith.select %and3A, %sub3A_16, %div3A : i32
    %rem3A_17 = arith.constant 16 : i32
    %rem3A_18 = arith.remsi %add3A, %rem3A_17 : i32
    %mul3A_19 = arith.constant 128 : i32
    %mul3A_20 = arith.muli %rem3A_18, %mul3A_19 : i32
    "tpu.region"() ({
      %run_scoped3A = tpu.sem_alloc : memref<!tpu.dma_semaphore, #tpu.memory_space<semaphore_mem>>
      %dma_start3A_28 = tpu.memref_slice %arg3[%select_n3A, %mul3A_20] : memref<8x2048xi32, #tpu.memory_space<hbm>> -> memref<1x128xi32, #tpu.memory_space<hbm>>
      %dma_start3A_29 = tpu.memref_squeeze %dma_start3A_28 : memref<1x128xi32, #tpu.memory_space<hbm>> -> memref<128xi32, #tpu.memory_space<hbm>>
      %dma_start3A_30 = tpu.memref_slice %arg3[%select_n3A, %mul3A_20] : memref<8x2048xi32, #tpu.memory_space<hbm>> -> memref<1x128xi32, #tpu.memory_space<hbm>>
      %dma_start3A_31 = tpu.memref_squeeze %dma_start3A_30 : memref<1x128xi32, #tpu.memory_space<hbm>> -> memref<128xi32, #tpu.memory_space<hbm>>
      tpu.enqueue_dma source(%dma_start3A_31 : memref<128xi32, #tpu.memory_space<hbm>>) target(%arg5 : memref<128xi32, #tpu.memory_space<vmem>>) target_semaphore(%run_scoped3A : memref<!tpu.dma_semaphore, #tpu.memory_space<semaphore_mem>>)
      %dma_wait3A_32 = tpu.memref_slice %arg3[%select_n3A, %mul3A_20] : memref<8x2048xi32, #tpu.memory_space<hbm>> -> memref<1x128xi32, #tpu.memory_space<hbm>>
      %dma_wait3A_33 = tpu.memref_squeeze %dma_wait3A_32 : memref<1x128xi32, #tpu.memory_space<hbm>> -> memref<128xi32, #tpu.memory_space<hbm>>
      %dma_wait3A_34 = tpu.memref_slice %arg3[%select_n3A, %mul3A_20] : memref<8x2048xi32, #tpu.memory_space<hbm>> -> memref<1x128xi32, #tpu.memory_space<hbm>>
      %dma_wait3A_35 = tpu.memref_squeeze %dma_wait3A_34 : memref<1x128xi32, #tpu.memory_space<hbm>> -> memref<128xi32, #tpu.memory_space<hbm>>
      tpu.wait_dma2 semaphore(%run_scoped3A : memref<!tpu.dma_semaphore, #tpu.memory_space<semaphore_mem>>) src(%dma_wait3A_35 : memref<128xi32, #tpu.memory_space<hbm>>) dst(%arg5 : memref<128xi32, #tpu.memory_space<vmem>>)
      tpu.yield
    }) : () -> ()
    %dma_start3A = arith.constant 0 : i32
    %dma_start3A_21 = arith.constant 0 : i32
    %dma_start3A_22 = tpu.memref_slice %arg2[%dma_start3A, %dma_start3A_21] : memref<8200x768xf32, #tpu.memory_space<hbm>> -> memref<8200x768xf32, #tpu.memory_space<hbm>>
    tpu.enqueue_indirect_dma source(%dma_start3A_22 : memref<8200x768xf32, #tpu.memory_space<hbm>>) target(%arg6 : memref<128x768xf32, #tpu.memory_space<vmem>>) offsets(%arg5 : memref<128xi32, #tpu.memory_space<vmem>>) semaphore(%arg7 : memref<!tpu.dma_semaphore, #tpu.memory_space<semaphore_mem>>)
    %dma_wait3A = arith.constant 0 : i32
    %dma_wait3A_23 = arith.constant 0 : i32
    %dma_wait3A_24 = tpu.memref_slice %arg2[%dma_wait3A, %dma_wait3A_23] : memref<8200x768xf32, #tpu.memory_space<hbm>> -> memref<8200x768xf32, #tpu.memory_space<hbm>>
    tpu.wait_indirect_dma semaphore(%arg7 : memref<!tpu.dma_semaphore, #tpu.memory_space<semaphore_mem>>) src(%dma_wait3A_24 : memref<8200x768xf32, #tpu.memory_space<hbm>>) dst(%arg6 : memref<128x768xf32, #tpu.memory_space<vmem>>)
    %mul3A_25 = arith.constant 2048 : i32
    %mul3A_26 = arith.muli %select_n3A, %mul3A_25 : i32
    %add3A_27 = arith.addi %mul3A_26, %mul3A_20 : i32
    "tpu.region"() ({
      %run_scoped3A = tpu.sem_alloc : memref<!tpu.dma_semaphore, #tpu.memory_space<semaphore_mem>>
      %dma_start3A_28 = arith.constant 0 : i32
      %dma_start3A_29 = tpu.memref_slice %arg4[%add3A_27, %dma_start3A_28] : memref<4096x768xf32, #tpu.memory_space<hbm>> -> memref<128x768xf32, #tpu.memory_space<hbm>>
      %dma_start3A_30 = arith.constant 0 : i32
      %dma_start3A_31 = tpu.memref_slice %arg4[%add3A_27, %dma_start3A_30] : memref<4096x768xf32, #tpu.memory_space<hbm>> -> memref<128x768xf32, #tpu.memory_space<hbm>>
      tpu.enqueue_dma source(%arg6 : memref<128x768xf32, #tpu.memory_space<vmem>>) target(%dma_start3A_31 : memref<128x768xf32, #tpu.memory_space<hbm>>) target_semaphore(%run_scoped3A : memref<!tpu.dma_semaphore, #tpu.memory_space<semaphore_mem>>)
      %dma_wait3A_32 = arith.constant 0 : i32
      %dma_wait3A_33 = tpu.memref_slice %arg4[%add3A_27, %dma_wait3A_32] : memref<4096x768xf32, #tpu.memory_space<hbm>> -> memref<128x768xf32, #tpu.memory_space<hbm>>
      %dma_wait3A_34 = arith.constant 0 : i32
      %dma_wait3A_35 = tpu.memref_slice %arg4[%add3A_27, %dma_wait3A_34] : memref<4096x768xf32, #tpu.memory_space<hbm>> -> memref<128x768xf32, #tpu.memory_space<hbm>>
      tpu.wait_dma2 semaphore(%run_scoped3A : memref<!tpu.dma_semaphore, #tpu.memory_space<semaphore_mem>>) src(%arg6 : memref<128x768xf32, #tpu.memory_space<vmem>>) dst(%dma_wait3A_35 : memref<128x768xf32, #tpu.memory_space<hbm>>)
      tpu.yield
    }) : () -> ()
    return
  }
}

#map = affine_map<(d0, d1) -> (0, 0)>
module attributes {stable_mosaic.version = 14 : i64} {
  func.func @body(%arg0: i32, %arg1: i32, %arg2: memref<8200x768xf32, #tpu.memory_space<hbm>>, %arg3: memref<8x2048xi32, #tpu.memory_space<hbm>>, %arg4: memref<4096x768xf32, #tpu.memory_space<hbm>>, %arg5: memref<128xi32, #tpu.memory_space<vmem>>, %arg6: memref<128x768xf32, #tpu.memory_space<vmem>>, %arg7: memref<!tpu.dma_semaphore, #tpu.memory_space<semaphore_mem>>) attributes {dimension_semantics = [#tpu.dimension_semantics<core_parallel>, #tpu.dimension_semantics<subcore_parallel>], iteration_bounds = array<i64: 2, 16>, scalar_prefetch = 0 : i64, scratch_operands = 3 : i64, tpu.core_type = #tpu.core_type<sc_vector_subcore>, window_params = [{transform_indices = #map}, {transform_indices = #map}, {transform_indices = #map}]} {
    %mul3A = arith.constant 2 : i32
    %mul3A_0 = arith.muli %arg1, %mul3A : i32
    %add3A = arith.addi %mul3A_0, %arg0 : i32
    %jit3A = arith.constant 16 : i32
    %div3A = arith.divsi %add3A, %jit3A : i32
    %sign3A = arith.constant 0 : i32
    %sign3A_1 = arith.cmpi sgt, %add3A, %sign3A : i32
    %sign3A_2 = arith.extui %sign3A_1 : i1 to i32
    %sign3A_3 = arith.constant 0 : i32
    %sign3A_4 = arith.cmpi slt, %add3A, %sign3A_3 : i32
    %sign3A_5 = arith.extui %sign3A_4 : i1 to i32
    %sign3A_6 = arith.subi %sign3A_2, %sign3A_5 : i32
    %sign3A_7 = arith.constant 0 : i32
    %sign3A_8 = arith.cmpi sgt, %jit3A, %sign3A_7 : i32
    %sign3A_9 = arith.extui %sign3A_8 : i1 to i32
    %sign3A_10 = arith.constant 0 : i32
    %sign3A_11 = arith.cmpi slt, %jit3A, %sign3A_10 : i32
    %sign3A_12 = arith.extui %sign3A_11 : i1 to i32
    %sign3A_13 = arith.subi %sign3A_9, %sign3A_12 : i32
    %ne3A = arith.cmpi ne, %sign3A_6, %sign3A_13 : i32
    %rem3A = arith.remsi %add3A, %jit3A : i32
    %ne3A_14 = arith.constant 0 : i32
    %ne3A_15 = arith.cmpi ne, %rem3A, %ne3A_14 : i32
    %and3A = arith.andi %ne3A, %ne3A_15 : i1
    %sub3A = arith.constant 1 : i32
    %sub3A_16 = arith.subi %div3A, %sub3A : i32
    %select_n3A = arith.select %and3A, %sub3A_16, %div3A : i32
    %rem3A_17 = arith.constant 16 : i32
    %rem3A_18 = arith.remsi %add3A, %rem3A_17 : i32
    %mul3A_19 = arith.constant 128 : i32
    %mul3A_20 = arith.muli %rem3A_18, %mul3A_19 : i32
    "tpu.region"() ({
      %run_scoped3A = tpu.sem_alloc : memref<!tpu.dma_semaphore, #tpu.memory_space<semaphore_mem>>
      %dma_start3A_28 = tpu.memref_slice %arg3[%select_n3A, %mul3A_20] : memref<8x2048xi32, #tpu.memory_space<hbm>> -> memref<1x128xi32, #tpu.memory_space<hbm>>
      %dma_start3A_29 = tpu.memref_squeeze %dma_start3A_28 : memref<1x128xi32, #tpu.memory_space<hbm>> -> memref<128xi32, #tpu.memory_space<hbm>>
      %dma_start3A_30 = tpu.memref_slice %arg3[%select_n3A, %mul3A_20] : memref<8x2048xi32, #tpu.memory_space<hbm>> -> memref<1x128xi32, #tpu.memory_space<hbm>>
      %dma_start3A_31 = tpu.memref_squeeze %dma_start3A_30 : memref<1x128xi32, #tpu.memory_space<hbm>> -> memref<128xi32, #tpu.memory_space<hbm>>
      tpu.enqueue_dma source(%dma_start3A_31 : memref<128xi32, #tpu.memory_space<hbm>>) target(%arg5 : memref<128xi32, #tpu.memory_space<vmem>>) target_semaphore(%run_scoped3A : memref<!tpu.dma_semaphore, #tpu.memory_space<semaphore_mem>>)
      %dma_wait3A_32 = tpu.memref_slice %arg3[%select_n3A, %mul3A_20] : memref<8x2048xi32, #tpu.memory_space<hbm>> -> memref<1x128xi32, #tpu.memory_space<hbm>>
      %dma_wait3A_33 = tpu.memref_squeeze %dma_wait3A_32 : memref<1x128xi32, #tpu.memory_space<hbm>> -> memref<128xi32, #tpu.memory_space<hbm>>
      %dma_wait3A_34 = tpu.memref_slice %arg3[%select_n3A, %mul3A_20] : memref<8x2048xi32, #tpu.memory_space<hbm>> -> memref<1x128xi32, #tpu.memory_space<hbm>>
      %dma_wait3A_35 = tpu.memref_squeeze %dma_wait3A_34 : memref<1x128xi32, #tpu.memory_space<hbm>> -> memref<128xi32, #tpu.memory_space<hbm>>
      tpu.wait_dma2 semaphore(%run_scoped3A : memref<!tpu.dma_semaphore, #tpu.memory_space<semaphore_mem>>) src(%dma_wait3A_35 : memref<128xi32, #tpu.memory_space<hbm>>) dst(%arg5 : memref<128xi32, #tpu.memory_space<vmem>>)
      tpu.yield
    }) : () -> ()
    %dma_start3A = arith.constant 0 : i32
    %dma_start3A_21 = arith.constant 0 : i32
    %dma_start3A_22 = tpu.memref_slice %arg2[%dma_start3A, %dma_start3A_21] : memref<8200x768xf32, #tpu.memory_space<hbm>> -> memref<8200x768xf32, #tpu.memory_space<hbm>>
    tpu.enqueue_indirect_dma source(%dma_start3A_22 : memref<8200x768xf32, #tpu.memory_space<hbm>>) target(%arg6 : memref<128x768xf32, #tpu.memory_space<vmem>>) offsets(%arg5 : memref<128xi32, #tpu.memory_space<vmem>>) semaphore(%arg7 : memref<!tpu.dma_semaphore, #tpu.memory_space<semaphore_mem>>)
    %dma_wait3A = arith.constant 0 : i32
    %dma_wait3A_23 = arith.constant 0 : i32
    %dma_wait3A_24 = tpu.memref_slice %arg2[%dma_wait3A, %dma_wait3A_23] : memref<8200x768xf32, #tpu.memory_space<hbm>> -> memref<8200x768xf32, #tpu.memory_space<hbm>>
    tpu.wait_indirect_dma semaphore(%arg7 : memref<!tpu.dma_semaphore, #tpu.memory_space<semaphore_mem>>) src(%dma_wait3A_24 : memref<8200x768xf32, #tpu.memory_space<hbm>>) dst(%arg6 : memref<128x768xf32, #tpu.memory_space<vmem>>)
    %mul3A_25 = arith.constant 2048 : i32
    %mul3A_26 = arith.muli %select_n3A, %mul3A_25 : i32
    %add3A_27 = arith.addi %mul3A_26, %mul3A_20 : i32
    "tpu.region"() ({
      %run_scoped3A = tpu.sem_alloc : memref<!tpu.dma_semaphore, #tpu.memory_space<semaphore_mem>>
      %dma_start3A_28 = arith.constant 0 : i32
      %dma_start3A_29 = tpu.memref_slice %arg4[%add3A_27, %dma_start3A_28] : memref<4096x768xf32, #tpu.memory_space<hbm>> -> memref<128x768xf32, #tpu.memory_space<hbm>>
      %dma_start3A_30 = arith.constant 0 : i32
      %dma_start3A_31 = tpu.memref_slice %arg4[%add3A_27, %dma_start3A_30] : memref<4096x768xf32, #tpu.memory_space<hbm>> -> memref<128x768xf32, #tpu.memory_space<hbm>>
      tpu.enqueue_dma source(%arg6 : memref<128x768xf32, #tpu.memory_space<vmem>>) target(%dma_start3A_31 : memref<128x768xf32, #tpu.memory_space<hbm>>) target_semaphore(%run_scoped3A : memref<!tpu.dma_semaphore, #tpu.memory_space<semaphore_mem>>)
      %dma_wait3A_32 = arith.constant 0 : i32
      %dma_wait3A_33 = tpu.memref_slice %arg4[%add3A_27, %dma_wait3A_32] : memref<4096x768xf32, #tpu.memory_space<hbm>> -> memref<128x768xf32, #tpu.memory_space<hbm>>
      %dma_wait3A_34 = arith.constant 0 : i32
      %dma_wait3A_35 = tpu.memref_slice %arg4[%add3A_27, %dma_wait3A_34] : memref<4096x768xf32, #tpu.memory_space<hbm>> -> memref<128x768xf32, #tpu.memory_space<hbm>>
      tpu.wait_dma2 semaphore(%run_scoped3A : memref<!tpu.dma_semaphore, #tpu.memory_space<semaphore_mem>>) src(%arg6 : memref<128x768xf32, #tpu.memory_space<vmem>>) dst(%dma_wait3A_35 : memref<128x768xf32, #tpu.memory_space<hbm>>)
      tpu.yield
    }) : () -> ()
    return
  }
}

#map = affine_map<(d0, d1) -> (0, 0)>
module attributes {stable_mosaic.version = 14 : i64} {
  func.func @body(%arg0: i32, %arg1: i32, %arg2: memref<2048x768xf32, #tpu.memory_space<hbm>>, %arg3: memref<8x2048xi32, #tpu.memory_space<hbm>>, %arg4: memref<8200x768xf32, #tpu.memory_space<hbm>>, %arg5: memref<128xi32, #tpu.memory_space<vmem>>, %arg6: memref<128x768xf32, #tpu.memory_space<vmem>>, %arg7: memref<!tpu.dma_semaphore, #tpu.memory_space<semaphore_mem>>) attributes {dimension_semantics = [#tpu.dimension_semantics<core_parallel>, #tpu.dimension_semantics<subcore_parallel>], iteration_bounds = array<i64: 2, 16>, scalar_prefetch = 0 : i64, scratch_operands = 3 : i64, tpu.core_type = #tpu.core_type<sc_vector_subcore>, window_params = [{transform_indices = #map}, {transform_indices = #map}, {transform_indices = #map}]} {
    %mul3A = arith.constant 2 : i32
    %mul3A_0 = arith.muli %arg1, %mul3A : i32
    %add3A = arith.addi %mul3A_0, %arg0 : i32
    %jit3A = arith.constant 16 : i32
    %div3A = arith.divsi %add3A, %jit3A : i32
    %sign3A = arith.constant 0 : i32
    %sign3A_1 = arith.cmpi sgt, %add3A, %sign3A : i32
    %sign3A_2 = arith.extui %sign3A_1 : i1 to i32
    %sign3A_3 = arith.constant 0 : i32
    %sign3A_4 = arith.cmpi slt, %add3A, %sign3A_3 : i32
    %sign3A_5 = arith.extui %sign3A_4 : i1 to i32
    %sign3A_6 = arith.subi %sign3A_2, %sign3A_5 : i32
    %sign3A_7 = arith.constant 0 : i32
    %sign3A_8 = arith.cmpi sgt, %jit3A, %sign3A_7 : i32
    %sign3A_9 = arith.extui %sign3A_8 : i1 to i32
    %sign3A_10 = arith.constant 0 : i32
    %sign3A_11 = arith.cmpi slt, %jit3A, %sign3A_10 : i32
    %sign3A_12 = arith.extui %sign3A_11 : i1 to i32
    %sign3A_13 = arith.subi %sign3A_9, %sign3A_12 : i32
    %ne3A = arith.cmpi ne, %sign3A_6, %sign3A_13 : i32
    %rem3A = arith.remsi %add3A, %jit3A : i32
    %ne3A_14 = arith.constant 0 : i32
    %ne3A_15 = arith.cmpi ne, %rem3A, %ne3A_14 : i32
    %and3A = arith.andi %ne3A, %ne3A_15 : i1
    %sub3A = arith.constant 1 : i32
    %sub3A_16 = arith.subi %div3A, %sub3A : i32
    %select_n3A = arith.select %and3A, %sub3A_16, %div3A : i32
    %rem3A_17 = arith.constant 16 : i32
    %rem3A_18 = arith.remsi %add3A, %rem3A_17 : i32
    %mul3A_19 = arith.constant 128 : i32
    %mul3A_20 = arith.muli %rem3A_18, %mul3A_19 : i32
    "tpu.region"() ({
      %run_scoped3A = tpu.sem_alloc : memref<!tpu.dma_semaphore, #tpu.memory_space<semaphore_mem>>
      %dma_start3A_25 = tpu.memref_slice %arg3[%select_n3A, %mul3A_20] : memref<8x2048xi32, #tpu.memory_space<hbm>> -> memref<1x128xi32, #tpu.memory_space<hbm>>
      %dma_start3A_26 = tpu.memref_squeeze %dma_start3A_25 : memref<1x128xi32, #tpu.memory_space<hbm>> -> memref<128xi32, #tpu.memory_space<hbm>>
      %dma_start3A_27 = tpu.memref_slice %arg3[%select_n3A, %mul3A_20] : memref<8x2048xi32, #tpu.memory_space<hbm>> -> memref<1x128xi32, #tpu.memory_space<hbm>>
      %dma_start3A_28 = tpu.memref_squeeze %dma_start3A_27 : memref<1x128xi32, #tpu.memory_space<hbm>> -> memref<128xi32, #tpu.memory_space<hbm>>
      tpu.enqueue_dma source(%dma_start3A_28 : memref<128xi32, #tpu.memory_space<hbm>>) target(%arg5 : memref<128xi32, #tpu.memory_space<vmem>>) target_semaphore(%run_scoped3A : memref<!tpu.dma_semaphore, #tpu.memory_space<semaphore_mem>>)
      %dma_wait3A_29 = tpu.memref_slice %arg3[%select_n3A, %mul3A_20] : memref<8x2048xi32, #tpu.memory_space<hbm>> -> memref<1x128xi32, #tpu.memory_space<hbm>>
      %dma_wait3A_30 = tpu.memref_squeeze %dma_wait3A_29 : memref<1x128xi32, #tpu.memory_space<hbm>> -> memref<128xi32, #tpu.memory_space<hbm>>
      %dma_wait3A_31 = tpu.memref_slice %arg3[%select_n3A, %mul3A_20] : memref<8x2048xi32, #tpu.memory_space<hbm>> -> memref<1x128xi32, #tpu.memory_space<hbm>>
      %dma_wait3A_32 = tpu.memref_squeeze %dma_wait3A_31 : memref<1x128xi32, #tpu.memory_space<hbm>> -> memref<128xi32, #tpu.memory_space<hbm>>
      tpu.wait_dma2 semaphore(%run_scoped3A : memref<!tpu.dma_semaphore, #tpu.memory_space<semaphore_mem>>) src(%dma_wait3A_32 : memref<128xi32, #tpu.memory_space<hbm>>) dst(%arg5 : memref<128xi32, #tpu.memory_space<vmem>>)
      tpu.yield
    }) : () -> ()
    "tpu.region"() ({
      %run_scoped3A = tpu.sem_alloc : memref<!tpu.dma_semaphore, #tpu.memory_space<semaphore_mem>>
      %dma_start3A_25 = arith.constant 0 : i32
      %dma_start3A_26 = tpu.memref_slice %arg2[%mul3A_20, %dma_start3A_25] : memref<2048x768xf32, #tpu.memory_space<hbm>> -> memref<128x768xf32, #tpu.memory_space<hbm>>
      %dma_start3A_27 = arith.constant 0 : i32
      %dma_start3A_28 = tpu.memref_slice %arg2[%mul3A_20, %dma_start3A_27] : memref<2048x768xf32, #tpu.memory_space<hbm>> -> memref<128x768xf32, #tpu.memory_space<hbm>>
      tpu.enqueue_dma source(%dma_start3A_28 : memref<128x768xf32, #tpu.memory_space<hbm>>) target(%arg6 : memref<128x768xf32, #tpu.memory_space<vmem>>) target_semaphore(%run_scoped3A : memref<!tpu.dma_semaphore, #tpu.memory_space<semaphore_mem>>)
      %dma_wait3A_29 = arith.constant 0 : i32
      %dma_wait3A_30 = tpu.memref_slice %arg2[%mul3A_20, %dma_wait3A_29] : memref<2048x768xf32, #tpu.memory_space<hbm>> -> memref<128x768xf32, #tpu.memory_space<hbm>>
      %dma_wait3A_31 = arith.constant 0 : i32
      %dma_wait3A_32 = tpu.memref_slice %arg2[%mul3A_20, %dma_wait3A_31] : memref<2048x768xf32, #tpu.memory_space<hbm>> -> memref<128x768xf32, #tpu.memory_space<hbm>>
      tpu.wait_dma2 semaphore(%run_scoped3A : memref<!tpu.dma_semaphore, #tpu.memory_space<semaphore_mem>>) src(%dma_wait3A_32 : memref<128x768xf32, #tpu.memory_space<hbm>>) dst(%arg6 : memref<128x768xf32, #tpu.memory_space<vmem>>)
      tpu.yield
    }) : () -> ()
    %dma_start3A = arith.constant 0 : i32
    %dma_start3A_21 = arith.constant 0 : i32
    %dma_start3A_22 = tpu.memref_slice %arg4[%dma_start3A, %dma_start3A_21] : memref<8200x768xf32, #tpu.memory_space<hbm>> -> memref<8200x768xf32, #tpu.memory_space<hbm>>
    tpu.enqueue_indirect_dma source(%arg6 : memref<128x768xf32, #tpu.memory_space<vmem>>) target(%dma_start3A_22 : memref<8200x768xf32, #tpu.memory_space<hbm>>) offsets(%arg5 : memref<128xi32, #tpu.memory_space<vmem>>) semaphore(%arg7 : memref<!tpu.dma_semaphore, #tpu.memory_space<semaphore_mem>>)
    %dma_wait3A = arith.constant 0 : i32
    %dma_wait3A_23 = arith.constant 0 : i32
    %dma_wait3A_24 = tpu.memref_slice %arg4[%dma_wait3A, %dma_wait3A_23] : memref<8200x768xf32, #tpu.memory_space<hbm>> -> memref<8200x768xf32, #tpu.memory_space<hbm>>
    tpu.wait_indirect_dma semaphore(%arg7 : memref<!tpu.dma_semaphore, #tpu.memory_space<semaphore_mem>>) src(%arg6 : memref<128x768xf32, #tpu.memory_space<vmem>>) dst(%dma_wait3A_24 : memref<8200x768xf32, #tpu.memory_space<hbm>>)
    return
  }
}

module attributes {stable_mosaic.version = 14 : i64} {
  func.func @_attn_body(%arg0: i32, %arg1: i32, %arg2: memref<512x128xf32, #tpu.memory_space<vmem>>, %arg3: memref<2048x128xf32, #tpu.memory_space<vmem>>, %arg4: memref<2048x128xf32, #tpu.memory_space<vmem>>, %arg5: memref<512x128xf32, #tpu.memory_space<vmem>>) attributes {dimension_semantics = [#tpu.dimension_semantics<arbitrary>, #tpu.dimension_semantics<arbitrary>], iteration_bounds = array<i64: 6, 4>, scalar_prefetch = 0 : i64, scratch_operands = 0 : i64, tpu.core_type = #tpu.core_type<tc>, window_params = [{transform_indices = @transform_0, window_bounds = array<i64: 512, 128>}, {transform_indices = @transform_1, window_bounds = array<i64: 2048, 128>}, {transform_indices = @transform_2, window_bounds = array<i64: 2048, 128>}, {transform_indices = @transform_3, window_bounds = array<i64: 512, 128>}]} {
    %get3A = arith.constant 0 : index
    %get3A_0 = arith.constant 0 : index
    %get3A_1 = vector.load %arg2[%get3A, %get3A_0] : memref<512x128xf32, #tpu.memory_space<vmem>>, vector<512x64xf32>
    %get3A_2 = arith.constant 0 : index
    %get3A_3 = arith.constant 0 : index
    %get3A_4 = vector.load %arg3[%get3A_2, %get3A_3] : memref<2048x128xf32, #tpu.memory_space<vmem>>, vector<2048x64xf32>
    %get3A_5 = arith.constant 0 : index
    %get3A_6 = arith.constant 0 : index
    %get3A_7 = vector.load %arg4[%get3A_5, %get3A_6] : memref<2048x128xf32, #tpu.memory_space<vmem>>, vector<2048x64xf32>
    %convert_element_type3A = arith.truncf %get3A_1 : vector<512x64xf32> to vector<512x64xbf16>
    %convert_element_type3A_8 = arith.truncf %get3A_4 : vector<2048x64xf32> to vector<2048x64xbf16>
    %dot_general3A = arith.constant dense<0.000000e+00> : vector<512x2048xf32>
    %dot_general3A_9 = tpu.matmul %convert_element_type3A, %convert_element_type3A_8, %dot_general3A {dimension_numbers = #tpu.dot_dimension_numbers<[1], [1], [0], [0], [0, 0, 1, 0], [], []>, transpose_lhs_hint = false} : vector<512x64xbf16>, vector<2048x64xbf16>, vector<512x2048xf32> -> vector<512x2048xf32>
    %mul3A = arith.constant 1.250000e-01 : f32
    %mul3A_10 = vector.broadcast %mul3A : f32 to vector<512x2048xf32>
    %mul3A_11 = arith.mulf %dot_general3A_9, %mul3A_10 : vector<512x2048xf32>
    %slice3A = vector.extract_strided_slice %mul3A_11 {offsets = [0, 0], sizes = [512, 1024], strides = [1, 1]} : vector<512x2048xf32> to vector<512x1024xf32>
    %reduce_max3A = arith.constant dense<0xFF800000> : vector<512xf32>
    %reduce_max3A_12 = vector.multi_reduction <maximumf>, %slice3A, %reduce_max3A [1] : vector<512x1024xf32> to vector<512xf32>
    %broadcast_in_dim3A = vector.shape_cast %reduce_max3A_12 : vector<512xf32> to vector<512x1xf32>
    %sub3A = vector.broadcast %broadcast_in_dim3A : vector<512x1xf32> to vector<512x1024xf32>
    %sub3A_13 = arith.subf %slice3A, %sub3A : vector<512x1024xf32>
    %exp3A = math.exp %sub3A_13 : vector<512x1024xf32>
    %slice3A_14 = vector.extract_strided_slice %get3A_7 {offsets = [0, 0], sizes = [1024, 64], strides = [1, 1]} : vector<2048x64xf32> to vector<1024x64xf32>
    %convert_element_type3A_15 = arith.truncf %exp3A : vector<512x1024xf32> to vector<512x1024xbf16>
    %convert_element_type3A_16 = arith.truncf %slice3A_14 : vector<1024x64xf32> to vector<1024x64xbf16>
    %dot_general3A_17 = arith.constant dense<0.000000e+00> : vector<512x64xf32>
    %dot_general3A_18 = tpu.matmul %convert_element_type3A_15, %convert_element_type3A_16, %dot_general3A_17 {dimension_numbers = #tpu.dot_dimension_numbers<[1], [0], [0], [1], [0, 0, 1, 1], [], []>, transpose_lhs_hint = false} : vector<512x1024xbf16>, vector<1024x64xbf16>, vector<512x64xf32> -> vector<512x64xf32>
    %reduce_sum3A = arith.constant dense<0.000000e+00> : vector<512xf32>
    %reduce_sum3A_19 = vector.multi_reduction <add>, %exp3A, %reduce_sum3A [1] : vector<512x1024xf32> to vector<512xf32>
    %broadcast_in_dim3A_20 = vector.shape_cast %reduce_sum3A_19 : vector<512xf32> to vector<512x1xf32>
    %slice3A_21 = vector.extract_strided_slice %mul3A_11 {offsets = [0, 1024], sizes = [512, 1024], strides = [1, 1]} : vector<512x2048xf32> to vector<512x1024xf32>
    %reduce_max3A_22 = arith.constant dense<0xFF800000> : vector<512xf32>
    %reduce_max3A_23 = vector.multi_reduction <maximumf>, %slice3A_21, %reduce_max3A_22 [1] : vector<512x1024xf32> to vector<512xf32>
    %broadcast_in_dim3A_24 = vector.shape_cast %reduce_max3A_23 : vector<512xf32> to vector<512x1xf32>
    %max3A = arith.maximumf %broadcast_in_dim3A, %broadcast_in_dim3A_24 : vector<512x1xf32>
    %sub3A_25 = vector.broadcast %max3A : vector<512x1xf32> to vector<512x1024xf32>
    %sub3A_26 = arith.subf %slice3A_21, %sub3A_25 : vector<512x1024xf32>
    %exp3A_27 = math.exp %sub3A_26 : vector<512x1024xf32>
    %slice3A_28 = vector.extract_strided_slice %get3A_7 {offsets = [1024, 0], sizes = [1024, 64], strides = [1, 1]} : vector<2048x64xf32> to vector<1024x64xf32>
    %convert_element_type3A_29 = arith.truncf %exp3A_27 : vector<512x1024xf32> to vector<512x1024xbf16>
    %convert_element_type3A_30 = arith.truncf %slice3A_28 : vector<1024x64xf32> to vector<1024x64xbf16>
    %dot_general3A_31 = arith.constant dense<0.000000e+00> : vector<512x64xf32>
    %dot_general3A_32 = tpu.matmul %convert_element_type3A_29, %convert_element_type3A_30, %dot_general3A_31 {dimension_numbers = #tpu.dot_dimension_numbers<[1], [0], [0], [1], [0, 0, 1, 1], [], []>, transpose_lhs_hint = false} : vector<512x1024xbf16>, vector<1024x64xbf16>, vector<512x64xf32> -> vector<512x64xf32>
    %reduce_sum3A_33 = arith.constant dense<0.000000e+00> : vector<512xf32>
    %reduce_sum3A_34 = vector.multi_reduction <add>, %exp3A_27, %reduce_sum3A_33 [1] : vector<512x1024xf32> to vector<512xf32>
    %broadcast_in_dim3A_35 = vector.shape_cast %reduce_sum3A_34 : vector<512xf32> to vector<512x1xf32>
    %sub3A_36 = arith.subf %broadcast_in_dim3A, %max3A : vector<512x1xf32>
    %exp3A_37 = math.exp %sub3A_36 : vector<512x1xf32>
    %mul3A_38 = vector.broadcast %exp3A_37 : vector<512x1xf32> to vector<512x64xf32>
    %mul3A_39 = arith.mulf %dot_general3A_18, %mul3A_38 : vector<512x64xf32>
    %add3A = arith.addf %mul3A_39, %dot_general3A_32 : vector<512x64xf32>
    %mul3A_40 = arith.mulf %broadcast_in_dim3A_20, %exp3A_37 : vector<512x1xf32>
    %add3A_41 = arith.addf %mul3A_40, %broadcast_in_dim3A_35 : vector<512x1xf32>
    %div3A = vector.broadcast %add3A_41 : vector<512x1xf32> to vector<512x64xf32>
    %div3A_42 = arith.divf %add3A, %div3A : vector<512x64xf32>
    %get3A_43 = arith.constant 0 : index
    %get3A_44 = arith.constant 64 : index
    %get3A_45 = vector.load %arg2[%get3A_43, %get3A_44] : memref<512x128xf32, #tpu.memory_space<vmem>>, vector<512x64xf32>
    %get3A_46 = arith.constant 0 : index
    %get3A_47 = arith.constant 64 : index
    %get3A_48 = vector.load %arg3[%get3A_46, %get3A_47] : memref<2048x128xf32, #tpu.memory_space<vmem>>, vector<2048x64xf32>
    %get3A_49 = arith.constant 0 : index
    %get3A_50 = arith.constant 64 : index
    %get3A_51 = vector.load %arg4[%get3A_49, %get3A_50] : memref<2048x128xf32, #tpu.memory_space<vmem>>, vector<2048x64xf32>
    %convert_element_type3A_52 = arith.truncf %get3A_45 : vector<512x64xf32> to vector<512x64xbf16>
    %convert_element_type3A_53 = arith.truncf %get3A_48 : vector<2048x64xf32> to vector<2048x64xbf16>
    %dot_general3A_54 = arith.constant dense<0.000000e+00> : vector<512x2048xf32>
    %dot_general3A_55 = tpu.matmul %convert_element_type3A_52, %convert_element_type3A_53, %dot_general3A_54 {dimension_numbers = #tpu.dot_dimension_numbers<[1], [1], [0], [0], [0, 0, 1, 0], [], []>, transpose_lhs_hint = false} : vector<512x64xbf16>, vector<2048x64xbf16>, vector<512x2048xf32> -> vector<512x2048xf32>
    %mul3A_56 = arith.constant 1.250000e-01 : f32
    %mul3A_57 = vector.broadcast %mul3A_56 : f32 to vector<512x2048xf32>
    %mul3A_58 = arith.mulf %dot_general3A_55, %mul3A_57 : vector<512x2048xf32>
    %slice3A_59 = vector.extract_strided_slice %mul3A_58 {offsets = [0, 0], sizes = [512, 1024], strides = [1, 1]} : vector<512x2048xf32> to vector<512x1024xf32>
    %reduce_max3A_60 = arith.constant dense<0xFF800000> : vector<512xf32>
    %reduce_max3A_61 = vector.multi_reduction <maximumf>, %slice3A_59, %reduce_max3A_60 [1] : vector<512x1024xf32> to vector<512xf32>
    %broadcast_in_dim3A_62 = vector.shape_cast %reduce_max3A_61 : vector<512xf32> to vector<512x1xf32>
    %sub3A_63 = vector.broadcast %broadcast_in_dim3A_62 : vector<512x1xf32> to vector<512x1024xf32>
    %sub3A_64 = arith.subf %slice3A_59, %sub3A_63 : vector<512x1024xf32>
    %exp3A_65 = math.exp %sub3A_64 : vector<512x1024xf32>
    %slice3A_66 = vector.extract_strided_slice %get3A_51 {offsets = [0, 0], sizes = [1024, 64], strides = [1, 1]} : vector<2048x64xf32> to vector<1024x64xf32>
    %convert_element_type3A_67 = arith.truncf %exp3A_65 : vector<512x1024xf32> to vector<512x1024xbf16>
    %convert_element_type3A_68 = arith.truncf %slice3A_66 : vector<1024x64xf32> to vector<1024x64xbf16>
    %dot_general3A_69 = arith.constant dense<0.000000e+00> : vector<512x64xf32>
    %dot_general3A_70 = tpu.matmul %convert_element_type3A_67, %convert_element_type3A_68, %dot_general3A_69 {dimension_numbers = #tpu.dot_dimension_numbers<[1], [0], [0], [1], [0, 0, 1, 1], [], []>, transpose_lhs_hint = false} : vector<512x1024xbf16>, vector<1024x64xbf16>, vector<512x64xf32> -> vector<512x64xf32>
    %reduce_sum3A_71 = arith.constant dense<0.000000e+00> : vector<512xf32>
    %reduce_sum3A_72 = vector.multi_reduction <add>, %exp3A_65, %reduce_sum3A_71 [1] : vector<512x1024xf32> to vector<512xf32>
    %broadcast_in_dim3A_73 = vector.shape_cast %reduce_sum3A_72 : vector<512xf32> to vector<512x1xf32>
    %slice3A_74 = vector.extract_strided_slice %mul3A_58 {offsets = [0, 1024], sizes = [512, 1024], strides = [1, 1]} : vector<512x2048xf32> to vector<512x1024xf32>
    %reduce_max3A_75 = arith.constant dense<0xFF800000> : vector<512xf32>
    %reduce_max3A_76 = vector.multi_reduction <maximumf>, %slice3A_74, %reduce_max3A_75 [1] : vector<512x1024xf32> to vector<512xf32>
    %broadcast_in_dim3A_77 = vector.shape_cast %reduce_max3A_76 : vector<512xf32> to vector<512x1xf32>
    %max3A_78 = arith.maximumf %broadcast_in_dim3A_62, %broadcast_in_dim3A_77 : vector<512x1xf32>
    %sub3A_79 = vector.broadcast %max3A_78 : vector<512x1xf32> to vector<512x1024xf32>
    %sub3A_80 = arith.subf %slice3A_74, %sub3A_79 : vector<512x1024xf32>
    %exp3A_81 = math.exp %sub3A_80 : vector<512x1024xf32>
    %slice3A_82 = vector.extract_strided_slice %get3A_51 {offsets = [1024, 0], sizes = [1024, 64], strides = [1, 1]} : vector<2048x64xf32> to vector<1024x64xf32>
    %convert_element_type3A_83 = arith.truncf %exp3A_81 : vector<512x1024xf32> to vector<512x1024xbf16>
    %convert_element_type3A_84 = arith.truncf %slice3A_82 : vector<1024x64xf32> to vector<1024x64xbf16>
    %dot_general3A_85 = arith.constant dense<0.000000e+00> : vector<512x64xf32>
    %dot_general3A_86 = tpu.matmul %convert_element_type3A_83, %convert_element_type3A_84, %dot_general3A_85 {dimension_numbers = #tpu.dot_dimension_numbers<[1], [0], [0], [1], [0, 0, 1, 1], [], []>, transpose_lhs_hint = false} : vector<512x1024xbf16>, vector<1024x64xbf16>, vector<512x64xf32> -> vector<512x64xf32>
    %reduce_sum3A_87 = arith.constant dense<0.000000e+00> : vector<512xf32>
    %reduce_sum3A_88 = vector.multi_reduction <add>, %exp3A_81, %reduce_sum3A_87 [1] : vector<512x1024xf32> to vector<512xf32>
    %broadcast_in_dim3A_89 = vector.shape_cast %reduce_sum3A_88 : vector<512xf32> to vector<512x1xf32>
    %sub3A_90 = arith.subf %broadcast_in_dim3A_62, %max3A_78 : vector<512x1xf32>
    %exp3A_91 = math.exp %sub3A_90 : vector<512x1xf32>
    %mul3A_92 = vector.broadcast %exp3A_91 : vector<512x1xf32> to vector<512x64xf32>
    %mul3A_93 = arith.mulf %dot_general3A_70, %mul3A_92 : vector<512x64xf32>
    %add3A_94 = arith.addf %mul3A_93, %dot_general3A_86 : vector<512x64xf32>
    %mul3A_95 = arith.mulf %broadcast_in_dim3A_73, %exp3A_91 : vector<512x1xf32>
    %add3A_96 = arith.addf %mul3A_95, %broadcast_in_dim3A_89 : vector<512x1xf32>
    %div3A_97 = vector.broadcast %add3A_96 : vector<512x1xf32> to vector<512x64xf32>
    %div3A_98 = arith.divf %add3A_94, %div3A_97 : vector<512x64xf32>
    %concatenate3A = tpu.concatenate %div3A_42, %div3A_98 in 1 : vector<512x64xf32>, vector<512x64xf32> -> vector<512x128xf32>
    %swap3A = arith.constant 0 : index
    %swap3A_99 = arith.constant 0 : index
    %swap3A_100 = vector.load %arg5[%swap3A, %swap3A_99] : memref<512x128xf32, #tpu.memory_space<vmem>>, vector<512x128xf32>
    tpu.vector_store %arg5[%swap3A, %swap3A_99], %concatenate3A {strides = array<i32>} : memref<512x128xf32, #tpu.memory_space<vmem>>, vector<512x128xf32>,
    return
  }
  func.func @transform_0(%arg0: i32, %arg1: i32) -> (i32, i32) {
    %c0_i32 = arith.constant 0 : i32
    return %arg1, %arg0 : i32, i32
  }
  func.func @transform_1(%arg0: i32, %arg1: i32) -> (i32, i32) {
    %add3A = arith.constant 6 : i32
    %add3A_0 = arith.addi %add3A, %arg0 : i32
    %c0_i32 = arith.constant 0 : i32
    %c0_i32_1 = arith.constant 0 : i32
    return %c0_i32, %add3A_0 : i32, i32
  }
  func.func @transform_2(%arg0: i32, %arg1: i32) -> (i32, i32) {
    %add3A = arith.constant 12 : i32
    %add3A_0 = arith.addi %add3A, %arg0 : i32
    %c0_i32 = arith.constant 0 : i32
    %c0_i32_1 = arith.constant 0 : i32
    return %c0_i32, %add3A_0 : i32, i32
  }
  func.func @transform_3(%arg0: i32, %arg1: i32) -> (i32, i32) {
    %c0_i32 = arith.constant 0 : i32
    return %arg1, %arg0 : i32, i32
  }
}

module attributes {stable_mosaic.version = 14 : i64} {
  func.func @_qkv_body(%arg0: i32, %arg1: i32, %arg2: memref<1024x768xf32, #tpu.memory_space<vmem>>, %arg3: memref<768x768xf32, #tpu.memory_space<vmem>>, %arg4: memref<1x1x768xf32, #tpu.memory_space<vmem>>, %arg5: memref<1024x768xf32, #tpu.memory_space<vmem>>) attributes {dimension_semantics = [#tpu.dimension_semantics<arbitrary>, #tpu.dimension_semantics<arbitrary>], iteration_bounds = array<i64: 3, 2>, scalar_prefetch = 0 : i64, scratch_operands = 0 : i64, tpu.core_type = #tpu.core_type<tc>, window_params = [{transform_indices = @transform_0, window_bounds = array<i64: 1024, 768>}, {transform_indices = @transform_1, window_bounds = array<i64: 768, 768>}, {transform_indices = @transform_2, window_bounds = array<i64: 1, 1, 768>}, {transform_indices = @transform_3, window_bounds = array<i64: 1024, 768>}]} {
    %get3A = arith.constant 0 : index
    %get3A_0 = arith.constant 0 : index
    %get3A_1 = vector.load %arg2[%get3A, %get3A_0] : memref<1024x768xf32, #tpu.memory_space<vmem>>, vector<1024x768xf32>
    %get3A_2 = arith.constant 0 : index
    %get3A_3 = arith.constant 0 : index
    %get3A_4 = vector.load %arg3[%get3A_2, %get3A_3] : memref<768x768xf32, #tpu.memory_space<vmem>>, vector<768x768xf32>
    %convert_element_type3A = arith.truncf %get3A_1 : vector<1024x768xf32> to vector<1024x768xbf16>
    %convert_element_type3A_5 = arith.truncf %get3A_4 : vector<768x768xf32> to vector<768x768xbf16>
    %dot_general3A = arith.constant dense<0.000000e+00> : vector<1024x768xf32>
    %dot_general3A_6 = tpu.matmul %convert_element_type3A, %convert_element_type3A_5, %dot_general3A {dimension_numbers = #tpu.dot_dimension_numbers<[1], [1], [0], [0], [0, 0, 1, 0], [], []>, transpose_lhs_hint = false} : vector<1024x768xbf16>, vector<768x768xbf16>, vector<1024x768xf32> -> vector<1024x768xf32>
    %get3A_7 = arith.constant 0 : index
    %get3A_8 = arith.constant 0 : index
    %get3A_9 = arith.constant 0 : index
    %get3A_10 = vector.load %arg4[%get3A_7, %get3A_8, %get3A_9] : memref<1x1x768xf32, #tpu.memory_space<vmem>>, vector<1x1x768xf32>
    %get3A_11 = vector.shape_cast %get3A_10 : vector<1x1x768xf32> to vector<1x768xf32>
    %add3A = vector.broadcast %get3A_11 : vector<1x768xf32> to vector<1024x768xf32>
    %add3A_12 = arith.addf %dot_general3A_6, %add3A : vector<1024x768xf32>
    %swap3A = arith.constant 0 : index
    %swap3A_13 = arith.constant 0 : index
    %swap3A_14 = vector.load %arg5[%swap3A, %swap3A_13] : memref<1024x768xf32, #tpu.memory_space<vmem>>, vector<1024x768xf32>
    tpu.vector_store %arg5[%swap3A, %swap3A_13], %add3A_12 {strides = array<i32>} : memref<1024x768xf32, #tpu.memory_space<vmem>>, vector<1024x768xf32>,
    return
  }
  func.func @transform_0(%arg0: i32, %arg1: i32) -> (i32, i32) {
    %c0_i32 = arith.constant 0 : i32
    %c0_i32_0 = arith.constant 0 : i32
    return %arg1, %c0_i32 : i32, i32
  }
  func.func @transform_1(%arg0: i32, %arg1: i32) -> (i32, i32) {
    %c0_i32 = arith.constant 0 : i32
    %c0_i32_0 = arith.constant 0 : i32
    return %arg0, %c0_i32 : i32, i32
  }
  func.func @transform_2(%arg0: i32, %arg1: i32) -> (i32, i32, i32) {
    %c0_i32 = arith.constant 0 : i32
    %c0_i32_0 = arith.constant 0 : i32
    %c0_i32_1 = arith.constant 0 : i32
    return %arg0, %c0_i32, %c0_i32_0 : i32, i32, i32
  }
  func.func @transform_3(%arg0: i32, %arg1: i32) -> (i32, i32) {
    %c0_i32 = arith.constant 0 : i32
    return %arg1, %arg0 : i32, i32
  }
}

module attributes {stable_mosaic.version = 14 : i64} {
  func.func @_outln_body(%arg0: i32, %arg1: memref<512x768xf32, #tpu.memory_space<vmem>>, %arg2: memref<768x768xf32, #tpu.memory_space<vmem>>, %arg3: memref<1x768xf32, #tpu.memory_space<vmem>>, %arg4: memref<512x768xf32, #tpu.memory_space<vmem>>, %arg5: memref<1x768xf32, #tpu.memory_space<vmem>>, %arg6: memref<1x768xf32, #tpu.memory_space<vmem>>, %arg7: memref<512x768xf32, #tpu.memory_space<vmem>>) attributes {dimension_semantics = [#tpu.dimension_semantics<arbitrary>], iteration_bounds = array<i64: 4>, scalar_prefetch = 0 : i64, scratch_operands = 0 : i64, tpu.core_type = #tpu.core_type<tc>, window_params = [{transform_indices = @transform_0, window_bounds = array<i64: 512, 768>}, {pipeline_mode = #tpu.pipeline_mode<synchronous>, transform_indices = @transform_1, window_bounds = array<i64: 768, 768>}, {pipeline_mode = #tpu.pipeline_mode<synchronous>, transform_indices = @transform_2, window_bounds = array<i64: 1, 768>}, {transform_indices = @transform_3, window_bounds = array<i64: 512, 768>}, {pipeline_mode = #tpu.pipeline_mode<synchronous>, transform_indices = @transform_4, window_bounds = array<i64: 1, 768>}, {pipeline_mode = #tpu.pipeline_mode<synchronous>, transform_indices = @transform_5, window_bounds = array<i64: 1, 768>}, {transform_indices = @transform_6, window_bounds = array<i64: 512, 768>}]} {
    %get3A = arith.constant 0 : index
    %get3A_0 = arith.constant 0 : index
    %get3A_1 = vector.load %arg1[%get3A, %get3A_0] : memref<512x768xf32, #tpu.memory_space<vmem>>, vector<512x768xf32>
    %get3A_2 = arith.constant 0 : index
    %get3A_3 = arith.constant 0 : index
    %get3A_4 = vector.load %arg2[%get3A_2, %get3A_3] : memref<768x768xf32, #tpu.memory_space<vmem>>, vector<768x768xf32>
    %convert_element_type3A = arith.truncf %get3A_1 : vector<512x768xf32> to vector<512x768xbf16>
    %convert_element_type3A_5 = arith.truncf %get3A_4 : vector<768x768xf32> to vector<768x768xbf16>
    %dot_general3A = arith.constant dense<0.000000e+00> : vector<512x768xf32>
    %dot_general3A_6 = tpu.matmul %convert_element_type3A, %convert_element_type3A_5, %dot_general3A {dimension_numbers = #tpu.dot_dimension_numbers<[1], [1], [0], [0], [0, 0, 1, 0], [], []>, transpose_lhs_hint = false} : vector<512x768xbf16>, vector<768x768xbf16>, vector<512x768xf32> -> vector<512x768xf32>
    %get3A_7 = arith.constant 0 : index
    %get3A_8 = arith.constant 0 : index
    %get3A_9 = vector.load %arg3[%get3A_7, %get3A_8] : memref<1x768xf32, #tpu.memory_space<vmem>>, vector<1x768xf32>
    %add3A = vector.broadcast %get3A_9 : vector<1x768xf32> to vector<512x768xf32>
    %add3A_10 = arith.addf %dot_general3A_6, %add3A : vector<512x768xf32>
    %get3A_11 = arith.constant 0 : index
    %get3A_12 = arith.constant 0 : index
    %get3A_13 = vector.load %arg4[%get3A_11, %get3A_12] : memref<512x768xf32, #tpu.memory_space<vmem>>, vector<512x768xf32>
    %add3A_14 = arith.addf %add3A_10, %get3A_13 : vector<512x768xf32>
    %reduce_sum3A = arith.constant dense<0.000000e+00> : vector<512xf32>
    %reduce_sum3A_15 = vector.multi_reduction <add>, %add3A_14, %reduce_sum3A [1] : vector<512x768xf32> to vector<512xf32>
    %broadcast_in_dim3A = vector.shape_cast %reduce_sum3A_15 : vector<512xf32> to vector<512x1xf32>
    %div3A = arith.constant 7.680000e+02 : f32
    %div3A_16 = vector.broadcast %div3A : f32 to vector<512x1xf32>
    %div3A_17 = arith.divf %broadcast_in_dim3A, %div3A_16 : vector<512x1xf32>
    %sub3A = vector.broadcast %div3A_17 : vector<512x1xf32> to vector<512x768xf32>
    %sub3A_18 = arith.subf %add3A_14, %sub3A : vector<512x768xf32>
    %mul3A = arith.mulf %sub3A_18, %sub3A_18 : vector<512x768xf32>
    %reduce_sum3A_19 = arith.constant dense<0.000000e+00> : vector<512xf32>
    %reduce_sum3A_20 = vector.multi_reduction <add>, %mul3A, %reduce_sum3A_19 [1] : vector<512x768xf32> to vector<512xf32>
    %broadcast_in_dim3A_21 = vector.shape_cast %reduce_sum3A_20 : vector<512xf32> to vector<512x1xf32>
    %div3A_22 = arith.constant 7.680000e+02 : f32
    %div3A_23 = vector.broadcast %div3A_22 : f32 to vector<512x1xf32>
    %div3A_24 = arith.divf %broadcast_in_dim3A_21, %div3A_23 : vector<512x1xf32>
    %add3A_25 = arith.constant 9.99999974E-6 : f32
    %add3A_26 = vector.broadcast %add3A_25 : f32 to vector<512x1xf32>
    %add3A_27 = arith.addf %div3A_24, %add3A_26 : vector<512x1xf32>
    %sqrt3A = math.sqrt %add3A_27 : vector<512x1xf32>
    %div3A_28 = vector.broadcast %sqrt3A : vector<512x1xf32> to vector<512x768xf32>
    %div3A_29 = arith.divf %sub3A_18, %div3A_28 : vector<512x768xf32>
    %get3A_30 = arith.constant 0 : index
    %get3A_31 = arith.constant 0 : index
    %get3A_32 = vector.load %arg5[%get3A_30, %get3A_31] : memref<1x768xf32, #tpu.memory_space<vmem>>, vector<1x768xf32>
    %mul3A_33 = vector.broadcast %get3A_32 : vector<1x768xf32> to vector<512x768xf32>
    %mul3A_34 = arith.mulf %div3A_29, %mul3A_33 : vector<512x768xf32>
    %get3A_35 = arith.constant 0 : index
    %get3A_36 = arith.constant 0 : index
    %get3A_37 = vector.load %arg6[%get3A_35, %get3A_36] : memref<1x768xf32, #tpu.memory_space<vmem>>, vector<1x768xf32>
    %add3A_38 = vector.broadcast %get3A_37 : vector<1x768xf32> to vector<512x768xf32>
    %add3A_39 = arith.addf %mul3A_34, %add3A_38 : vector<512x768xf32>
    %swap3A = arith.constant 0 : index
    %swap3A_40 = arith.constant 0 : index
    %swap3A_41 = vector.load %arg7[%swap3A, %swap3A_40] : memref<512x768xf32, #tpu.memory_space<vmem>>, vector<512x768xf32>
    tpu.vector_store %arg7[%swap3A, %swap3A_40], %add3A_39 {strides = array<i32>} : memref<512x768xf32, #tpu.memory_space<vmem>>, vector<512x768xf32>,
    return
  }
  func.func @transform_0(%arg0: i32) -> (i32, i32) {
    %c0_i32 = arith.constant 0 : i32
    %c0_i32_0 = arith.constant 0 : i32
    return %arg0, %c0_i32 : i32, i32
  }
  func.func @transform_1(%arg0: i32) -> (i32, i32) {
    %c0_i32 = arith.constant 0 : i32
    %c0_i32_0 = arith.constant 0 : i32
    %c0_i32_1 = arith.constant 0 : i32
    return %c0_i32, %c0_i32_0 : i32, i32
  }
  func.func @transform_2(%arg0: i32) -> (i32, i32) {
    %c0_i32 = arith.constant 0 : i32
    %c0_i32_0 = arith.constant 0 : i32
    %c0_i32_1 = arith.constant 0 : i32
    return %c0_i32, %c0_i32_0 : i32, i32
  }
  func.func @transform_3(%arg0: i32) -> (i32, i32) {
    %c0_i32 = arith.constant 0 : i32
    %c0_i32_0 = arith.constant 0 : i32
    return %arg0, %c0_i32 : i32, i32
  }
  func.func @transform_4(%arg0: i32) -> (i32, i32) {
    %c0_i32 = arith.constant 0 : i32
    %c0_i32_0 = arith.constant 0 : i32
    %c0_i32_1 = arith.constant 0 : i32
    return %c0_i32, %c0_i32_0 : i32, i32
  }
  func.func @transform_5(%arg0: i32) -> (i32, i32) {
    %c0_i32 = arith.constant 0 : i32
    %c0_i32_0 = arith.constant 0 : i32
    %c0_i32_1 = arith.constant 0 : i32
    return %c0_i32, %c0_i32_0 : i32, i32
  }
  func.func @transform_6(%arg0: i32) -> (i32, i32) {
    %c0_i32 = arith.constant 0 : i32
    %c0_i32_0 = arith.constant 0 : i32
    return %arg0, %c0_i32 : i32, i32
  }
}

module attributes {stable_mosaic.version = 14 : i64} {
  func.func @_router_body(%arg0: i32, %arg1: memref<2048x768xf32, #tpu.memory_space<vmem>>, %arg2: memref<768x64xf32, #tpu.memory_space<vmem>>, %arg3: memref<64x1xf32, #tpu.memory_space<vmem>>, %arg4: memref<8x2048xi32, #tpu.memory_space<vmem>>, %arg5: memref<2048x8xf32, #tpu.memory_space<vmem>>) attributes {dimension_semantics = [#tpu.dimension_semantics<arbitrary>], iteration_bounds = array<i64: 1>, scalar_prefetch = 0 : i64, scratch_operands = 0 : i64, tpu.core_type = #tpu.core_type<tc>, window_params = [{pipeline_mode = #tpu.pipeline_mode<synchronous>, transform_indices = @transform_0, window_bounds = array<i64: 2048, 768>}, {pipeline_mode = #tpu.pipeline_mode<synchronous>, transform_indices = @transform_1, window_bounds = array<i64: 768, 64>}, {pipeline_mode = #tpu.pipeline_mode<synchronous>, transform_indices = @transform_2, window_bounds = array<i64: 64, 1>}, {pipeline_mode = #tpu.pipeline_mode<synchronous>, transform_indices = @transform_3, window_bounds = array<i64: 8, 2048>}, {pipeline_mode = #tpu.pipeline_mode<synchronous>, transform_indices = @transform_4, window_bounds = array<i64: 2048, 8>}]} {
    %get3A = arith.constant 0 : index
    %get3A_0 = arith.constant 0 : index
    %get3A_1 = vector.load %arg2[%get3A, %get3A_0] : memref<768x64xf32, #tpu.memory_space<vmem>>, vector<768x64xf32>
    %get3A_2 = arith.constant 0 : index
    %get3A_3 = arith.constant 0 : index
    %get3A_4 = vector.load %arg1[%get3A_2, %get3A_3] : memref<2048x768xf32, #tpu.memory_space<vmem>>, vector<2048x768xf32>
    %convert_element_type3A = arith.truncf %get3A_1 : vector<768x64xf32> to vector<768x64xbf16>
    %convert_element_type3A_5 = arith.truncf %get3A_4 : vector<2048x768xf32> to vector<2048x768xbf16>
    %dot_general3A = arith.constant dense<0.000000e+00> : vector<64x2048xf32>
    %dot_general3A_6 = tpu.matmul %convert_element_type3A, %convert_element_type3A_5, %dot_general3A {dimension_numbers = #tpu.dot_dimension_numbers<[0], [1], [1], [0], [0, 1, 1, 0], [], []>, transpose_lhs_hint = false} : vector<768x64xbf16>, vector<2048x768xbf16>, vector<64x2048xf32> -> vector<64x2048xf32>
    %get3A_7 = arith.constant 0 : index
    %get3A_8 = arith.constant 0 : index
    %get3A_9 = vector.load %arg3[%get3A_7, %get3A_8] : memref<64x1xf32, #tpu.memory_space<vmem>>, vector<64x1xf32>
    %add3A = vector.broadcast %get3A_9 : vector<64x1xf32> to vector<64x2048xf32>
    %add3A_10 = arith.addf %dot_general3A_6, %add3A : vector<64x2048xf32>
    %iota3A = tpu.iota {dimensions = array<i32: 0>} : vector<64x2048xi32>
    %reduce_max3A = arith.constant dense<0xFF800000> : vector<2048xf32>
    %reduce_max3A_11 = vector.multi_reduction <maximumf>, %add3A_10, %reduce_max3A [0] : vector<64x2048xf32> to vector<2048xf32>
    %broadcast_in_dim3A = vector.shape_cast %reduce_max3A_11 : vector<2048xf32> to vector<1x2048xf32>
    %eq3A = vector.broadcast %broadcast_in_dim3A : vector<1x2048xf32> to vector<64x2048xf32>
    %eq3A_12 = arith.cmpf oeq, %add3A_10, %eq3A : vector<64x2048xf32>
    %jit3A = arith.constant 64 : i32
    %broadcast_in_dim3A_13 = vector.broadcast %jit3A : i32 to vector<64x2048xi32>
    %select_n3A = arith.select %eq3A_12, %iota3A, %broadcast_in_dim3A_13 : vector<64x2048xi1>, vector<64x2048xi32>
    %reduce_min3A = arith.constant dense<2147483647> : vector<2048xi32>
    %reduce_min3A_14 = vector.multi_reduction <minsi>, %select_n3A, %reduce_min3A [0] : vector<64x2048xi32> to vector<2048xi32>
    %broadcast_in_dim3A_15 = vector.shape_cast %reduce_min3A_14 : vector<2048xi32> to vector<1x2048xi32>
    %eq3A_16 = vector.broadcast %broadcast_in_dim3A_15 : vector<1x2048xi32> to vector<64x2048xi32>
    %eq3A_17 = arith.cmpi eq, %iota3A, %eq3A_16 : vector<64x2048xi32>
    %jit3A_18 = arith.constant 0xFF800000 : f32
    %broadcast_in_dim3A_19 = vector.broadcast %jit3A_18 : f32 to vector<64x2048xf32>
    %select_n3A_20 = arith.select %eq3A_17, %broadcast_in_dim3A_19, %add3A_10 : vector<64x2048xi1>, vector<64x2048xf32>
    %reduce_max3A_21 = arith.constant dense<0xFF800000> : vector<2048xf32>
    %reduce_max3A_22 = vector.multi_reduction <maximumf>, %select_n3A_20, %reduce_max3A_21 [0] : vector<64x2048xf32> to vector<2048xf32>
    %broadcast_in_dim3A_23 = vector.shape_cast %reduce_max3A_22 : vector<2048xf32> to vector<1x2048xf32>
    %eq3A_24 = vector.broadcast %broadcast_in_dim3A_23 : vector<1x2048xf32> to vector<64x2048xf32>
    %eq3A_25 = arith.cmpf oeq, %select_n3A_20, %eq3A_24 : vector<64x2048xf32>
    %jit3A_26 = arith.constant 64 : i32
    %broadcast_in_dim3A_27 = vector.broadcast %jit3A_26 : i32 to vector<64x2048xi32>
    %select_n3A_28 = arith.select %eq3A_25, %iota3A, %broadcast_in_dim3A_27 : vector<64x2048xi1>, vector<64x2048xi32>
    %reduce_min3A_29 = arith.constant dense<2147483647> : vector<2048xi32>
    %reduce_min3A_30 = vector.multi_reduction <minsi>, %select_n3A_28, %reduce_min3A_29 [0] : vector<64x2048xi32> to vector<2048xi32>
    %broadcast_in_dim3A_31 = vector.shape_cast %reduce_min3A_30 : vector<2048xi32> to vector<1x2048xi32>
    %sub3A = arith.subf %broadcast_in_dim3A_23, %broadcast_in_dim3A : vector<1x2048xf32>
    %exp3A = math.exp %sub3A : vector<1x2048xf32>
    %add3A_32 = arith.constant 1.000000e+00 : f32
    %add3A_33 = vector.broadcast %add3A_32 : f32 to vector<1x2048xf32>
    %add3A_34 = arith.addf %add3A_33, %exp3A : vector<1x2048xf32>
    %div3A = arith.constant 1.000000e+00 : f32
    %div3A_35 = vector.broadcast %div3A : f32 to vector<1x2048xf32>
    %div3A_36 = arith.divf %div3A_35, %add3A_34 : vector<1x2048xf32>
    %div3A_37 = arith.divf %exp3A, %add3A_34 : vector<1x2048xf32>
    %eq3A_38 = vector.broadcast %broadcast_in_dim3A_15 : vector<1x2048xi32> to vector<64x2048xi32>
    %eq3A_39 = arith.cmpi eq, %iota3A, %eq3A_38 : vector<64x2048xi32>
    %jit3A_40 = arith.constant 0.000000e+00 : f32
    %broadcast_in_dim3A_41 = vector.shape_cast %div3A_36 : vector<1x2048xf32> to vector<1x2048xf32>
    %broadcast_in_dim3A_42 = vector.broadcast %broadcast_in_dim3A_41 : vector<1x2048xf32> to vector<64x2048xf32>
    %broadcast_in_dim3A_43 = vector.broadcast %jit3A_40 : f32 to vector<64x2048xf32>
    %select_n3A_44 = arith.select %eq3A_39, %broadcast_in_dim3A_42, %broadcast_in_dim3A_43 : vector<64x2048xi1>, vector<64x2048xf32>
    %eq3A_45 = vector.broadcast %broadcast_in_dim3A_31 : vector<1x2048xi32> to vector<64x2048xi32>
    %eq3A_46 = arith.cmpi eq, %iota3A, %eq3A_45 : vector<64x2048xi32>
    %jit3A_47 = arith.constant 0.000000e+00 : f32
    %broadcast_in_dim3A_48 = vector.shape_cast %div3A_37 : vector<1x2048xf32> to vector<1x2048xf32>
    %broadcast_in_dim3A_49 = vector.broadcast %broadcast_in_dim3A_48 : vector<1x2048xf32> to vector<64x2048xf32>
    %broadcast_in_dim3A_50 = vector.broadcast %jit3A_47 : f32 to vector<64x2048xf32>
    %select_n3A_51 = arith.select %eq3A_46, %broadcast_in_dim3A_49, %broadcast_in_dim3A_50 : vector<64x2048xi1>, vector<64x2048xf32>
    %add3A_52 = arith.addf %select_n3A_44, %select_n3A_51 : vector<64x2048xf32>
    %bitcast_convert_type3A = tpu.bitcast %add3A_52 : vector<64x2048xf32> -> vector<64x2048xi32>
    %broadcast_in_dim3A_53 = arith.constant 0 : i32
    %broadcast_in_dim3A_54 = vector.broadcast %broadcast_in_dim3A_53 : i32 to vector<64x1xi32>
    %broadcast_in_dim3A_55 = arith.constant 1065353217 : i32
    %broadcast_in_dim3A_56 = vector.broadcast %broadcast_in_dim3A_55 : i32 to vector<64x1xi32>
    %scan3A = arith.constant 0 : i32
    %scan3A_57 = arith.constant 31 : i32
    %scan3A_58 = arith.addi %scan3A, %scan3A_57 : i32
    %scan3A_59 = arith.constant 1 : i32
    %scan3A_60:2 = scf.for %scan3A_175 = %scan3A to %scan3A_58 step %scan3A_59 iter_args(%scan3A_176 = %broadcast_in_dim3A_54, %scan3A_177 = %broadcast_in_dim3A_56) -> (vector<64x1xi32>, vector<64x1xi32>)  : i32 {
      %add3A_178 = arith.addi %scan3A_176, %scan3A_177 : vector<64x1xi32>
      %jit3A_179 = arith.constant 2 : i32
      %div3A_180 = vector.broadcast %jit3A_179 : i32 to vector<64x1xi32>
      %div3A_181 = arith.divsi %add3A_178, %div3A_180 : vector<64x1xi32>
      %sign3A = arith.constant 0 : i32
      %sign3A_182 = vector.broadcast %sign3A : i32 to vector<64x1xi32>
      %sign3A_183 = arith.cmpi sgt, %add3A_178, %sign3A_182 : vector<64x1xi32>
      %sign3A_184 = arith.extui %sign3A_183 : vector<64x1xi1> to vector<64x1xi32>
      %sign3A_185 = arith.constant 0 : i32
      %sign3A_186 = vector.broadcast %sign3A_185 : i32 to vector<64x1xi32>
      %sign3A_187 = arith.cmpi slt, %add3A_178, %sign3A_186 : vector<64x1xi32>
      %sign3A_188 = arith.extui %sign3A_187 : vector<64x1xi1> to vector<64x1xi32>
      %sign3A_189 = arith.subi %sign3A_184, %sign3A_188 : vector<64x1xi32>
      %sign3A_190 = arith.constant 0 : i32
      %sign3A_191 = arith.cmpi sgt, %jit3A_179, %sign3A_190 : i32
      %sign3A_192 = arith.extui %sign3A_191 : i1 to i32
      %sign3A_193 = arith.constant 0 : i32
      %sign3A_194 = arith.cmpi slt, %jit3A_179, %sign3A_193 : i32
      %sign3A_195 = arith.extui %sign3A_194 : i1 to i32
      %sign3A_196 = arith.subi %sign3A_192, %sign3A_195 : i32
      %ne3A = vector.broadcast %sign3A_196 : i32 to vector<64x1xi32>
      %ne3A_197 = arith.cmpi ne, %sign3A_189, %ne3A : vector<64x1xi32>
      %rem3A = vector.broadcast %jit3A_179 : i32 to vector<64x1xi32>
      %rem3A_198 = arith.remsi %add3A_178, %rem3A : vector<64x1xi32>
      %ne3A_199 = arith.constant 0 : i32
      %ne3A_200 = vector.broadcast %ne3A_199 : i32 to vector<64x1xi32>
      %ne3A_201 = arith.cmpi ne, %rem3A_198, %ne3A_200 : vector<64x1xi32>
      %and3A_202 = arith.andi %ne3A_197, %ne3A_201 : vector<64x1xi1>
      %sub3A_203 = arith.constant 1 : i32
      %sub3A_204 = vector.broadcast %sub3A_203 : i32 to vector<64x1xi32>
      %sub3A_205 = arith.subi %div3A_181, %sub3A_204 : vector<64x1xi32>
      %select_n3A_206 = arith.select %and3A_202, %sub3A_205, %div3A_181 : vector<64x1xi1>, vector<64x1xi32>
      %ge3A = vector.broadcast %select_n3A_206 : vector<64x1xi32> to vector<64x2048xi32>
      %ge3A_207 = arith.cmpi sge, %bitcast_convert_type3A, %ge3A : vector<64x2048xi32>
      %convert_element_type3A_208 = arith.extui %ge3A_207 : vector<64x2048xi1> to vector<64x2048xi32>
      %reduce_sum3A_209 = arith.constant dense<0> : vector<64xi32>
      %reduce_sum3A_210 = vector.multi_reduction <add>, %convert_element_type3A_208, %reduce_sum3A_209 [1] : vector<64x2048xi32> to vector<64xi32>
      %broadcast_in_dim3A_211 = vector.shape_cast %reduce_sum3A_210 : vector<64xi32> to vector<64x1xi32>
      %ge3A_212 = arith.constant 128 : i32
      %ge3A_213 = vector.broadcast %ge3A_212 : i32 to vector<64x1xi32>
      %ge3A_214 = arith.cmpi sge, %broadcast_in_dim3A_211, %ge3A_213 : vector<64x1xi32>
      %select_n3A_215 = arith.select %ge3A_214, %select_n3A_206, %scan3A_176 : vector<64x1xi1>, vector<64x1xi32>
      %select_n3A_216 = arith.select %ge3A_214, %scan3A_177, %select_n3A_206 : vector<64x1xi1>, vector<64x1xi32>
      scf.yield %select_n3A_215, %select_n3A_216 : vector<64x1xi32>, vector<64x1xi32>
    }
    %gt3A = vector.broadcast %scan3A_60#0 : vector<64x1xi32> to vector<64x2048xi32>
    %gt3A_61 = arith.cmpi sgt, %bitcast_convert_type3A, %gt3A : vector<64x2048xi32>
    %convert_element_type3A_62 = arith.extui %gt3A_61 : vector<64x2048xi1> to vector<64x2048xi32>
    %reduce_sum3A = arith.constant dense<0> : vector<64xi32>
    %reduce_sum3A_63 = vector.multi_reduction <add>, %convert_element_type3A_62, %reduce_sum3A [1] : vector<64x2048xi32> to vector<64xi32>
    %broadcast_in_dim3A_64 = vector.shape_cast %reduce_sum3A_63 : vector<64xi32> to vector<64x1xi32>
    %sub3A_65 = arith.constant 128 : i32
    %sub3A_66 = vector.broadcast %sub3A_65 : i32 to vector<64x1xi32>
    %sub3A_67 = arith.subi %sub3A_66, %broadcast_in_dim3A_64 : vector<64x1xi32>
    %convert_element_type3A_68 = arith.sitofp %sub3A_67 : vector<64x1xi32> to vector<64x1xf32>
    %eq3A_69 = vector.broadcast %scan3A_60#0 : vector<64x1xi32> to vector<64x2048xi32>
    %eq3A_70 = arith.cmpi eq, %bitcast_convert_type3A, %eq3A_69 : vector<64x2048xi32>
    %gt3A_71 = arith.constant 0.000000e+00 : f32
    %gt3A_72 = vector.broadcast %gt3A_71 : f32 to vector<64x2048xf32>
    %gt3A_73 = arith.cmpf ogt, %add3A_52, %gt3A_72 : vector<64x2048xf32>
    %and3A = arith.andi %eq3A_70, %gt3A_73 : vector<64x2048xi1>
    %iota3A_74 = tpu.iota {dimensions = array<i32: 0>} : vector<2048x2048xi32>
    %iota3A_75 = tpu.iota {dimensions = array<i32: 1>} : vector<2048x2048xi32>
    %lt3A = arith.cmpi slt, %iota3A_74, %iota3A_75 : vector<2048x2048xi32>
    %convert_element_type3A_76 = arith.extui %lt3A : vector<2048x2048xi1> to vector<2048x2048xi32>
    %convert_element_type3A_77 = arith.sitofp %convert_element_type3A_76 : vector<2048x2048xi32> to vector<2048x2048xf32>
    %convert_element_type3A_78 = arith.extui %and3A : vector<64x2048xi1> to vector<64x2048xi32>
    %convert_element_type3A_79 = arith.sitofp %convert_element_type3A_78 : vector<64x2048xi32> to vector<64x2048xf32>
    %dot_general3A_80 = arith.constant dense<0.000000e+00> : vector<64x2048xf32>
    %dot_general3A_81 = tpu.matmul %convert_element_type3A_79, %convert_element_type3A_77, %dot_general3A_80 {dimension_numbers = #tpu.dot_dimension_numbers<[1], [0], [0], [1], [0, 0, 1, 1], [], []>, transpose_lhs_hint = false} : vector<64x2048xf32>, vector<2048x2048xf32>, vector<64x2048xf32> -> vector<64x2048xf32>
    %gt3A_82 = vector.broadcast %scan3A_60#0 : vector<64x1xi32> to vector<64x2048xi32>
    %gt3A_83 = arith.cmpi sgt, %bitcast_convert_type3A, %gt3A_82 : vector<64x2048xi32>
    %lt3A_84 = vector.broadcast %convert_element_type3A_68 : vector<64x1xf32> to vector<64x2048xf32>
    %lt3A_85 = arith.cmpf olt, %dot_general3A_81, %lt3A_84 : vector<64x2048xf32>
    %and3A_86 = arith.andi %and3A, %lt3A_85 : vector<64x2048xi1>
    %or3A = arith.ori %gt3A_83, %and3A_86 : vector<64x2048xi1>
    %convert_element_type3A_87 = arith.extui %or3A : vector<64x2048xi1> to vector<64x2048xi32>
    %convert_element_type3A_88 = arith.sitofp %convert_element_type3A_87 : vector<64x2048xi32> to vector<64x2048xf32>
    %dot_general3A_89 = arith.constant dense<0.000000e+00> : vector<64x2048xf32>
    %dot_general3A_90 = tpu.matmul %convert_element_type3A_88, %convert_element_type3A_77, %dot_general3A_89 {dimension_numbers = #tpu.dot_dimension_numbers<[1], [0], [0], [1], [0, 0, 1, 1], [], []>, transpose_lhs_hint = false} : vector<64x2048xf32>, vector<2048x2048xf32>, vector<64x2048xf32> -> vector<64x2048xf32>
    %convert_element_type3A_91 = arith.fptosi %dot_general3A_90 : vector<64x2048xf32> to vector<64x2048xi32>
    %eq3A_92 = vector.broadcast %broadcast_in_dim3A_15 : vector<1x2048xi32> to vector<64x2048xi32>
    %eq3A_93 = arith.cmpi eq, %iota3A, %eq3A_92 : vector<64x2048xi32>
    %and3A_94 = arith.andi %eq3A_93, %or3A : vector<64x2048xi1>
    %jit3A_95 = arith.constant 1 : i32
    %jit3A_96 = arith.constant 0 : i32
    %broadcast_in_dim3A_97 = vector.broadcast %jit3A_95 : i32 to vector<64x2048xi32>
    %broadcast_in_dim3A_98 = vector.broadcast %jit3A_96 : i32 to vector<64x2048xi32>
    %select_n3A_99 = arith.select %and3A_94, %broadcast_in_dim3A_97, %broadcast_in_dim3A_98 : vector<64x2048xi1>, vector<64x2048xi32>
    %reduce_sum3A_100 = arith.constant dense<0> : vector<2048xi32>
    %reduce_sum3A_101 = vector.multi_reduction <add>, %select_n3A_99, %reduce_sum3A_100 [0] : vector<64x2048xi32> to vector<2048xi32>
    %broadcast_in_dim3A_102 = vector.shape_cast %reduce_sum3A_101 : vector<2048xi32> to vector<1x2048xi32>
    %jit3A_103 = arith.constant 0 : i32
    %broadcast_in_dim3A_104 = vector.broadcast %jit3A_103 : i32 to vector<64x2048xi32>
    %select_n3A_105 = arith.select %eq3A_93, %convert_element_type3A_91, %broadcast_in_dim3A_104 : vector<64x2048xi1>, vector<64x2048xi32>
    %reduce_sum3A_106 = arith.constant dense<0> : vector<2048xi32>
    %reduce_sum3A_107 = vector.multi_reduction <add>, %select_n3A_105, %reduce_sum3A_106 [0] : vector<64x2048xi32> to vector<2048xi32>
    %broadcast_in_dim3A_108 = vector.shape_cast %reduce_sum3A_107 : vector<2048xi32> to vector<1x2048xi32>
    %gt3A_109 = arith.constant 0 : i32
    %gt3A_110 = vector.broadcast %gt3A_109 : i32 to vector<1x2048xi32>
    %gt3A_111 = arith.cmpi sgt, %broadcast_in_dim3A_102, %gt3A_110 : vector<1x2048xi32>
    %mul3A = arith.constant 128 : i32
    %mul3A_112 = vector.broadcast %mul3A : i32 to vector<1x2048xi32>
    %mul3A_113 = arith.muli %broadcast_in_dim3A_15, %mul3A_112 : vector<1x2048xi32>
    %add3A_114 = arith.addi %mul3A_113, %broadcast_in_dim3A_108 : vector<1x2048xi32>
    %jit3A_115 = arith.constant 8192 : i32
    %broadcast_in_dim3A_116 = vector.broadcast %jit3A_115 : i32 to vector<1x2048xi32>
    %select_n3A_117 = arith.select %gt3A_111, %add3A_114, %broadcast_in_dim3A_116 : vector<1x2048xi1>, vector<1x2048xi32>
    %gt3A_118 = arith.constant 0 : i32
    %gt3A_119 = vector.broadcast %gt3A_118 : i32 to vector<1x2048xi32>
    %gt3A_120 = arith.cmpi sgt, %broadcast_in_dim3A_102, %gt3A_119 : vector<1x2048xi32>
    %gt3A_121 = arith.constant 0.000000e+00 : f32
    %gt3A_122 = vector.broadcast %gt3A_121 : f32 to vector<1x2048xf32>
    %gt3A_123 = arith.cmpf ogt, %div3A_36, %gt3A_122 : vector<1x2048xf32>
    %and3A_124 = arith.andi %gt3A_120, %gt3A_123 : vector<1x2048xi1>
    %jit3A_125 = arith.constant 0.000000e+00 : f32
    %broadcast_in_dim3A_126 = vector.broadcast %jit3A_125 : f32 to vector<1x2048xf32>
    %select_n3A_127 = arith.select %and3A_124, %div3A_36, %broadcast_in_dim3A_126 : vector<1x2048xi1>, vector<1x2048xf32>
    %eq3A_128 = vector.broadcast %broadcast_in_dim3A_31 : vector<1x2048xi32> to vector<64x2048xi32>
    %eq3A_129 = arith.cmpi eq, %iota3A, %eq3A_128 : vector<64x2048xi32>
    %and3A_130 = arith.andi %eq3A_129, %or3A : vector<64x2048xi1>
    %jit3A_131 = arith.constant 1 : i32
    %jit3A_132 = arith.constant 0 : i32
    %broadcast_in_dim3A_133 = vector.broadcast %jit3A_131 : i32 to vector<64x2048xi32>
    %broadcast_in_dim3A_134 = vector.broadcast %jit3A_132 : i32 to vector<64x2048xi32>
    %select_n3A_135 = arith.select %and3A_130, %broadcast_in_dim3A_133, %broadcast_in_dim3A_134 : vector<64x2048xi1>, vector<64x2048xi32>
    %reduce_sum3A_136 = arith.constant dense<0> : vector<2048xi32>
    %reduce_sum3A_137 = vector.multi_reduction <add>, %select_n3A_135, %reduce_sum3A_136 [0] : vector<64x2048xi32> to vector<2048xi32>
    %broadcast_in_dim3A_138 = vector.shape_cast %reduce_sum3A_137 : vector<2048xi32> to vector<1x2048xi32>
    %jit3A_139 = arith.constant 0 : i32
    %broadcast_in_dim3A_140 = vector.broadcast %jit3A_139 : i32 to vector<64x2048xi32>
    %select_n3A_141 = arith.select %eq3A_129, %convert_element_type3A_91, %broadcast_in_dim3A_140 : vector<64x2048xi1>, vector<64x2048xi32>
    %reduce_sum3A_142 = arith.constant dense<0> : vector<2048xi32>
    %reduce_sum3A_143 = vector.multi_reduction <add>, %select_n3A_141, %reduce_sum3A_142 [0] : vector<64x2048xi32> to vector<2048xi32>
    %broadcast_in_dim3A_144 = vector.shape_cast %reduce_sum3A_143 : vector<2048xi32> to vector<1x2048xi32>
    %gt3A_145 = arith.constant 0 : i32
    %gt3A_146 = vector.broadcast %gt3A_145 : i32 to vector<1x2048xi32>
    %gt3A_147 = arith.cmpi sgt, %broadcast_in_dim3A_138, %gt3A_146 : vector<1x2048xi32>
    %mul3A_148 = arith.constant 128 : i32
    %mul3A_149 = vector.broadcast %mul3A_148 : i32 to vector<1x2048xi32>
    %mul3A_150 = arith.muli %broadcast_in_dim3A_31, %mul3A_149 : vector<1x2048xi32>
    %add3A_151 = arith.addi %mul3A_150, %broadcast_in_dim3A_144 : vector<1x2048xi32>
    %jit3A_152 = arith.constant 8192 : i32
    %broadcast_in_dim3A_153 = vector.broadcast %jit3A_152 : i32 to vector<1x2048xi32>
    %select_n3A_154 = arith.select %gt3A_147, %add3A_151, %broadcast_in_dim3A_153 : vector<1x2048xi1>, vector<1x2048xi32>
    %gt3A_155 = arith.constant 0 : i32
    %gt3A_156 = vector.broadcast %gt3A_155 : i32 to vector<1x2048xi32>
    %gt3A_157 = arith.cmpi sgt, %broadcast_in_dim3A_138, %gt3A_156 : vector<1x2048xi32>
    %gt3A_158 = arith.constant 0.000000e+00 : f32
    %gt3A_159 = vector.broadcast %gt3A_158 : f32 to vector<1x2048xf32>
    %gt3A_160 = arith.cmpf ogt, %div3A_37, %gt3A_159 : vector<1x2048xf32>
    %and3A_161 = arith.andi %gt3A_157, %gt3A_160 : vector<1x2048xi1>
    %jit3A_162 = arith.constant 0.000000e+00 : f32
    %broadcast_in_dim3A_163 = vector.broadcast %jit3A_162 : f32 to vector<1x2048xf32>
    %select_n3A_164 = arith.select %and3A_161, %div3A_37, %broadcast_in_dim3A_163 : vector<1x2048xi1>, vector<1x2048xf32>
    %broadcast_in_dim3A_165 = arith.constant 0 : i32
    %broadcast_in_dim3A_166 = vector.broadcast %broadcast_in_dim3A_165 : i32 to vector<1x2048xi32>
    %broadcast_in_dim3A_167 = arith.constant 0.000000e+00 : f32
    %broadcast_in_dim3A_168 = vector.broadcast %broadcast_in_dim3A_167 : f32 to vector<1x2048xf32>
    %concatenate3A = tpu.concatenate %select_n3A_117, %select_n3A_154, %broadcast_in_dim3A_166, %broadcast_in_dim3A_166, %broadcast_in_dim3A_166, %broadcast_in_dim3A_166, %broadcast_in_dim3A_166, %broadcast_in_dim3A_166 in 0 : vector<1x2048xi32>, vector<1x2048xi32>, vector<1x2048xi32>, vector<1x2048xi32>, vector<1x2048xi32>, vector<1x2048xi32>, vector<1x2048xi32>, vector<1x2048xi32> -> vector<8x2048xi32>
    %swap3A = arith.constant 0 : index
    %swap3A_169 = arith.constant 0 : index
    %swap3A_170 = vector.load %arg4[%swap3A, %swap3A_169] : memref<8x2048xi32, #tpu.memory_space<vmem>>, vector<8x2048xi32>
    tpu.vector_store %arg4[%swap3A, %swap3A_169], %concatenate3A {strides = array<i32>} : memref<8x2048xi32, #tpu.memory_space<vmem>>, vector<8x2048xi32>,
    %concatenate3A_171 = tpu.concatenate %select_n3A_127, %select_n3A_164, %broadcast_in_dim3A_168, %broadcast_in_dim3A_168, %broadcast_in_dim3A_168, %broadcast_in_dim3A_168, %broadcast_in_dim3A_168, %broadcast_in_dim3A_168 in 0 : vector<1x2048xf32>, vector<1x2048xf32>, vector<1x2048xf32>, vector<1x2048xf32>, vector<1x2048xf32>, vector<1x2048xf32>, vector<1x2048xf32>, vector<1x2048xf32> -> vector<8x2048xf32>
    %transpose3A = tpu.transpose %concatenate3A_171, [1, 0] : vector<8x2048xf32> -> vector<2048x8xf32>
    %swap3A_172 = arith.constant 0 : index
    %swap3A_173 = arith.constant 0 : index
    %swap3A_174 = vector.load %arg5[%swap3A_172, %swap3A_173] : memref<2048x8xf32, #tpu.memory_space<vmem>>, vector<2048x8xf32>
    tpu.vector_store %arg5[%swap3A_172, %swap3A_173], %transpose3A {strides = array<i32>} : memref<2048x8xf32, #tpu.memory_space<vmem>>, vector<2048x8xf32>,
    return
  }
  func.func @transform_0(%arg0: i32) -> (i32, i32) {
    %c0_i32 = arith.constant 0 : i32
    %c0_i32_0 = arith.constant 0 : i32
    %c0_i32_1 = arith.constant 0 : i32
    return %c0_i32, %c0_i32_0 : i32, i32
  }
  func.func @transform_1(%arg0: i32) -> (i32, i32) {
    %c0_i32 = arith.constant 0 : i32
    %c0_i32_0 = arith.constant 0 : i32
    %c0_i32_1 = arith.constant 0 : i32
    return %c0_i32, %c0_i32_0 : i32, i32
  }
  func.func @transform_2(%arg0: i32) -> (i32, i32) {
    %c0_i32 = arith.constant 0 : i32
    %c0_i32_0 = arith.constant 0 : i32
    %c0_i32_1 = arith.constant 0 : i32
    return %c0_i32, %c0_i32_0 : i32, i32
  }
  func.func @transform_3(%arg0: i32) -> (i32, i32) {
    %c0_i32 = arith.constant 0 : i32
    %c0_i32_0 = arith.constant 0 : i32
    %c0_i32_1 = arith.constant 0 : i32
    return %c0_i32, %c0_i32_0 : i32, i32
  }
  func.func @transform_4(%arg0: i32) -> (i32, i32) {
    %c0_i32 = arith.constant 0 : i32
    %c0_i32_0 = arith.constant 0 : i32
    %c0_i32_1 = arith.constant 0 : i32
    return %c0_i32, %c0_i32_0 : i32, i32
  }
}

module attributes {stable_mosaic.version = 14 : i64} {
  func.func @_ffn_body(%arg0: i32, %arg1: memref<128x768xf32, #tpu.memory_space<vmem>>, %arg2: memref<1x768x2048xf32, #tpu.memory_space<vmem>>, %arg3: memref<1x1x2048xf32, #tpu.memory_space<vmem>>, %arg4: memref<1x2048x768xf32, #tpu.memory_space<vmem>>, %arg5: memref<1x1x768xf32, #tpu.memory_space<vmem>>, %arg6: memref<128x768xf32, #tpu.memory_space<vmem>>) attributes {dimension_semantics = [#tpu.dimension_semantics<arbitrary>], iteration_bounds = array<i64: 64>, scalar_prefetch = 0 : i64, scratch_operands = 0 : i64, tpu.core_type = #tpu.core_type<tc>, window_params = [{transform_indices = @transform_0, window_bounds = array<i64: 128, 768>}, {transform_indices = @transform_1, window_bounds = array<i64: 1, 768, 2048>}, {transform_indices = @transform_2, window_bounds = array<i64: 1, 1, 2048>}, {transform_indices = @transform_3, window_bounds = array<i64: 1, 2048, 768>}, {transform_indices = @transform_4, window_bounds = array<i64: 1, 1, 768>}, {transform_indices = @transform_5, window_bounds = array<i64: 128, 768>}]} {
    %get3A = arith.constant 0 : index
    %get3A_0 = arith.constant 0 : index
    %get3A_1 = vector.load %arg1[%get3A, %get3A_0] : memref<128x768xf32, #tpu.memory_space<vmem>>, vector<128x768xf32>
    %get3A_2 = arith.constant 0 : index
    %get3A_3 = arith.constant 0 : index
    %get3A_4 = arith.constant 0 : index
    %get3A_5 = vector.load %arg2[%get3A_2, %get3A_3, %get3A_4] : memref<1x768x2048xf32, #tpu.memory_space<vmem>>, vector<1x768x2048xf32>
    %get3A_6 = vector.shape_cast %get3A_5 : vector<1x768x2048xf32> to vector<768x2048xf32>
    %convert_element_type3A = arith.truncf %get3A_1 : vector<128x768xf32> to vector<128x768xbf16>
    %convert_element_type3A_7 = arith.truncf %get3A_6 : vector<768x2048xf32> to vector<768x2048xbf16>
    %dot_general3A = arith.constant dense<0.000000e+00> : vector<128x2048xf32>
    %dot_general3A_8 = tpu.matmul %convert_element_type3A, %convert_element_type3A_7, %dot_general3A {dimension_numbers = #tpu.dot_dimension_numbers<[1], [0], [0], [1], [0, 0, 1, 1], [], []>, transpose_lhs_hint = false} : vector<128x768xbf16>, vector<768x2048xbf16>, vector<128x2048xf32> -> vector<128x2048xf32>
    %get3A_9 = arith.constant 0 : index
    %get3A_10 = arith.constant 0 : index
    %get3A_11 = arith.constant 0 : index
    %get3A_12 = vector.load %arg3[%get3A_9, %get3A_10, %get3A_11] : memref<1x1x2048xf32, #tpu.memory_space<vmem>>, vector<1x1x2048xf32>
    %get3A_13 = vector.shape_cast %get3A_12 : vector<1x1x2048xf32> to vector<1x2048xf32>
    %add3A = vector.broadcast %get3A_13 : vector<1x2048xf32> to vector<128x2048xf32>
    %add3A_14 = arith.addf %dot_general3A_8, %add3A : vector<128x2048xf32>
    %max3A = arith.constant 0.000000e+00 : f32
    %max3A_15 = vector.broadcast %max3A : f32 to vector<128x2048xf32>
    %max3A_16 = arith.maximumf %add3A_14, %max3A_15 : vector<128x2048xf32>
    %get3A_17 = arith.constant 0 : index
    %get3A_18 = arith.constant 0 : index
    %get3A_19 = arith.constant 0 : index
    %get3A_20 = vector.load %arg4[%get3A_17, %get3A_18, %get3A_19] : memref<1x2048x768xf32, #tpu.memory_space<vmem>>, vector<1x2048x768xf32>
    %get3A_21 = vector.shape_cast %get3A_20 : vector<1x2048x768xf32> to vector<2048x768xf32>
    %convert_element_type3A_22 = arith.truncf %max3A_16 : vector<128x2048xf32> to vector<128x2048xbf16>
    %convert_element_type3A_23 = arith.truncf %get3A_21 : vector<2048x768xf32> to vector<2048x768xbf16>
    %dot_general3A_24 = arith.constant dense<0.000000e+00> : vector<128x768xf32>
    %dot_general3A_25 = tpu.matmul %convert_element_type3A_22, %convert_element_type3A_23, %dot_general3A_24 {dimension_numbers = #tpu.dot_dimension_numbers<[1], [0], [0], [1], [0, 0, 1, 1], [], []>, transpose_lhs_hint = false} : vector<128x2048xbf16>, vector<2048x768xbf16>, vector<128x768xf32> -> vector<128x768xf32>
    %get3A_26 = arith.constant 0 : index
    %get3A_27 = arith.constant 0 : index
    %get3A_28 = arith.constant 0 : index
    %get3A_29 = vector.load %arg5[%get3A_26, %get3A_27, %get3A_28] : memref<1x1x768xf32, #tpu.memory_space<vmem>>, vector<1x1x768xf32>
    %get3A_30 = vector.shape_cast %get3A_29 : vector<1x1x768xf32> to vector<1x768xf32>
    %add3A_31 = vector.broadcast %get3A_30 : vector<1x768xf32> to vector<128x768xf32>
    %add3A_32 = arith.addf %dot_general3A_25, %add3A_31 : vector<128x768xf32>
    %swap3A = arith.constant 0 : index
    %swap3A_33 = arith.constant 0 : index
    %swap3A_34 = vector.load %arg6[%swap3A, %swap3A_33] : memref<128x768xf32, #tpu.memory_space<vmem>>, vector<128x768xf32>
    tpu.vector_store %arg6[%swap3A, %swap3A_33], %add3A_32 {strides = array<i32>} : memref<128x768xf32, #tpu.memory_space<vmem>>, vector<128x768xf32>,
    return
  }
  func.func @transform_0(%arg0: i32) -> (i32, i32) {
    %c0_i32 = arith.constant 0 : i32
    %c0_i32_0 = arith.constant 0 : i32
    return %arg0, %c0_i32 : i32, i32
  }
  func.func @transform_1(%arg0: i32) -> (i32, i32, i32) {
    %c0_i32 = arith.constant 0 : i32
    %c0_i32_0 = arith.constant 0 : i32
    %c0_i32_1 = arith.constant 0 : i32
    return %arg0, %c0_i32, %c0_i32_0 : i32, i32, i32
  }
  func.func @transform_2(%arg0: i32) -> (i32, i32, i32) {
    %c0_i32 = arith.constant 0 : i32
    %c0_i32_0 = arith.constant 0 : i32
    %c0_i32_1 = arith.constant 0 : i32
    return %arg0, %c0_i32, %c0_i32_0 : i32, i32, i32
  }
  func.func @transform_3(%arg0: i32) -> (i32, i32, i32) {
    %c0_i32 = arith.constant 0 : i32
    %c0_i32_0 = arith.constant 0 : i32
    %c0_i32_1 = arith.constant 0 : i32
    return %arg0, %c0_i32, %c0_i32_0 : i32, i32, i32
  }
  func.func @transform_4(%arg0: i32) -> (i32, i32, i32) {
    %c0_i32 = arith.constant 0 : i32
    %c0_i32_0 = arith.constant 0 : i32
    %c0_i32_1 = arith.constant 0 : i32
    return %arg0, %c0_i32, %c0_i32_0 : i32, i32, i32
  }
  func.func @transform_5(%arg0: i32) -> (i32, i32) {
    %c0_i32 = arith.constant 0 : i32
    %c0_i32_0 = arith.constant 0 : i32
    return %arg0, %c0_i32 : i32, i32
  }
}

module attributes {stable_mosaic.version = 14 : i64} {
  func.func @_comb_body(%arg0: i32, %arg1: memref<256x768xf32, #tpu.memory_space<vmem>>, %arg2: memref<256x768xf32, #tpu.memory_space<vmem>>, %arg3: memref<256x768xf32, #tpu.memory_space<vmem>>, %arg4: memref<256x8xf32, #tpu.memory_space<vmem>>, %arg5: memref<256x768xf32, #tpu.memory_space<vmem>>) attributes {dimension_semantics = [#tpu.dimension_semantics<arbitrary>], iteration_bounds = array<i64: 8>, scalar_prefetch = 0 : i64, scratch_operands = 0 : i64, tpu.core_type = #tpu.core_type<tc>, window_params = [{transform_indices = @transform_0, window_bounds = array<i64: 256, 768>}, {transform_indices = @transform_1, window_bounds = array<i64: 256, 768>}, {transform_indices = @transform_2, window_bounds = array<i64: 256, 768>}, {transform_indices = @transform_3, window_bounds = array<i64: 256, 8>}, {transform_indices = @transform_4, window_bounds = array<i64: 256, 768>}]} {
    %get3A = arith.constant 0 : index
    %get3A_0 = arith.constant 0 : index
    %get3A_1 = vector.load %arg4[%get3A, %get3A_0] : memref<256x8xf32, #tpu.memory_space<vmem>>, vector<256x1xf32>
    %get3A_2 = arith.constant 0 : index
    %get3A_3 = arith.constant 1 : index
    %get3A_4 = vector.load %arg4[%get3A_2, %get3A_3] : memref<256x8xf32, #tpu.memory_space<vmem>>, vector<256x1xf32>
    %gt3A = arith.constant 0.000000e+00 : f32
    %gt3A_5 = vector.broadcast %gt3A : f32 to vector<256x1xf32>
    %gt3A_6 = arith.cmpf ogt, %get3A_1, %gt3A_5 : vector<256x1xf32>
    %get3A_7 = arith.constant 0 : index
    %get3A_8 = arith.constant 0 : index
    %get3A_9 = vector.load %arg2[%get3A_7, %get3A_8] : memref<256x768xf32, #tpu.memory_space<vmem>>, vector<256x768xf32>
    %mul3A = vector.broadcast %get3A_1 : vector<256x1xf32> to vector<256x768xf32>
    %mul3A_10 = arith.mulf %mul3A, %get3A_9 : vector<256x768xf32>
    %jit3A = arith.constant 0.000000e+00 : f32
    %broadcast_in_dim3A = vector.shape_cast %gt3A_6 : vector<256x1xi1> to vector<256x1xi1>
    %broadcast_in_dim3A_11 = vector.broadcast %broadcast_in_dim3A : vector<256x1xi1> to vector<256x768xi1>
    %broadcast_in_dim3A_12 = vector.broadcast %jit3A : f32 to vector<256x768xf32>
    %select_n3A = arith.select %broadcast_in_dim3A_11, %mul3A_10, %broadcast_in_dim3A_12 : vector<256x768xi1>, vector<256x768xf32>
    %gt3A_13 = arith.constant 0.000000e+00 : f32
    %gt3A_14 = vector.broadcast %gt3A_13 : f32 to vector<256x1xf32>
    %gt3A_15 = arith.cmpf ogt, %get3A_4, %gt3A_14 : vector<256x1xf32>
    %get3A_16 = arith.constant 0 : index
    %get3A_17 = arith.constant 0 : index
    %get3A_18 = vector.load %arg3[%get3A_16, %get3A_17] : memref<256x768xf32, #tpu.memory_space<vmem>>, vector<256x768xf32>
    %mul3A_19 = vector.broadcast %get3A_4 : vector<256x1xf32> to vector<256x768xf32>
    %mul3A_20 = arith.mulf %mul3A_19, %get3A_18 : vector<256x768xf32>
    %jit3A_21 = arith.constant 0.000000e+00 : f32
    %broadcast_in_dim3A_22 = vector.shape_cast %gt3A_15 : vector<256x1xi1> to vector<256x1xi1>
    %broadcast_in_dim3A_23 = vector.broadcast %broadcast_in_dim3A_22 : vector<256x1xi1> to vector<256x768xi1>
    %broadcast_in_dim3A_24 = vector.broadcast %jit3A_21 : f32 to vector<256x768xf32>
    %select_n3A_25 = arith.select %broadcast_in_dim3A_23, %mul3A_20, %broadcast_in_dim3A_24 : vector<256x768xi1>, vector<256x768xf32>
    %get3A_26 = arith.constant 0 : index
    %get3A_27 = arith.constant 0 : index
    %get3A_28 = vector.load %arg1[%get3A_26, %get3A_27] : memref<256x768xf32, #tpu.memory_space<vmem>>, vector<256x768xf32>
    %add3A = arith.addf %get3A_28, %select_n3A : vector<256x768xf32>
    %add3A_29 = arith.addf %add3A, %select_n3A_25 : vector<256x768xf32>
    %swap3A = arith.constant 0 : index
    %swap3A_30 = arith.constant 0 : index
    %swap3A_31 = vector.load %arg5[%swap3A, %swap3A_30] : memref<256x768xf32, #tpu.memory_space<vmem>>, vector<256x768xf32>
    tpu.vector_store %arg5[%swap3A, %swap3A_30], %add3A_29 {strides = array<i32>} : memref<256x768xf32, #tpu.memory_space<vmem>>, vector<256x768xf32>,
    return
  }
  func.func @transform_0(%arg0: i32) -> (i32, i32) {
    %c0_i32 = arith.constant 0 : i32
    %c0_i32_0 = arith.constant 0 : i32
    return %arg0, %c0_i32 : i32, i32
  }
  func.func @transform_1(%arg0: i32) -> (i32, i32) {
    %c0_i32 = arith.constant 0 : i32
    %c0_i32_0 = arith.constant 0 : i32
    return %arg0, %c0_i32 : i32, i32
  }
  func.func @transform_2(%arg0: i32) -> (i32, i32) {
    %add3A = arith.constant 8 : i32
    %add3A_0 = arith.addi %arg0, %add3A : i32
    %c0_i32 = arith.constant 0 : i32
    %c0_i32_1 = arith.constant 0 : i32
    return %add3A_0, %c0_i32 : i32, i32
  }
  func.func @transform_3(%arg0: i32) -> (i32, i32) {
    %c0_i32 = arith.constant 0 : i32
    %c0_i32_0 = arith.constant 0 : i32
    return %arg0, %c0_i32 : i32, i32
  }
  func.func @transform_4(%arg0: i32) -> (i32, i32) {
    %c0_i32 = arith.constant 0 : i32
    %c0_i32_0 = arith.constant 0 : i32
    return %arg0, %c0_i32 : i32, i32
  }
}

</mosaic_0001>

<sc_bundles>
// kernel: kernel.18.cloned.1.call-start
scs
__scs_entry_jumppad:
0x0: {  	(pc) =	sbr.rel $0x88, $3  }
0x1: {  	(tag) =	ssettag $0x0;
	lr =	simm.s32 $0x1  }
0x2: {  	[smem:$0x3F88] =	sst lr;
	_ =	strace $0xD0000000  }
0x3: {  	_ = 	snop  }
0x4: {  	_ = 	snop  }
0x5: {  	_ = 	snop  }
0x6: {  	_ = 	snop  }
0x7: {  	_ = 	snop  }
__scs_overlays_trampoline_lowered:
0x8: {  	[smem:$0x3F97] =	sst s0  }
0x9: {  	[smem:$0x3F98] =	sst s1  }
0xa: {  	[smem:$0x3F99] =	sst s2  }
0xb: {  	[smem:$0x3F9A] =	sst s3  }
0xc: {  	[smem:$0x3F9B] =	sst s4  }
0xd: {  	[smem:$0x3F9C] =	sst s5  }
0xe: {  	[smem:$0x3F9D] =	sst s6  }
0xf: {  	[smem:$0x3F9E] =	sst s7  }
0x10: {  	[smem:$0x3F9F] =	sst s8  }
0x11: {  	[smem:$0x3FA0] =	sst s9;
	s0 =	simm.s32 @!p0 $0x0  }
0x12: {  	s1 =	sld [smem:$0x3F86];
	s0 =	simm.s32 @p0 $0x1  }
0x13: {  	[smem:$0x3FA1] =	sst s0;
	s0 =	simm.s32 @!p1 $0x0  }
0x14: {  	s2 =	sld [smem:$0x3F85];
	s0 =	simm.s32 @p1 $0x1  }
0x15: {  	[smem:$0x3FA2] =	sst s0;
	s0 =	simm.s32 @!p2 $0x0  }
0x16: {  	s3 =	sld [smem:$0x3FDB];
	s0 =	simm.s32 @p2 $0x1  }
0x17: {  	s4 =	simm.s32 $0x1BF5;
	[smem:$0x3FA4] =	sst s0  }
0x18: {  	s0 =	sld [smem:$0x3F87];
	_ =	swait.ge [sflag:s4], $0x0  }
0x19: {  	s7 =	sld [smem:$0x3F88]  }
0x1a: {  	s8 =	sadd.s32 $0xFFFFE003, lr  }
0x1b: {  	s9 =	sadd.s32 $0xFFFFFEF7, lr;
	s5 =	simm.s32 $0xFFFFFFFF;
	p2 =	slt.u32 s8, $0xFFFFF086  }
0x1c: {  	p1 =	slt.u32 s9, $0xF7A;
	s5 =	simm.s32 @!p2 $0x0  }
0x1d: {  	s5 =	simm.s32 @p1 $0x1;
	p0 =	seq.s32 s7, s2  }
0x1e: {  	s7 =	smul.u32 @!p0 $0xF7A, s2;
	p2 =	seq.s32 @!p0 s5, $0x0  }
0x1f: {  	s9 =	smul.u32 $0xF7A, s1;
	s8 =	simm.s32 @!p0 $0x1BF5;
	p2 =	por !p2, p0  }
0x20: {  	[sflag:s8] =	ssyncset.s32 @!p0 $0xFFFFF086;
	s6 =	sadd.s32 @!p0 s3, s7;
	s7 =	simm.s32 @!p0 $0x108  }
0x21: {  	s3 =	sadd.s32 s3, s9;
	s6 =	sadd.s32 @!p0 $0x88, s6;
	s7 =	simm.s32 @p2 $0x1082  }
0x22: {  	[simem:s7], [sflag:s8] =	dma.local @!p0 [hbm:s6], $0xF7A  }
0x23: {  	s9 =	sor.u32 $0xD0000000, s2;
	s6 =	simm.s32 $0x108;
	_ =	swait.ge @!p0 [sflag:s8], $0x0  }
0x24: {  	s3 =	sadd.s32 $0x88, s3;
	s6 =	simm.s32 @!p1 $0x1082;
	[sflag:s4] =	ssyncset.s32 $0xFFFFF086  }
0x25: {  	[simem:s6], [sflag:s4] =	dma.local [hbm:s3], $0xF7A  }
0x26: {  	[smem:$0x3F88] =	sst s1;
	(tag) =	ssettag s2;
	_ =	strace s9  }
0x27: {  	s1 =	sld [smem:$0x3F98]  }
0x28: {  	s2 =	sld [smem:$0x3F99]  }
0x29: {  	s4 =	sld [smem:$0x3F9B]  }
0x2a: {  	p0 =	seq.s32 s5, $0x0;
	s5 =	sld [smem:$0x3F9C]  }
0x2b: {  	s6 =	sld [smem:$0x3F9D]  }
0x2c: {  	s7 =	sld [smem:$0x3F9E]  }
0x2d: {  	s3 =	simm.s32 $0x108;
	s8 =	sld [smem:$0x3F9F]  }
0x2e: {  	s3 =	simm.s32 @!p0 $0x1082;
	s9 =	sld [smem:$0x3FA0]  }
0x2f: {  	lr =	sadd.s32 s0, s3;
	s0 =	sld [smem:$0x3F97]  }
0x30: {  	s3 =	sld [smem:$0x3F9A]  }
0x31: {  	[smem:$0x3FA3] =	sst s10  }
0x32: {  	s10 =	sld [smem:$0x3FA1];
	_ =	sdelay $0x3  }
0x33: {  	p0 =	seq.s32 s10, $0x1;
	s10 =	sld [smem:$0x3FA3];
	_ =	sdelay $0x3  }
0x34: {  	[smem:$0x3FA3] =	sst s10  }
0x35: {  	s10 =	sld [smem:$0x3FA2];
	_ =	sdelay $0x3  }
0x36: {  	p1 =	seq.s32 s10, $0x1;
	s10 =	sld [smem:$0x3FA3];
	_ =	sdelay $0x3  }
0x37: {  	[smem:$0x3FA3] =	sst s10  }
0x38: {  	s10 =	sld [smem:$0x3FA4]  }
0x39: {  	_ = 	snop;
	(pc) =	sbr.ind lr, $3  }
0x3a: {  	_ = 	snop  }
0x3b: {  	_ = 	snop  }
0x3c: {  	p2 =	seq.s32 s10, $0x1;
	s10 =	sld [smem:$0x3FA3]  }
0x3d: {  	_ =	shalt  }
0x3e: {  	_ =	shalt  }
0x3f: {  	_ =	shalt  }
0x40: {  	_ =	shalt  }
0x41: {  	_ =	shalt  }
0x42: {  	_ =	shalt  }
0x43: {  	_ =	shalt  }
0x44: {  	_ =	shalt  }
0x45: {  	_ =	shalt  }
0x46: {  	_ =	shalt  }
0x47: {  	_ =	shalt  }
0x48: {  	_ =	shalt  }
0x49: {  	_ =	shalt  }
0x4a: {  	_ =	shalt  }
0x4b: {  	_ =	shalt  }
0x4c: {  	_ =	shalt  }
0x4d: {  	_ =	shalt  }
0x4e: {  	_ =	shalt  }
0x4f: {  	_ =	shalt  }
0x50: {  	_ =	shalt  }
0x51: {  	_ =	shalt  }
0x52: {  	_ =	shalt  }
0x53: {  	_ =	shalt  }
0x54: {  	_ =	shalt  }
0x55: {  	_ =	shalt  }
0x56: {  	_ =	shalt  }
0x57: {  	_ =	shalt  }
0x58: {  	_ =	shalt  }
0x59: {  	_ =	shalt  }
0x5a: {  	_ =	shalt  }
0x5b: {  	_ =	shalt  }
0x5c: {  	_ =	shalt  }
0x5d: {  	_ =	shalt  }
0x5e: {  	_ =	shalt  }
0x5f: {  	_ =	shalt  }
0x60: {  	_ =	shalt  }
0x61: {  	_ =	shalt  }
0x62: {  	_ =	shalt  }
0x63: {  	_ =	shalt  }
0x64: {  	_ =	shalt  }
0x65: {  	_ =	shalt  }
0x66: {  	_ =	shalt  }
0x67: {  	_ =	shalt  }
0x68: {  	_ =	shalt  }
0x69: {  	_ =	shalt  }
0x6a: {  	_ =	shalt  }
0x6b: {  	_ =	shalt  }
0x6c: {  	_ =	shalt  }
0x6d: {  	_ =	shalt  }
0x6e: {  	_ =	shalt  }
0x6f: {  	_ =	shalt  }
0x70: {  	_ =	shalt  }
0x71: {  	_ =	shalt  }
0x72: {  	_ =	shalt  }
0x73: {  	_ =	shalt  }
0x74: {  	_ =	shalt  }
0x75: {  	_ =	shalt  }
0x76: {  	_ =	shalt  }
0x77: {  	_ =	shalt  }
0x78: {  	_ =	shalt  }
0x79: {  	_ =	shalt  }
0x7a: {  	_ =	shalt  }
0x7b: {  	_ =	shalt  }
0x7c: {  	_ =	shalt  }
0x7d: {  	_ =	shalt  }
0x7e: {  	_ =	shalt  }
0x7f: {  	_ =	shalt  }
0x80: {  	_ =	shalt  }
0x81: {  	_ =	shalt  }
0x82: {  	_ =	shalt  }
0x83: {  	_ =	shalt  }
0x84: {  	_ =	shalt  }
0x85: {  	_ =	shalt  }
0x86: {  	_ =	shalt  }
0x87: {  	_ =	shalt  }
.Lfunc_end0:
.L_simem_size_0:
called_computation_lowered:
.L_overlay_start_0:
0x88: {  	s2 =	sld [smem:$0x3FD9]  }
0x89: {  	s3 =	sld [smem:$0x3FFE];
	_ =	sdelay $0x1  }
0x8a: {  	s1 =	srdreg.scid  }
0x8b: {  	s0 =	sand.u32 $0x1, s1  }
0x8c: {  	s17 =	sshll.u32 s0, $0xA;
	s2 =	sadd.s32 s3, s2  }
0x8d: {  	s2 =	sadd.s32 s2, s17  }
0x8e: {  	[smem:$0x3FAF] =	sst s2  }
0x8f: {  	_ = 	snop  }
0x90: {  	s2 =	sld [smem:$0x3FD0];
	(tm) =	ssettm $0x1  }
0x91: {  	s18 =	sld [smem:$0x3FFB];
	_ =	sdelay $0x3  }
0x92: {  	_ =	strace s18  }
0x93: {  	s3 =	sld [smem:$0x3FFC];
	_ =	sdelay $0x3  }
0x94: {  	_ =	strace s3  }
0x95: {  	s3 =	sld [smem:$0x3FFD];
	_ =	sdelay $0x3  }
0x96: {  	_ =	strace s3  }
0x97: {  	_ =	strace $0x8FFFFFFF  }
0x98: {  	s19 =	sld [smem:$0x3FDB];
	_ =	sdelay $0x1  }
0x99: {  	s4 =	simm.s32 $_scs_section_size  }
0x9a: {  	s5 =	simm.s32 $_size__tile_overlayer_lowered;
	s6 =	simm.s32 $_tile_overlayer_lowered  }
0x9b: {  	s22 =	simm.s32 $0x1BFF;
	s21 =	sshll.u32 s6, $0x1;
	s3 =	sadd.s32 s4, s19  }
0x9c: {  	s7 =	simm.s32 $0x0;
	s20 =	sshll.u32 s5, $0x1;
	s5 =	sadd.s32 s21, s3  }
0x9d: {  	[timem:s7], [sflag:s22] =	dma.local [hbm:s5], s20  }
0x9e: {  	_ =	swait.ge [sflag:s22], s20  }
0x9f: {  	s4 =	ssub.s32 $0x0, s20;
	[sflag:s22] =	ssyncset.done $0x0  }
0xa0: {  	[sflag:s22] =	ssyncadd.s32 s4;
	_ =	sdelay $0x1  }
0xa1: {  	s23 =	simm.s32 $0x1B8B  }
0xa2: {  	_ =	swait.ge [sflag:s23], $0x1  }
0xa3: {  	[sflag:s23] =	ssyncset.done $0x0  }
0xa4: {  	s25 =	simm.s32 $0x1B8E;
	s24 =	sld [smem:$0x3FFE];
	[sflag:s23] =	ssyncadd.s32 $0xFFFFFFFF  }
0xa5: {  	s26 =	simm.s32 $execute0_lowered;
	[smem:$0x3FD2] =	sst s25  }
0xa6: {  	s5 =	sshll.u32 s26, $0x1;
	_ =	strace $0x80000046;
	[dreg:$0x1] =	wrdreg $0xFFFFFFFF  }
0xa7: {  	s28 =	simm.s32 $_size_execute0_lowered;
	s3 =	sadd.s32 s3, s5;
	[dreg:$0x0] =	wrdreg $0x0  }
0xa8: {  	s5 =	sshll.u32 s28, $0x1;
	[dreg:$0x2] =	wrdreg s3  }
0xa9: {  	[dreg:$0x3] =	wrdreg s5  }
0xaa: {  	[dreg:$0x4] =	wrdreg $0xC0  }
0xab: {  	_ =	task [dreg:s7], $0x5FFFF  }
0xac: {  	[dreg:$0x1] =	wrdreg $0xFFFFFFFF  }
0xad: {  	[dreg:$0x0] =	wrdreg $0x60  }
0xae: {  	[dreg:$0x2] =	wrdreg s2  }
0xaf: {  	[dreg:$0x3] =	wrdreg s24  }
0xb0: {  	[dreg:$0x4] =	wrdreg $0x9  }
0xb1: {  	_ =	task.clear_ibuf [dreg:s7], $0x5FFFF;
	_ =	strace $0x90000046  }
0xb2: {  	s29 =	simm.s32 $0x9;
	_ =	strace $0x80000048  }
0xb3: {  	_ =	swait.ge [sflag:s29], $0x1  }
0xb4: {  	[sflag:s29] =	ssyncadd.s32 $0xFFFFFFFF  }
0xb5: {  	_ =	strace $0x90000048  }
0xb6: {  	_ =	sfence  }
0xb7: {  	s30 =	sld [smem:$0x0];
	_ =	sdelay $0x2  }
0xb8: {  	s31 =	sshll.u32 s1, $0xD;
	s1 =	sshrl.u32 s1, $0x2  }
0xb9: {  	s3 =	sand.u32 $0x4000, s31;
	s1 =	sadd.s32 s1, s30  }
0xba: {  	s0 =	sor.u32 s3, s0;
	s1 =	sshll.u32 s1, $0x11  }
0xbb: {  	s0 =	sor.u32 s1, s0  }
0xbc: {  	s0 =	sadd.s32 $0x8F2B, s0  }
0xbd: {  	[sflag:s0] =	ssyncadd.remote.s32 $0x1  }
0xbe: {  	_ =	sfence.sel $0xFFFF  }
0xbf: {  	[dreg:$0x0] =	wrdreg $0xFFFFFFFF;
	(pc) =	sbr.abs _section_cstart, $3  }
0xc0: {  	[dreg:$0x1] =	wrdreg $0xFFFFFFFF  }
0xc1: {  	_ =	task.clear_ibuf [dreg:s7], $0x2FFFF;
	_ =	strace $0x9FFFFFFF  }
0xc2: {  	(tm) =	ssettm $0x7FFFFFFF  }
0xc3: {  	_ =	shalt  }
tec
execute0_lowered:
.L_overlay_start_1:
0x0: {  	(tag) =	ssettag $0x1  }
0x1: {  	s0 =	stileid.u32;
	s3 =	rddreg [dreg:$0x0]  }
0x2: {  	s1 =	rddreg [dreg:$0x1];
	s2 =	sshll.u32 s0, $0x1  }
0x3: {  	s5 =	sand.u32 $0xE, s2;
	s6 =	sand.u32 $0x10, s2;
	s2 =	simm.s32 $0x0  }
0x4: {  	s24 =	simm.s32 $0x880;
	[smem:$0x7FF] =	sst s2  }
0x5: {  	s25 =	simm.s32 $0x1080;
	_ =	strace $0x80000047;
	[dreg:$0x5] =	wrdreg s24  }
0x6: {  	s26 =	simm.s32 $0x1880;
	[dreg:$0x6] =	wrdreg s25  }
0x7: {  	s0 =	simm.s32 $0x2080;
	[dreg:$0x7] =	wrdreg s26  }
0x8: {  	s8 =	simm.s32 $0x4080;
	[dreg:$0x8] =	wrdreg s0  }
0x9: {  	s9 =	simm.s32 $0x4880;
	[dreg:$0xc] =	wrdreg s8  }
0xa: {  	s10 =	simm.s32 $0x5080;
	[dreg:$0xd] =	wrdreg s9  }
0xb: {  	s11 =	simm.s32 $0x5880;
	[dreg:$0xe] =	wrdreg s10  }
0xc: {  	s12 =	simm.s32 $0x6080;
	[dreg:$0xf] =	wrdreg s11  }
0xd: {  	s4 =	srdreg.scid;
	s13 =	simm.s32 $0x6880;
	[dreg:$0x10] =	wrdreg s12  }
0xe: {  	s14 =	simm.s32 $0x7080;
	s15 =	simm.s32 $0x7880;
	[dreg:$0x11] =	wrdreg s13  }
0xf: {  	s16 =	simm.s32 $0x8080;
	s17 =	simm.s32 $0x8880;
	[dreg:$0x12] =	wrdreg s14  }
0x10: {  	s18 =	simm.s32 $0x9080;
	s20 =	simm.s32 $0x9880;
	[dreg:$0x13] =	wrdreg s15  }
0x11: {  	s21 =	simm.s32 $0xA080;
	s22 =	simm.s32 $0xA880;
	[dreg:$0x14] =	wrdreg s16  }
0x12: {  	s23 =	simm.s32 $0xB080;
	s28 =	simm.s32 $0x16080;
	[dreg:$0x15] =	wrdreg s17  }
0x13: {  	s29 =	simm.s32 $0x16880;
	s30 =	simm.s32 $0x17080;
	[dreg:$0x16] =	wrdreg s18  }
0x14: {  	s31 =	simm.s32 $0x17880;
	s4 =	sand.u32 $0x1, s4;
	[dreg:$0x17] =	wrdreg s20  }
0x15: {  	s5 =	sor.u32 s4, s5;
	s6 =	sadd.s32 s6, s1;
	[dreg:$0x18] =	wrdreg s21  }
0x16: {  	s4 =	ssub.s32 $0x2, s4;
	s7 =	sshll.u32 s5, $0x7;
	[dreg:$0x19] =	wrdreg s22  }
0x17: {  	s5 =	smul.u32 $0x3000, s5;
	s19 =	sshrl.u32 s4, $0x1;
	[dreg:$0x1a] =	wrdreg s23  }
0x18: {  	s24 =	simm.s32 $0xB880;
	s25 =	simm.s32 $0xC080;
	s8 =	simm.s32 $0x80  }
0x19: {  	s26 =	simm.s32 $0xC880;
	s10 =	simm.s32 $0xD880;
	s11 =	simm.s32 $0xE080  }
0x1a: {  	s12 =	simm.s32 $0xE880;
	s13 =	simm.s32 $0xF080;
	s14 =	simm.s32 $0xF880  }
0x1b: {  	s15 =	simm.s32 $0x10080;
	s16 =	simm.s32 $0x10880;
	s17 =	simm.s32 $0x11080  }
0x1c: {  	s18 =	simm.s32 $0x11880;
	s20 =	simm.s32 $0x12880;
	[dreg:$0x1b] =	wrdreg s24  }
0x1d: {  	s21 =	simm.s32 $0x13080;
	s22 =	simm.s32 $0x13880;
	[dreg:$0x1c] =	wrdreg s25  }
0x1e: {  	s6 =	sadd.s32 s7, s6;
	s7 =	simm.s32 $0x3880;
	[dreg:$0x1d] =	wrdreg s26  }
0x1f: {  	s23 =	simm.s32 $0x14080;
	s6 =	sadd.s32 $0x5000, s6;
	[dreg:$0xb] =	wrdreg s7  }
0x20: {  	s24 =	simm.s32 $0x14880;
	s3 =	sadd.s32 s3, s5;
	[dreg:$0x3] =	wrdreg s6  }
0x21: {  	s25 =	simm.s32 $0x15080;
	s5 =	simm.s32 $0x2880;
	[dreg:$0x4] =	wrdreg s3  }
0x22: {  	s26 =	simm.s32 $0x15880;
	s7 =	simm.s32 $0x2;
	[dreg:$0x9] =	wrdreg s5  }
0x23: {  	v2 =	vlaneseq.u32;
	s6 =	simm.s32 $0x3080;
	s3 =	sadd.s32 $0xD800, s1;
	s5 =	sadd.s32 $0xDA00, s1  }
0x24: {  	vm0 =	vmmov $0xffff;
	v1 =	vshrl.u32 v2, $0x3;
	[dreg:$0xa] =	wrdreg s6;
	s6 =	ssub.s32 s4, s19;
	s4 =	sadd.s32 $0xD900, s1  }
0x25: {  	v0 =	vand.u32 $0x7, v2;
	v2 =	vor.u32 $0x8, v2;
	v1 =	vmul.u32 $0x8, v1;
	s19 =	simm.s32 $0x12080;
	s1 =	simm.s32 $0x1;
	s6 =	smax.u32 s6, $0x1  }
.LBB2_1:
0x26: {  	s0 =	rddreg [dreg:$0x3]  }
0x27: {  	[tilespmem:s2], [sflag:$0x2] =	stream.linear.gather [hbm4b:s0+s2], $0x80, $0x38;
	[tilespmem:$0x18080] =	vst v63  }
0x28: {  	_ =	swait.ge [sflag:s7], $0x80  }
0x29: {  	[sflag:s7] =	ssyncset.done $0x0  }
0x2a: {  	s9 =	rddreg [dreg:$0x4];
	[sflag:s7] =	ssyncadd.s32 $0xFFFFFF80  }
0x2b: {  	[tilespmem:s8], [sflag:$0x2] =	stream.linear.gather [hbm4b:s9+s2], $0x18000, $0x38;
	[tilespmem:$0x18080] =	vst v63  }
0x2c: {  	_ =	swait.ge [sflag:s7], $0x18000  }
0x2d: {  	[sflag:s7] =	ssyncset.done $0x0  }
0x2e: {  	[sflag:s7] =	ssyncadd.s32 $0xFFFE8000  }
0x2f: {  	v3 =	vld [tilespmem:$0x0];
	_ =	sdelay $0x4  }
0x30: {  	v4 =	vshrl.u32 v3, $0x3  }
0x31: {  	v4 =	vmul.u32 $0x30, v4  }
0x32: {  	v3 =	vand.u32 $0x7, v3  }
0x33: {  	v3 =	vor.u32 v3, v4  }
0x34: {  	v4 =	vperm.xlane v3, v0;
	_ =	sdelay $0x1  }
0x35: {  	v4 =	vadd.s32 v1, v4;
	_ =	sdelay $0x3  }
0x36: {  	v3 =	vperm.xlane v3, v2  }
0x37: {  	[hbm4b:s3+s2] =	stream.indirect_vreg.scatter [tilespmem:s8], [sflag:$0x1], $0x80, v4, vm0, $0xb8;
	[tilespmem:$0x18080] =	vst v63  }
0x38: {  	s0 =	rddreg [dreg:$0x5];
	v3 =	vadd.s32 v1, v3  }
0x39: {  	[hbm4b:s4+s2] =	stream.indirect_vreg.scatter [tilespmem:s0], [sflag:$0x1], $0x80, v4, vm0, $0xb8;
	[tilespmem:$0x18080] =	vst v63  }
0x3a: {  	s9 =	rddreg [dreg:$0x6]  }
0x3b: {  	[hbm4b:s5+s2] =	stream.indirect_vreg.scatter [tilespmem:s9], [sflag:$0x1], $0x80, v4, vm0, $0xb8;
	[tilespmem:$0x18080] =	vst v63  }
0x3c: {  	s0 =	rddreg [dreg:$0x7]  }
0x3d: {  	[hbm4b:s3+s2] =	stream.indirect_vreg.scatter [tilespmem:s0], [sflag:$0x1], $0x80, v3, vm0, $0xb8;
	[tilespmem:$0x18080] =	vst v63  }
0x3e: {  	s9 =	rddreg [dreg:$0x8]  }
0x3f: {  	[hbm4b:s4+s2] =	stream.indirect_vreg.scatter [tilespmem:s9], [sflag:$0x1], $0x80, v3, vm0, $0xb8;
	[tilespmem:$0x18080] =	vst v63  }
0x40: {  	s0 =	rddreg [dreg:$0x9]  }
0x41: {  	[hbm4b:s5+s2] =	stream.indirect_vreg.scatter [tilespmem:s0], [sflag:$0x1], $0x80, v3, vm0, $0xb8;
	[tilespmem:$0x18080] =	vst v63  }
0x42: {  	v3 =	vld [tilespmem:$0x10];
	_ =	sdelay $0x4  }
0x43: {  	v57 =	vshrl.u32 v3, $0x3  }
0x44: {  	v4 =	vmul.u32 $0x30, v57  }
0x45: {  	v3 =	vand.u32 $0x7, v3  }
0x46: {  	v3 =	vor.u32 v3, v4  }
0x47: {  	v4 =	vperm.xlane v3, v0;
	_ =	sdelay $0x1  }
0x48: {  	v4 =	vadd.s32 v1, v4;
	_ =	sdelay $0x3  }
0x49: {  	s0 =	rddreg [dreg:$0xa];
	v3 =	vperm.xlane v3, v2  }
0x4a: {  	[hbm4b:s3+s2] =	stream.indirect_vreg.scatter [tilespmem:s0], [sflag:$0x1], $0x80, v4, vm0, $0xb8;
	[tilespmem:$0x18080] =	vst v63  }
0x4b: {  	s9 =	rddreg [dreg:$0xb];
	v3 =	vadd.s32 v1, v3  }
0x4c: {  	[hbm4b:s4+s2] =	stream.indirect_vreg.scatter [tilespmem:s9], [sflag:$0x1], $0x80, v4, vm0, $0xb8;
	[tilespmem:$0x18080] =	vst v63  }
0x4d: {  	s0 =	rddreg [dreg:$0xc]  }
0x4e: {  	[hbm4b:s5+s2] =	stream.indirect_vreg.scatter [tilespmem:s0], [sflag:$0x1], $0x80, v4, vm0, $0xb8;
	[tilespmem:$0x18080] =	vst v63  }
0x4f: {  	s9 =	rddreg [dreg:$0xd]  }
0x50: {  	[hbm4b:s3+s2] =	stream.indirect_vreg.scatter [tilespmem:s9], [sflag:$0x1], $0x80, v3, vm0, $0xb8;
	[tilespmem:$0x18080] =	vst v63  }
0x51: {  	s0 =	rddreg [dreg:$0xe]  }
0x52: {  	[hbm4b:s4+s2] =	stream.indirect_vreg.scatter [tilespmem:s0], [sflag:$0x1], $0x80, v3, vm0, $0xb8;
	[tilespmem:$0x18080] =	vst v63  }
0x53: {  	s9 =	rddreg [dreg:$0xf]  }
0x54: {  	[hbm4b:s5+s2] =	stream.indirect_vreg.scatter [tilespmem:s9], [sflag:$0x1], $0x80, v3, vm0, $0xb8;
	[tilespmem:$0x18080] =	vst v63  }
0x55: {  	v3 =	vld [tilespmem:$0x20];
	_ =	sdelay $0x4  }
0x56: {  	v58 =	vshrl.u32 v3, $0x3  }
0x57: {  	v4 =	vmul.u32 $0x30, v58  }
0x58: {  	v3 =	vand.u32 $0x7, v3  }
0x59: {  	v3 =	vor.u32 v3, v4  }
0x5a: {  	v4 =	vperm.xlane v3, v0;
	_ =	sdelay $0x1  }
0x5b: {  	v4 =	vadd.s32 v1, v4;
	_ =	sdelay $0x3  }
0x5c: {  	s0 =	rddreg [dreg:$0x10];
	v3 =	vperm.xlane v3, v2  }
0x5d: {  	[hbm4b:s3+s2] =	stream.indirect_vreg.scatter [tilespmem:s0], [sflag:$0x1], $0x80, v4, vm0, $0xb8;
	[tilespmem:$0x18080] =	vst v63  }
0x5e: {  	s9 =	rddreg [dreg:$0x11];
	v3 =	vadd.s32 v1, v3  }
0x5f: {  	[hbm4b:s4+s2] =	stream.indirect_vreg.scatter [tilespmem:s9], [sflag:$0x1], $0x80, v4, vm0, $0xb8;
	[tilespmem:$0x18080] =	vst v63  }
0x60: {  	s0 =	rddreg [dreg:$0x12]  }
0x61: {  	[hbm4b:s5+s2] =	stream.indirect_vreg.scatter [tilespmem:s0], [sflag:$0x1], $0x80, v4, vm0, $0xb8;
	[tilespmem:$0x18080] =	vst v63  }
0x62: {  	s9 =	rddreg [dreg:$0x13]  }
0x63: {  	[hbm4b:s3+s2] =	stream.indirect_vreg.scatter [tilespmem:s9], [sflag:$0x1], $0x80, v3, vm0, $0xb8;
	[tilespmem:$0x18080] =	vst v63  }
0x64: {  	s0 =	rddreg [dreg:$0x14]  }
0x65: {  	[hbm4b:s4+s2] =	stream.indirect_vreg.scatter [tilespmem:s0], [sflag:$0x1], $0x80, v3, vm0, $0xb8;
	[tilespmem:$0x18080] =	vst v63  }
0x66: {  	s9 =	rddreg [dreg:$0x15]  }
0x67: {  	[hbm4b:s5+s2] =	stream.indirect_vreg.scatter [tilespmem:s9], [sflag:$0x1], $0x80, v3, vm0, $0xb8;
	[tilespmem:$0x18080] =	vst v63  }
0x68: {  	v3 =	vld [tilespmem:$0x30];
	_ =	sdelay $0x4  }
0x69: {  	v59 =	vshrl.u32 v3, $0x3  }
0x6a: {  	v4 =	vmul.u32 $0x30, v59  }
0x6b: {  	v3 =	vand.u32 $0x7, v3  }
0x6c: {  	v3 =	vor.u32 v3, v4  }
0x6d: {  	v4 =	vperm.xlane v3, v0;
	_ =	sdelay $0x1  }
0x6e: {  	v4 =	vadd.s32 v1, v4;
	_ =	sdelay $0x3  }
0x6f: {  	s0 =	rddreg [dreg:$0x16];
	v3 =	vperm.xlane v3, v2  }
0x70: {  	[hbm4b:s3+s2] =	stream.indirect_vreg.scatter [tilespmem:s0], [sflag:$0x1], $0x80, v4, vm0, $0xb8;
	[tilespmem:$0x18080] =	vst v63  }
0x71: {  	s9 =	rddreg [dreg:$0x17];
	v3 =	vadd.s32 v1, v3  }
0x72: {  	[hbm4b:s4+s2] =	stream.indirect_vreg.scatter [tilespmem:s9], [sflag:$0x1], $0x80, v4, vm0, $0xb8;
	[tilespmem:$0x18080] =	vst v63  }
0x73: {  	s0 =	rddreg [dreg:$0x18]  }
0x74: {  	[hbm4b:s5+s2] =	stream.indirect_vreg.scatter [tilespmem:s0], [sflag:$0x1], $0x80, v4, vm0, $0xb8;
	[tilespmem:$0x18080] =	vst v63  }
0x75: {  	s9 =	rddreg [dreg:$0x19]  }
0x76: {  	[hbm4b:s3+s2] =	stream.indirect_vreg.scatter [tilespmem:s9], [sflag:$0x1], $0x80, v3, vm0, $0xb8;
	[tilespmem:$0x18080] =	vst v63  }
0x77: {  	s0 =	rddreg [dreg:$0x1a]  }
0x78: {  	[hbm4b:s4+s2] =	stream.indirect_vreg.scatter [tilespmem:s0], [sflag:$0x1], $0x80, v3, vm0, $0xb8;
	[tilespmem:$0x18080] =	vst v63  }
0x79: {  	s9 =	rddreg [dreg:$0x1b]  }
0x7a: {  	[hbm4b:s5+s2] =	stream.indirect_vreg.scatter [tilespmem:s9], [sflag:$0x1], $0x80, v3, vm0, $0xb8;
	[tilespmem:$0x18080] =	vst v63  }
0x7b: {  	v3 =	vld [tilespmem:$0x40];
	_ =	sdelay $0x4  }
0x7c: {  	v60 =	vshrl.u32 v3, $0x3  }
0x7d: {  	v4 =	vmul.u32 $0x30, v60  }
0x7e: {  	v3 =	vand.u32 $0x7, v3  }
0x7f: {  	v3 =	vor.u32 v3, v4  }
0x80: {  	v4 =	vperm.xlane v3, v0;
	_ =	sdelay $0x1  }
0x81: {  	v4 =	vadd.s32 v1, v4;
	_ =	sdelay $0x3  }
0x82: {  	s0 =	rddreg [dreg:$0x1c];
	v3 =	vperm.xlane v3, v2  }
0x83: {  	[hbm4b:s3+s2] =	stream.indirect_vreg.scatter [tilespmem:s0], [sflag:$0x1], $0x80, v4, vm0, $0xb8;
	[tilespmem:$0x18080] =	vst v63  }
0x84: {  	s9 =	rddreg [dreg:$0x1d];
	v3 =	vadd.s32 v1, v3  }
0x85: {  	[hbm4b:s4+s2] =	stream.indirect_vreg.scatter [tilespmem:s9], [sflag:$0x1], $0x80, v4, vm0, $0xb8;
	[tilespmem:$0x18080] =	vst v63  }
0x86: {  	s9 =	simm.s32 $0xD080  }
0x87: {  	[hbm4b:s5+s2] =	stream.indirect_vreg.scatter [tilespmem:s9], [sflag:$0x1], $0x80, v4, vm0, $0xb8;
	[tilespmem:$0x18080] =	vst v63  }
0x88: {  	_ = 	snop  }
0x89: {  	[hbm4b:s3+s2] =	stream.indirect_vreg.scatter [tilespmem:s10], [sflag:$0x1], $0x80, v3, vm0, $0xb8;
	[tilespmem:$0x18080] =	vst v63  }
0x8a: {  	_ = 	snop  }
0x8b: {  	[hbm4b:s4+s2] =	stream.indirect_vreg.scatter [tilespmem:s11], [sflag:$0x1], $0x80, v3, vm0, $0xb8;
	[tilespmem:$0x18080] =	vst v63  }
0x8c: {  	_ = 	snop  }
0x8d: {  	[hbm4b:s5+s2] =	stream.indirect_vreg.scatter [tilespmem:s12], [sflag:$0x1], $0x80, v3, vm0, $0xb8;
	[tilespmem:$0x18080] =	vst v63  }
0x8e: {  	v3 =	vld [tilespmem:$0x50];
	_ =	sdelay $0x4  }
0x8f: {  	v61 =	vshrl.u32 v3, $0x3  }
0x90: {  	v4 =	vmul.u32 $0x30, v61  }
0x91: {  	v3 =	vand.u32 $0x7, v3  }
0x92: {  	v3 =	vor.u32 v3, v4  }
0x93: {  	v4 =	vperm.xlane v3, v0;
	_ =	sdelay $0x1  }
0x94: {  	v4 =	vadd.s32 v1, v4;
	_ =	sdelay $0x3  }
0x95: {  	v3 =	vperm.xlane v3, v2  }
0x96: {  	[hbm4b:s3+s2] =	stream.indirect_vreg.scatter [tilespmem:s13], [sflag:$0x1], $0x80, v4, vm0, $0xb8;
	[tilespmem:$0x18080] =	vst v63  }
0x97: {  	v3 =	vadd.s32 v1, v3  }
0x98: {  	[hbm4b:s4+s2] =	stream.indirect_vreg.scatter [tilespmem:s14], [sflag:$0x1], $0x80, v4, vm0, $0xb8;
	[tilespmem:$0x18080] =	vst v63  }
0x99: {  	_ = 	snop  }
0x9a: {  	[hbm4b:s5+s2] =	stream.indirect_vreg.scatter [tilespmem:s15], [sflag:$0x1], $0x80, v4, vm0, $0xb8;
	[tilespmem:$0x18080] =	vst v63  }
0x9b: {  	_ = 	snop  }
0x9c: {  	[hbm4b:s3+s2] =	stream.indirect_vreg.scatter [tilespmem:s16], [sflag:$0x1], $0x80, v3, vm0, $0xb8;
	[tilespmem:$0x18080] =	vst v63  }
0x9d: {  	_ = 	snop  }
0x9e: {  	[hbm4b:s4+s2] =	stream.indirect_vreg.scatter [tilespmem:s17], [sflag:$0x1], $0x80, v3, vm0, $0xb8;
	[tilespmem:$0x18080] =	vst v63  }
0x9f: {  	_ = 	snop  }
0xa0: {  	[hbm4b:s5+s2] =	stream.indirect_vreg.scatter [tilespmem:s18], [sflag:$0x1], $0x80, v3, vm0, $0xb8;
	[tilespmem:$0x18080] =	vst v63  }
0xa1: {  	v3 =	vld [tilespmem:$0x60];
	_ =	sdelay $0x4  }
0xa2: {  	v62 =	vshrl.u32 v3, $0x3  }
0xa3: {  	v4 =	vmul.u32 $0x30, v62  }
0xa4: {  	v3 =	vand.u32 $0x7, v3  }
0xa5: {  	v3 =	vor.u32 v3, v4  }
0xa6: {  	v4 =	vperm.xlane v3, v0;
	_ =	sdelay $0x1  }
0xa7: {  	v4 =	vadd.s32 v1, v4;
	_ =	sdelay $0x3  }
0xa8: {  	v3 =	vperm.xlane v3, v2  }
0xa9: {  	[hbm4b:s3+s2] =	stream.indirect_vreg.scatter [tilespmem:s19], [sflag:$0x1], $0x80, v4, vm0, $0xb8;
	[tilespmem:$0x18080] =	vst v63  }
0xaa: {  	v3 =	vadd.s32 v1, v3  }
0xab: {  	[hbm4b:s4+s2] =	stream.indirect_vreg.scatter [tilespmem:s20], [sflag:$0x1], $0x80, v4, vm0, $0xb8;
	[tilespmem:$0x18080] =	vst v63  }
0xac: {  	_ = 	snop  }
0xad: {  	[hbm4b:s5+s2] =	stream.indirect_vreg.scatter [tilespmem:s21], [sflag:$0x1], $0x80, v4, vm0, $0xb8;
	[tilespmem:$0x18080] =	vst v63  }
0xae: {  	_ = 	snop  }
0xaf: {  	[hbm4b:s3+s2] =	stream.indirect_vreg.scatter [tilespmem:s22], [sflag:$0x1], $0x80, v3, vm0, $0xb8;
	[tilespmem:$0x18080] =	vst v63  }
0xb0: {  	_ = 	snop  }
0xb1: {  	[hbm4b:s4+s2] =	stream.indirect_vreg.scatter [tilespmem:s23], [sflag:$0x1], $0x80, v3, vm0, $0xb8;
	[tilespmem:$0x18080] =	vst v63  }
0xb2: {  	_ = 	snop  }
0xb3: {  	[hbm4b:s5+s2] =	stream.indirect_vreg.scatter [tilespmem:s24], [sflag:$0x1], $0x80, v3, vm0, $0xb8;
	[tilespmem:$0x18080] =	vst v63  }
0xb4: {  	v3 =	vld [tilespmem:$0x70];
	_ =	sdelay $0x4  }
0xb5: {  	v63 =	vshrl.u32 v3, $0x3  }
0xb6: {  	v4 =	vmul.u32 $0x30, v63  }
0xb7: {  	v3 =	vand.u32 $0x7, v3  }
0xb8: {  	v3 =	vor.u32 v3, v4  }
0xb9: {  	v4 =	vperm.xlane v3, v0;
	_ =	sdelay $0x1  }
0xba: {  	v4 =	vadd.s32 v1, v4;
	_ =	sdelay $0x3  }
0xbb: {  	v3 =	vperm.xlane v3, v2  }
0xbc: {  	[hbm4b:s3+s2] =	stream.indirect_vreg.scatter [tilespmem:s25], [sflag:$0x1], $0x80, v4, vm0, $0xb8;
	[tilespmem:$0x18080] =	vst v63  }
0xbd: {  	v3 =	vadd.s32 v1, v3  }
0xbe: {  	[hbm4b:s4+s2] =	stream.indirect_vreg.scatter [tilespmem:s26], [sflag:$0x1], $0x80, v4, vm0, $0xb8;
	[tilespmem:$0x18080] =	vst v63  }
0xbf: {  	_ = 	snop  }
0xc0: {  	[hbm4b:s5+s2] =	stream.indirect_vreg.scatter [tilespmem:s28], [sflag:$0x1], $0x80, v4, vm0, $0xb8;
	[tilespmem:$0x18080] =	vst v63  }
0xc1: {  	_ = 	snop  }
0xc2: {  	[hbm4b:s3+s2] =	stream.indirect_vreg.scatter [tilespmem:s29], [sflag:$0x1], $0x80, v3, vm0, $0xb8;
	[tilespmem:$0x18080] =	vst v63  }
0xc3: {  	p0 =	sne.s32 s6, $0x1  }
0xc4: {  	[hbm4b:s4+s2] =	stream.indirect_vreg.scatter [tilespmem:s30], [sflag:$0x1], $0x80, v3, vm0, $0xb8;
	[tilespmem:$0x18080] =	vst v63  }
.Ltmp0:
0xc5: {  	_ = 	snop;
	(pc) =	sbr.rel @p0 .LBB2_1-.Ltmp0, $4  }
0xc6: {  	[hbm4b:s5+s2] =	stream.indirect_vreg.scatter [tilespmem:s31], [sflag:$0x1], $0x80, v3, vm0, $0xb8;
	[tilespmem:$0x18080] =	vst v63  }
0xc7: {  	_ =	swait.ge [sflag:s1], $0x18000  }
0xc8: {  	[sflag:s1] =	ssyncset.done $0x0  }
0xc9: {  	s6 =	sadd.s32 $0xFFFFFFFF, s6;
	[sflag:s1] =	ssyncadd.s32 $0xFFFE8000  }
0xca: {  	_ =	sfence.sel $0x180000  }
0xcb: {  	[bflag:$0x0] =	sbarrier.arrive $0xFFFF  }
0xcc: {  	_ =	strace $0x90000047  }
0xcd: {  	s0 =	stileid.u32;
	[bflag:$0x2] =	sbarrier.arrive $0xFFFF  }
0xce: {  	p0 =	sne.s32 s0, $0x0;
	s0 =	rddreg [dreg:$0x2]  }
0xcf: {  	s0 =	sadd.s32 @!p0 $0x100000, s0  }
0xd0: {  	[sflag:s0] =	ssyncadd.tile.s32 @!p0 $0x1;
	_ =	shalt  }
.Lfunc_end2:
_tile_overlayer_lowered:
.L_overlay_start_2:
0xd1: {  	(tag) =	ssettag $0x2  }
0xd2: {  	s0 =	rddreg [dreg:$0x0];
	s2 =	stileid.u32  }
0xd3: {  	s1 =	rddreg [dreg:$0x1];
	p0 =	sne.s32 s2, $0x0  }
0xd4: {  	s3 =	rddreg [dreg:$0x2];
	[bflag:$0x3] =	sbarrier.arrive $0xFFFF;
	s2 =	simm.s32 @!p0 $0x1C02  }
0xd5: {  	[timem:s3], [sflag:s2] =	dma.local @!p0 [hbm:s0], s1  }
0xd6: {  	s0 =	simm.s32 @!p0 $0x2  }
0xd7: {  	_ =	swait.ge @!p0 [sflag:s0], s1  }
0xd8: {  	s1 =	ssub.s32 @!p0 $0x0, s1;
	[sflag:s0] =	ssyncset.done @!p0 $0x0  }
0xd9: {  	[sflag:s0] =	ssyncadd.s32 @!p0 s1  }
0xda: {  	[bflag:$0x3] =	sbarrier.arrive $0xFFFF  }
0xdb: {  	_ =	shalt  }

// kernel: kernel.21.cloned.1.call-start
scs
__scs_entry_jumppad:
0x0: {  	(pc) =	sbr.rel $0x88, $3  }
0x1: {  	(tag) =	ssettag $0x0;
	lr =	simm.s32 $0x1  }
0x2: {  	[smem:$0x3F88] =	sst lr;
	_ =	strace $0xD0000000  }
0x3: {  	_ = 	snop  }
0x4: {  	_ = 	snop  }
0x5: {  	_ = 	snop  }
0x6: {  	_ = 	snop  }
0x7: {  	_ = 	snop  }
__scs_overlays_trampoline_lowered:
0x8: {  	[smem:$0x3F97] =	sst s0  }
0x9: {  	[smem:$0x3F98] =	sst s1  }
0xa: {  	[smem:$0x3F99] =	sst s2  }
0xb: {  	[smem:$0x3F9A] =	sst s3  }
0xc: {  	[smem:$0x3F9B] =	sst s4  }
0xd: {  	[smem:$0x3F9C] =	sst s5  }
0xe: {  	[smem:$0x3F9D] =	sst s6  }
0xf: {  	[smem:$0x3F9E] =	sst s7  }
0x10: {  	[smem:$0x3F9F] =	sst s8  }
0x11: {  	[smem:$0x3FA0] =	sst s9;
	s0 =	simm.s32 @!p0 $0x0  }
0x12: {  	s1 =	sld [smem:$0x3F86];
	s0 =	simm.s32 @p0 $0x1  }
0x13: {  	[smem:$0x3FA1] =	sst s0;
	s0 =	simm.s32 @!p1 $0x0  }
0x14: {  	s2 =	sld [smem:$0x3F85];
	s0 =	simm.s32 @p1 $0x1  }
0x15: {  	[smem:$0x3FA2] =	sst s0;
	s0 =	simm.s32 @!p2 $0x0  }
0x16: {  	s3 =	sld [smem:$0x3FDB];
	s0 =	simm.s32 @p2 $0x1  }
0x17: {  	s4 =	simm.s32 $0x1BF5;
	[smem:$0x3FA4] =	sst s0  }
0x18: {  	s0 =	sld [smem:$0x3F87];
	_ =	swait.ge [sflag:s4], $0x0  }
0x19: {  	s7 =	sld [smem:$0x3F88]  }
0x1a: {  	s8 =	sadd.s32 $0xFFFFE003, lr  }
0x1b: {  	s9 =	sadd.s32 $0xFFFFFEF7, lr;
	s5 =	simm.s32 $0xFFFFFFFF;
	p2 =	slt.u32 s8, $0xFFFFF086  }
0x1c: {  	p1 =	slt.u32 s9, $0xF7A;
	s5 =	simm.s32 @!p2 $0x0  }
0x1d: {  	s5 =	simm.s32 @p1 $0x1;
	p0 =	seq.s32 s7, s2  }
0x1e: {  	s7 =	smul.u32 @!p0 $0xF7A, s2;
	p2 =	seq.s32 @!p0 s5, $0x0  }
0x1f: {  	s9 =	smul.u32 $0xF7A, s1;
	s8 =	simm.s32 @!p0 $0x1BF5;
	p2 =	por !p2, p0  }
0x20: {  	[sflag:s8] =	ssyncset.s32 @!p0 $0xFFFFF086;
	s6 =	sadd.s32 @!p0 s3, s7;
	s7 =	simm.s32 @!p0 $0x108  }
0x21: {  	s3 =	sadd.s32 s3, s9;
	s6 =	sadd.s32 @!p0 $0x88, s6;
	s7 =	simm.s32 @p2 $0x1082  }
0x22: {  	[simem:s7], [sflag:s8] =	dma.local @!p0 [hbm:s6], $0xF7A  }
0x23: {  	s9 =	sor.u32 $0xD0000000, s2;
	s6 =	simm.s32 $0x108;
	_ =	swait.ge @!p0 [sflag:s8], $0x0  }
0x24: {  	s3 =	sadd.s32 $0x88, s3;
	s6 =	simm.s32 @!p1 $0x1082;
	[sflag:s4] =	ssyncset.s32 $0xFFFFF086  }
0x25: {  	[simem:s6], [sflag:s4] =	dma.local [hbm:s3], $0xF7A  }
0x26: {  	[smem:$0x3F88] =	sst s1;
	(tag) =	ssettag s2;
	_ =	strace s9  }
0x27: {  	s1 =	sld [smem:$0x3F98]  }
0x28: {  	s2 =	sld [smem:$0x3F99]  }
0x29: {  	s4 =	sld [smem:$0x3F9B]  }
0x2a: {  	p0 =	seq.s32 s5, $0x0;
	s5 =	sld [smem:$0x3F9C]  }
0x2b: {  	s6 =	sld [smem:$0x3F9D]  }
0x2c: {  	s7 =	sld [smem:$0x3F9E]  }
0x2d: {  	s3 =	simm.s32 $0x108;
	s8 =	sld [smem:$0x3F9F]  }
0x2e: {  	s3 =	simm.s32 @!p0 $0x1082;
	s9 =	sld [smem:$0x3FA0]  }
0x2f: {  	lr =	sadd.s32 s0, s3;
	s0 =	sld [smem:$0x3F97]  }
0x30: {  	s3 =	sld [smem:$0x3F9A]  }
0x31: {  	[smem:$0x3FA3] =	sst s10  }
0x32: {  	s10 =	sld [smem:$0x3FA1];
	_ =	sdelay $0x3  }
0x33: {  	p0 =	seq.s32 s10, $0x1;
	s10 =	sld [smem:$0x3FA3];
	_ =	sdelay $0x3  }
0x34: {  	[smem:$0x3FA3] =	sst s10  }
0x35: {  	s10 =	sld [smem:$0x3FA2];
	_ =	sdelay $0x3  }
0x36: {  	p1 =	seq.s32 s10, $0x1;
	s10 =	sld [smem:$0x3FA3];
	_ =	sdelay $0x3  }
0x37: {  	[smem:$0x3FA3] =	sst s10  }
0x38: {  	s10 =	sld [smem:$0x3FA4]  }
0x39: {  	_ = 	snop;
	(pc) =	sbr.ind lr, $3  }
0x3a: {  	_ = 	snop  }
0x3b: {  	_ = 	snop  }
0x3c: {  	p2 =	seq.s32 s10, $0x1;
	s10 =	sld [smem:$0x3FA3]  }
0x3d: {  	_ =	shalt  }
0x3e: {  	_ =	shalt  }
0x3f: {  	_ =	shalt  }
0x40: {  	_ =	shalt  }
0x41: {  	_ =	shalt  }
0x42: {  	_ =	shalt  }
0x43: {  	_ =	shalt  }
0x44: {  	_ =	shalt  }
0x45: {  	_ =	shalt  }
0x46: {  	_ =	shalt  }
0x47: {  	_ =	shalt  }
0x48: {  	_ =	shalt  }
0x49: {  	_ =	shalt  }
0x4a: {  	_ =	shalt  }
0x4b: {  	_ =	shalt  }
0x4c: {  	_ =	shalt  }
0x4d: {  	_ =	shalt  }
0x4e: {  	_ =	shalt  }
0x4f: {  	_ =	shalt  }
0x50: {  	_ =	shalt  }
0x51: {  	_ =	shalt  }
0x52: {  	_ =	shalt  }
0x53: {  	_ =	shalt  }
0x54: {  	_ =	shalt  }
0x55: {  	_ =	shalt  }
0x56: {  	_ =	shalt  }
0x57: {  	_ =	shalt  }
0x58: {  	_ =	shalt  }
0x59: {  	_ =	shalt  }
0x5a: {  	_ =	shalt  }
0x5b: {  	_ =	shalt  }
0x5c: {  	_ =	shalt  }
0x5d: {  	_ =	shalt  }
0x5e: {  	_ =	shalt  }
0x5f: {  	_ =	shalt  }
0x60: {  	_ =	shalt  }
0x61: {  	_ =	shalt  }
0x62: {  	_ =	shalt  }
0x63: {  	_ =	shalt  }
0x64: {  	_ =	shalt  }
0x65: {  	_ =	shalt  }
0x66: {  	_ =	shalt  }
0x67: {  	_ =	shalt  }
0x68: {  	_ =	shalt  }
0x69: {  	_ =	shalt  }
0x6a: {  	_ =	shalt  }
0x6b: {  	_ =	shalt  }
0x6c: {  	_ =	shalt  }
0x6d: {  	_ =	shalt  }
0x6e: {  	_ =	shalt  }
0x6f: {  	_ =	shalt  }
0x70: {  	_ =	shalt  }
0x71: {  	_ =	shalt  }
0x72: {  	_ =	shalt  }
0x73: {  	_ =	shalt  }
0x74: {  	_ =	shalt  }
0x75: {  	_ =	shalt  }
0x76: {  	_ =	shalt  }
0x77: {  	_ =	shalt  }
0x78: {  	_ =	shalt  }
0x79: {  	_ =	shalt  }
0x7a: {  	_ =	shalt  }
0x7b: {  	_ =	shalt  }
0x7c: {  	_ =	shalt  }
0x7d: {  	_ =	shalt  }
0x7e: {  	_ =	shalt  }
0x7f: {  	_ =	shalt  }
0x80: {  	_ =	shalt  }
0x81: {  	_ =	shalt  }
0x82: {  	_ =	shalt  }
0x83: {  	_ =	shalt  }
0x84: {  	_ =	shalt  }
0x85: {  	_ =	shalt  }
0x86: {  	_ =	shalt  }
0x87: {  	_ =	shalt  }
.Lfunc_end0:
.L_simem_size_0:
called_computation.1_lowered:
.L_overlay_start_0:
0x88: {  	s2 =	sld [smem:$0x3FD9]  }
0x89: {  	s3 =	sld [smem:$0x3FFE];
	_ =	sdelay $0x1  }
0x8a: {  	s1 =	srdreg.scid  }
0x8b: {  	s0 =	sand.u32 $0x1, s1  }
0x8c: {  	s16 =	sshll.u32 s0, $0xA;
	s2 =	sadd.s32 s3, s2  }
0x8d: {  	s2 =	sadd.s32 s2, s16  }
0x8e: {  	[smem:$0x3FAF] =	sst s2  }
0x8f: {  	_ = 	snop  }
0x90: {  	(tm) =	ssettm $0x1  }
0x91: {  	s17 =	sld [smem:$0x3FFB];
	_ =	sdelay $0x3  }
0x92: {  	_ =	strace s17  }
0x93: {  	s2 =	sld [smem:$0x3FFC];
	_ =	sdelay $0x3  }
0x94: {  	_ =	strace s2  }
0x95: {  	s2 =	sld [smem:$0x3FFD];
	_ =	sdelay $0x3  }
0x96: {  	_ =	strace s2  }
0x97: {  	_ =	strace $0x8FFFFFFF  }
0x98: {  	s18 =	sld [smem:$0x3FDB];
	_ =	sdelay $0x1  }
0x99: {  	s19 =	simm.s32 $_scs_section_size  }
0x9a: {  	s4 =	simm.s32 $_size__tile_overlayer_lowered;
	s5 =	simm.s32 $_tile_overlayer_lowered  }
0x9b: {  	s22 =	simm.s32 $0x1BFF;
	s21 =	sshll.u32 s5, $0x1;
	s2 =	sadd.s32 s19, s18  }
0x9c: {  	s6 =	simm.s32 $0x0;
	s20 =	sshll.u32 s4, $0x1;
	s4 =	sadd.s32 s21, s2  }
0x9d: {  	[timem:s6], [sflag:s22] =	dma.local [hbm:s4], s20  }
0x9e: {  	_ =	swait.ge [sflag:s22], s20  }
0x9f: {  	s3 =	ssub.s32 $0x0, s20;
	[sflag:s22] =	ssyncset.done $0x0  }
0xa0: {  	[sflag:s22] =	ssyncadd.s32 s3;
	_ =	sdelay $0x1  }
0xa1: {  	s23 =	simm.s32 $0x1B8B  }
0xa2: {  	_ =	swait.ge [sflag:s23], $0x1  }
0xa3: {  	[sflag:s23] =	ssyncset.done $0x0  }
0xa4: {  	s25 =	simm.s32 $0x1B8E;
	s24 =	sld [smem:$0x3FFE];
	[sflag:s23] =	ssyncadd.s32 $0xFFFFFFFF  }
0xa5: {  	s26 =	simm.s32 $execute0_lowered;
	[smem:$0x3FD2] =	sst s25  }
0xa6: {  	s4 =	sshll.u32 s26, $0x1;
	_ =	strace $0x80000049;
	[dreg:$0x1] =	wrdreg $0xFFFFFFFF  }
0xa7: {  	s28 =	simm.s32 $_size_execute0_lowered;
	s2 =	sadd.s32 s2, s4;
	[dreg:$0x0] =	wrdreg $0x0  }
0xa8: {  	s4 =	sshll.u32 s28, $0x1;
	[dreg:$0x2] =	wrdreg s2  }
0xa9: {  	[dreg:$0x3] =	wrdreg s4  }
0xaa: {  	[dreg:$0x4] =	wrdreg $0xC0  }
0xab: {  	_ =	task [dreg:s6], $0x5FFFF  }
0xac: {  	[dreg:$0x1] =	wrdreg $0xFFFFFFFF  }
0xad: {  	[dreg:$0x0] =	wrdreg $0x60  }
0xae: {  	[dreg:$0x2] =	wrdreg s24  }
0xaf: {  	[dreg:$0x3] =	wrdreg $0x9  }
0xb0: {  	_ =	task.clear_ibuf [dreg:s6], $0x4FFFF;
	_ =	strace $0x90000049  }
0xb1: {  	s29 =	simm.s32 $0x9;
	_ =	strace $0x8000004B  }
0xb2: {  	_ =	swait.ge [sflag:s29], $0x1  }
0xb3: {  	[sflag:s29] =	ssyncadd.s32 $0xFFFFFFFF  }
0xb4: {  	_ =	strace $0x9000004B  }
0xb5: {  	_ =	sfence  }
0xb6: {  	s30 =	sld [smem:$0x0];
	_ =	sdelay $0x2  }
0xb7: {  	s31 =	sshll.u32 s1, $0xD;
	s1 =	sshrl.u32 s1, $0x2  }
0xb8: {  	s3 =	sand.u32 $0x4000, s31;
	s1 =	sadd.s32 s1, s30  }
0xb9: {  	s0 =	sor.u32 s3, s0;
	s1 =	sshll.u32 s1, $0x11  }
0xba: {  	s0 =	sor.u32 s1, s0  }
0xbb: {  	s0 =	sadd.s32 $0x8F2B, s0  }
0xbc: {  	[sflag:s0] =	ssyncadd.remote.s32 $0x1  }
0xbd: {  	_ =	sfence.sel $0xFFFF  }
0xbe: {  	[dreg:$0x0] =	wrdreg $0xFFFFFFFF;
	(pc) =	sbr.abs _section_cstart, $3  }
0xbf: {  	[dreg:$0x1] =	wrdreg $0xFFFFFFFF  }
0xc0: {  	_ =	task.clear_ibuf [dreg:s6], $0x2FFFF;
	_ =	strace $0x9FFFFFFF  }
0xc1: {  	(tm) =	ssettm $0x7FFFFFFF  }
tec
execute0_lowered:
.L_overlay_start_1:
0x0: {  	(tag) =	ssettag $0x1  }
0x1: {  	s0 =	stileid.u32  }
0x2: {  	s1 =	srdreg.scid;
	s2 =	sshll.u32 s0, $0x1  }
0x3: {  	s1 =	sand.u32 $0x1, s1;
	s2 =	sand.u32 $0xE, s2  }
0x4: {  	s5 =	rddreg [dreg:$0x0];
	s3 =	sshrl.u32 s0, $0x3;
	s2 =	sor.u32 s1, s2  }
0x5: {  	s22 =	sshll.u32 s3, $0xB;
	s3 =	sshll.u32 s3, $0x4;
	s4 =	sshll.u32 s2, $0x7  }
0x6: {  	s3 =	sadd.s32 s3, s5;
	s2 =	sor.u32 s22, s4  }
0x7: {  	s3 =	sadd.s32 s4, s3;
	s6 =	sshrl.u32 s2, $0x3;
	s2 =	simm.s32 $0x0  }
0x8: {  	s3 =	sadd.s32 $0x5000, s3;
	[smem:$0x7FF] =	sst s2  }
0x9: {  	s25 =	simm.s32 $0x880;
	_ =	strace $0x8000004A;
	[dreg:$0x2] =	wrdreg s3  }
0xa: {  	s26 =	simm.s32 $0x1080;
	[dreg:$0x4] =	wrdreg s25  }
0xb: {  	s0 =	simm.s32 $0x1880;
	[dreg:$0x5] =	wrdreg s26  }
0xc: {  	s4 =	simm.s32 $0x2080;
	[dreg:$0x6] =	wrdreg s0  }
0xd: {  	s7 =	simm.s32 $0x3080;
	[dreg:$0x7] =	wrdreg s4  }
0xe: {  	s8 =	simm.s32 $0x3880;
	[dreg:$0x9] =	wrdreg s7  }
0xf: {  	s9 =	simm.s32 $0x4080;
	[dreg:$0xa] =	wrdreg s8  }
0x10: {  	s10 =	simm.s32 $0x4880;
	[dreg:$0xb] =	wrdreg s9  }
0x11: {  	s11 =	simm.s32 $0x5080;
	[dreg:$0xc] =	wrdreg s10  }
0x12: {  	s12 =	simm.s32 $0x5880;
	[dreg:$0xd] =	wrdreg s11  }
0x13: {  	s13 =	simm.s32 $0x6080;
	s14 =	simm.s32 $0x6880;
	[dreg:$0xe] =	wrdreg s12  }
0x14: {  	s15 =	simm.s32 $0x7080;
	s16 =	simm.s32 $0x7880;
	[dreg:$0xf] =	wrdreg s13  }
0x15: {  	s17 =	simm.s32 $0x8080;
	s18 =	simm.s32 $0x8880;
	[dreg:$0x10] =	wrdreg s14  }
0x16: {  	s19 =	simm.s32 $0x9080;
	s21 =	simm.s32 $0x9880;
	[dreg:$0x11] =	wrdreg s15  }
0x17: {  	s28 =	simm.s32 $0x16080;
	s29 =	simm.s32 $0x16880;
	[dreg:$0x12] =	wrdreg s16  }
0x18: {  	s30 =	simm.s32 $0x17080;
	s1 =	ssub.s32 $0x2, s1;
	[dreg:$0x13] =	wrdreg s17  }
0x19: {  	s31 =	simm.s32 $0x17880;
	s20 =	sshrl.u32 s1, $0x1;
	[dreg:$0x14] =	wrdreg s18  }
0x1a: {  	s1 =	ssub.s32 s1, s20;
	s22 =	simm.s32 $0xA080;
	[dreg:$0x15] =	wrdreg s19  }
0x1b: {  	s20 =	simm.s32 $0x12880;
	s6 =	smul.u32 $0x300, s6;
	[dreg:$0x16] =	wrdreg s21  }
0x1c: {  	s3 =	sadd.s32 $0xCDC00, s5;
	s4 =	sadd.s32 $0xCDD00, s5;
	[dreg:$0x17] =	wrdreg s22  }
0x1d: {  	s7 =	simm.s32 $0xB080;
	s25 =	simm.s32 $0xC080;
	s8 =	simm.s32 $0x80  }
0x1e: {  	s26 =	simm.s32 $0xC880;
	s10 =	simm.s32 $0xD880;
	s11 =	simm.s32 $0xE080  }
0x1f: {  	s12 =	simm.s32 $0xE880;
	s13 =	simm.s32 $0xF080;
	s14 =	simm.s32 $0xF880  }
0x20: {  	s15 =	simm.s32 $0x10080;
	s16 =	simm.s32 $0x10880;
	s17 =	simm.s32 $0x11080  }
0x21: {  	s18 =	simm.s32 $0x11880;
	s19 =	simm.s32 $0x12080;
	s21 =	simm.s32 $0x13080  }
0x22: {  	s22 =	simm.s32 $0x13880;
	s23 =	sadd.s32 s6, s5;
	[dreg:$0x19] =	wrdreg s7  }
0x23: {  	s6 =	simm.s32 $0x2880;
	s5 =	sadd.s32 $0xCDE00, s5;
	[dreg:$0x1b] =	wrdreg s25  }
0x24: {  	s7 =	simm.s32 $0x2;
	[dreg:$0x1c] =	wrdreg s26;
	s25 =	simm.s32 $0x15080  }
0x25: {  	s26 =	simm.s32 $0x15880;
	s24 =	sadd.s32 $0xD800, s23;
	[dreg:$0x8] =	wrdreg s6  }
0x26: {  	v2 =	vlaneseq.u32;
	s23 =	simm.s32 $0xA880;
	s6 =	smax.u32 s1, $0x1;
	[dreg:$0x3] =	wrdreg s24  }
0x27: {  	vm0 =	vmmov $0xffff;
	v1 =	vshrl.u32 v2, $0x3;
	s1 =	simm.s32 $0x1;
	[dreg:$0x18] =	wrdreg s23;
	s24 =	simm.s32 $0xB880  }
0x28: {  	v0 =	vand.u32 $0x7, v2;
	v2 =	vor.u32 $0x8, v2;
	v1 =	vmul.u32 $0x8, v1;
	s23 =	simm.s32 $0x14080;
	[dreg:$0x1a] =	wrdreg s24;
	s24 =	simm.s32 $0x14880  }
.LBB2_1:
0x29: {  	s0 =	rddreg [dreg:$0x2]  }
0x2a: {  	[tilespmem:s2], [sflag:$0x2] =	stream.linear.gather [hbm4b:s0+s2], $0x80, $0x38;
	[tilespmem:$0x18080] =	vst v63  }
0x2b: {  	_ =	swait.ge [sflag:s7], $0x80  }
0x2c: {  	[sflag:s7] =	ssyncset.done $0x0  }
0x2d: {  	[sflag:s7] =	ssyncadd.s32 $0xFFFFFF80  }
0x2e: {  	v3 =	vld [tilespmem:$0x0];
	_ =	sdelay $0x4  }
0x2f: {  	v4 =	vshrl.u32 v3, $0x3  }
0x30: {  	v4 =	vmul.u32 $0x30, v4  }
0x31: {  	v3 =	vand.u32 $0x7, v3  }
0x32: {  	v3 =	vor.u32 v3, v4  }
0x33: {  	v4 =	vperm.xlane v3, v0;
	_ =	sdelay $0x1  }
0x34: {  	v4 =	vadd.s32 v1, v4;
	_ =	sdelay $0x3  }
0x35: {  	v3 =	vperm.xlane v3, v2  }
0x36: {  	[tilespmem:s8], [sflag:$0x1] =	stream.indirect_vreg.gather [hbm4b:s3+s2], $0x80, v4, vm0, $0xb8;
	[tilespmem:$0x18080] =	vst v63  }
0x37: {  	s0 =	rddreg [dreg:$0x4];
	v3 =	vadd.s32 v1, v3  }
0x38: {  	[tilespmem:s0], [sflag:$0x1] =	stream.indirect_vreg.gather [hbm4b:s4+s2], $0x80, v4, vm0, $0xb8;
	[tilespmem:$0x18080] =	vst v63  }
0x39: {  	s9 =	rddreg [dreg:$0x5]  }
0x3a: {  	[tilespmem:s9], [sflag:$0x1] =	stream.indirect_vreg.gather [hbm4b:s5+s2], $0x80, v4, vm0, $0xb8;
	[tilespmem:$0x18080] =	vst v63  }
0x3b: {  	s0 =	rddreg [dreg:$0x6]  }
0x3c: {  	[tilespmem:s0], [sflag:$0x1] =	stream.indirect_vreg.gather [hbm4b:s3+s2], $0x80, v3, vm0, $0xb8;
	[tilespmem:$0x18080] =	vst v63  }
0x3d: {  	s9 =	rddreg [dreg:$0x7]  }
0x3e: {  	[tilespmem:s9], [sflag:$0x1] =	stream.indirect_vreg.gather [hbm4b:s4+s2], $0x80, v3, vm0, $0xb8;
	[tilespmem:$0x18080] =	vst v63  }
0x3f: {  	s0 =	rddreg [dreg:$0x8]  }
0x40: {  	[tilespmem:s0], [sflag:$0x1] =	stream.indirect_vreg.gather [hbm4b:s5+s2], $0x80, v3, vm0, $0xb8;
	[tilespmem:$0x18080] =	vst v63  }
0x41: {  	v3 =	vld [tilespmem:$0x10];
	_ =	sdelay $0x4  }
0x42: {  	v57 =	vshrl.u32 v3, $0x3  }
0x43: {  	v4 =	vmul.u32 $0x30, v57  }
0x44: {  	v3 =	vand.u32 $0x7, v3  }
0x45: {  	v3 =	vor.u32 v3, v4  }
0x46: {  	v4 =	vperm.xlane v3, v0;
	_ =	sdelay $0x1  }
0x47: {  	v4 =	vadd.s32 v1, v4;
	_ =	sdelay $0x3  }
0x48: {  	s0 =	rddreg [dreg:$0x9];
	v3 =	vperm.xlane v3, v2  }
0x49: {  	[tilespmem:s0], [sflag:$0x1] =	stream.indirect_vreg.gather [hbm4b:s3+s2], $0x80, v4, vm0, $0xb8;
	[tilespmem:$0x18080] =	vst v63  }
0x4a: {  	s9 =	rddreg [dreg:$0xa];
	v3 =	vadd.s32 v1, v3  }
0x4b: {  	[tilespmem:s9], [sflag:$0x1] =	stream.indirect_vreg.gather [hbm4b:s4+s2], $0x80, v4, vm0, $0xb8;
	[tilespmem:$0x18080] =	vst v63  }
0x4c: {  	s0 =	rddreg [dreg:$0xb]  }
0x4d: {  	[tilespmem:s0], [sflag:$0x1] =	stream.indirect_vreg.gather [hbm4b:s5+s2], $0x80, v4, vm0, $0xb8;
	[tilespmem:$0x18080] =	vst v63  }
0x4e: {  	s9 =	rddreg [dreg:$0xc]  }
0x4f: {  	[tilespmem:s9], [sflag:$0x1] =	stream.indirect_vreg.gather [hbm4b:s3+s2], $0x80, v3, vm0, $0xb8;
	[tilespmem:$0x18080] =	vst v63  }
0x50: {  	s0 =	rddreg [dreg:$0xd]  }
0x51: {  	[tilespmem:s0], [sflag:$0x1] =	stream.indirect_vreg.gather [hbm4b:s4+s2], $0x80, v3, vm0, $0xb8;
	[tilespmem:$0x18080] =	vst v63  }
0x52: {  	s9 =	rddreg [dreg:$0xe]  }
0x53: {  	[tilespmem:s9], [sflag:$0x1] =	stream.indirect_vreg.gather [hbm4b:s5+s2], $0x80, v3, vm0, $0xb8;
	[tilespmem:$0x18080] =	vst v63  }
0x54: {  	v3 =	vld [tilespmem:$0x20];
	_ =	sdelay $0x4  }
0x55: {  	v58 =	vshrl.u32 v3, $0x3  }
0x56: {  	v4 =	vmul.u32 $0x30, v58  }
0x57: {  	v3 =	vand.u32 $0x7, v3  }
0x58: {  	v3 =	vor.u32 v3, v4  }
0x59: {  	v4 =	vperm.xlane v3, v0;
	_ =	sdelay $0x1  }
0x5a: {  	v4 =	vadd.s32 v1, v4;
	_ =	sdelay $0x3  }
0x5b: {  	s0 =	rddreg [dreg:$0xf];
	v3 =	vperm.xlane v3, v2  }
0x5c: {  	[tilespmem:s0], [sflag:$0x1] =	stream.indirect_vreg.gather [hbm4b:s3+s2], $0x80, v4, vm0, $0xb8;
	[tilespmem:$0x18080] =	vst v63  }
0x5d: {  	s9 =	rddreg [dreg:$0x10];
	v3 =	vadd.s32 v1, v3  }
0x5e: {  	[tilespmem:s9], [sflag:$0x1] =	stream.indirect_vreg.gather [hbm4b:s4+s2], $0x80, v4, vm0, $0xb8;
	[tilespmem:$0x18080] =	vst v63  }
0x5f: {  	s0 =	rddreg [dreg:$0x11]  }
0x60: {  	[tilespmem:s0], [sflag:$0x1] =	stream.indirect_vreg.gather [hbm4b:s5+s2], $0x80, v4, vm0, $0xb8;
	[tilespmem:$0x18080] =	vst v63  }
0x61: {  	s9 =	rddreg [dreg:$0x12]  }
0x62: {  	[tilespmem:s9], [sflag:$0x1] =	stream.indirect_vreg.gather [hbm4b:s3+s2], $0x80, v3, vm0, $0xb8;
	[tilespmem:$0x18080] =	vst v63  }
0x63: {  	s0 =	rddreg [dreg:$0x13]  }
0x64: {  	[tilespmem:s0], [sflag:$0x1] =	stream.indirect_vreg.gather [hbm4b:s4+s2], $0x80, v3, vm0, $0xb8;
	[tilespmem:$0x18080] =	vst v63  }
0x65: {  	s9 =	rddreg [dreg:$0x14]  }
0x66: {  	[tilespmem:s9], [sflag:$0x1] =	stream.indirect_vreg.gather [hbm4b:s5+s2], $0x80, v3, vm0, $0xb8;
	[tilespmem:$0x18080] =	vst v63  }
0x67: {  	v3 =	vld [tilespmem:$0x30];
	_ =	sdelay $0x4  }
0x68: {  	v59 =	vshrl.u32 v3, $0x3  }
0x69: {  	v4 =	vmul.u32 $0x30, v59  }
0x6a: {  	v3 =	vand.u32 $0x7, v3  }
0x6b: {  	v3 =	vor.u32 v3, v4  }
0x6c: {  	v4 =	vperm.xlane v3, v0;
	_ =	sdelay $0x1  }
0x6d: {  	v4 =	vadd.s32 v1, v4;
	_ =	sdelay $0x3  }
0x6e: {  	s0 =	rddreg [dreg:$0x15];
	v3 =	vperm.xlane v3, v2  }
0x6f: {  	[tilespmem:s0], [sflag:$0x1] =	stream.indirect_vreg.gather [hbm4b:s3+s2], $0x80, v4, vm0, $0xb8;
	[tilespmem:$0x18080] =	vst v63  }
0x70: {  	s9 =	rddreg [dreg:$0x16];
	v3 =	vadd.s32 v1, v3  }
0x71: {  	[tilespmem:s9], [sflag:$0x1] =	stream.indirect_vreg.gather [hbm4b:s4+s2], $0x80, v4, vm0, $0xb8;
	[tilespmem:$0x18080] =	vst v63  }
0x72: {  	s0 =	rddreg [dreg:$0x17]  }
0x73: {  	[tilespmem:s0], [sflag:$0x1] =	stream.indirect_vreg.gather [hbm4b:s5+s2], $0x80, v4, vm0, $0xb8;
	[tilespmem:$0x18080] =	vst v63  }
0x74: {  	s9 =	rddreg [dreg:$0x18]  }
0x75: {  	[tilespmem:s9], [sflag:$0x1] =	stream.indirect_vreg.gather [hbm4b:s3+s2], $0x80, v3, vm0, $0xb8;
	[tilespmem:$0x18080] =	vst v63  }
0x76: {  	s0 =	rddreg [dreg:$0x19]  }
0x77: {  	[tilespmem:s0], [sflag:$0x1] =	stream.indirect_vreg.gather [hbm4b:s4+s2], $0x80, v3, vm0, $0xb8;
	[tilespmem:$0x18080] =	vst v63  }
0x78: {  	s9 =	rddreg [dreg:$0x1a]  }
0x79: {  	[tilespmem:s9], [sflag:$0x1] =	stream.indirect_vreg.gather [hbm4b:s5+s2], $0x80, v3, vm0, $0xb8;
	[tilespmem:$0x18080] =	vst v63  }
0x7a: {  	v3 =	vld [tilespmem:$0x40];
	_ =	sdelay $0x4  }
0x7b: {  	v60 =	vshrl.u32 v3, $0x3  }
0x7c: {  	v4 =	vmul.u32 $0x30, v60  }
0x7d: {  	v3 =	vand.u32 $0x7, v3  }
0x7e: {  	v3 =	vor.u32 v3, v4  }
0x7f: {  	v4 =	vperm.xlane v3, v0;
	_ =	sdelay $0x1  }
0x80: {  	v4 =	vadd.s32 v1, v4;
	_ =	sdelay $0x3  }
0x81: {  	s0 =	rddreg [dreg:$0x1b];
	v3 =	vperm.xlane v3, v2  }
0x82: {  	[tilespmem:s0], [sflag:$0x1] =	stream.indirect_vreg.gather [hbm4b:s3+s2], $0x80, v4, vm0, $0xb8;
	[tilespmem:$0x18080] =	vst v63  }
0x83: {  	s9 =	rddreg [dreg:$0x1c];
	v3 =	vadd.s32 v1, v3  }
0x84: {  	[tilespmem:s9], [sflag:$0x1] =	stream.indirect_vreg.gather [hbm4b:s4+s2], $0x80, v4, vm0, $0xb8;
	[tilespmem:$0x18080] =	vst v63  }
0x85: {  	s9 =	simm.s32 $0xD080  }
0x86: {  	[tilespmem:s9], [sflag:$0x1] =	stream.indirect_vreg.gather [hbm4b:s5+s2], $0x80, v4, vm0, $0xb8;
	[tilespmem:$0x18080] =	vst v63  }
0x87: {  	_ = 	snop  }
0x88: {  	[tilespmem:s10], [sflag:$0x1] =	stream.indirect_vreg.gather [hbm4b:s3+s2], $0x80, v3, vm0, $0xb8;
	[tilespmem:$0x18080] =	vst v63  }
0x89: {  	_ = 	snop  }
0x8a: {  	[tilespmem:s11], [sflag:$0x1] =	stream.indirect_vreg.gather [hbm4b:s4+s2], $0x80, v3, vm0, $0xb8;
	[tilespmem:$0x18080] =	vst v63  }
0x8b: {  	_ = 	snop  }
0x8c: {  	[tilespmem:s12], [sflag:$0x1] =	stream.indirect_vreg.gather [hbm4b:s5+s2], $0x80, v3, vm0, $0xb8;
	[tilespmem:$0x18080] =	vst v63  }
0x8d: {  	v3 =	vld [tilespmem:$0x50];
	_ =	sdelay $0x4  }
0x8e: {  	v61 =	vshrl.u32 v3, $0x3  }
0x8f: {  	v4 =	vmul.u32 $0x30, v61  }
0x90: {  	v3 =	vand.u32 $0x7, v3  }
0x91: {  	v3 =	vor.u32 v3, v4  }
0x92: {  	v4 =	vperm.xlane v3, v0;
	_ =	sdelay $0x1  }
0x93: {  	v4 =	vadd.s32 v1, v4;
	_ =	sdelay $0x3  }
0x94: {  	v3 =	vperm.xlane v3, v2  }
0x95: {  	[tilespmem:s13], [sflag:$0x1] =	stream.indirect_vreg.gather [hbm4b:s3+s2], $0x80, v4, vm0, $0xb8;
	[tilespmem:$0x18080] =	vst v63  }
0x96: {  	v3 =	vadd.s32 v1, v3  }
0x97: {  	[tilespmem:s14], [sflag:$0x1] =	stream.indirect_vreg.gather [hbm4b:s4+s2], $0x80, v4, vm0, $0xb8;
	[tilespmem:$0x18080] =	vst v63  }
0x98: {  	_ = 	snop  }
0x99: {  	[tilespmem:s15], [sflag:$0x1] =	stream.indirect_vreg.gather [hbm4b:s5+s2], $0x80, v4, vm0, $0xb8;
	[tilespmem:$0x18080] =	vst v63  }
0x9a: {  	_ = 	snop  }
0x9b: {  	[tilespmem:s16], [sflag:$0x1] =	stream.indirect_vreg.gather [hbm4b:s3+s2], $0x80, v3, vm0, $0xb8;
	[tilespmem:$0x18080] =	vst v63  }
0x9c: {  	_ = 	snop  }
0x9d: {  	[tilespmem:s17], [sflag:$0x1] =	stream.indirect_vreg.gather [hbm4b:s4+s2], $0x80, v3, vm0, $0xb8;
	[tilespmem:$0x18080] =	vst v63  }
0x9e: {  	_ = 	snop  }
0x9f: {  	[tilespmem:s18], [sflag:$0x1] =	stream.indirect_vreg.gather [hbm4b:s5+s2], $0x80, v3, vm0, $0xb8;
	[tilespmem:$0x18080] =	vst v63  }
0xa0: {  	v3 =	vld [tilespmem:$0x60];
	_ =	sdelay $0x4  }
0xa1: {  	v62 =	vshrl.u32 v3, $0x3  }
0xa2: {  	v4 =	vmul.u32 $0x30, v62  }
0xa3: {  	v3 =	vand.u32 $0x7, v3  }
0xa4: {  	v3 =	vor.u32 v3, v4  }
0xa5: {  	v4 =	vperm.xlane v3, v0;
	_ =	sdelay $0x1  }
0xa6: {  	v4 =	vadd.s32 v1, v4;
	_ =	sdelay $0x3  }
0xa7: {  	v3 =	vperm.xlane v3, v2  }
0xa8: {  	[tilespmem:s19], [sflag:$0x1] =	stream.indirect_vreg.gather [hbm4b:s3+s2], $0x80, v4, vm0, $0xb8;
	[tilespmem:$0x18080] =	vst v63  }
0xa9: {  	v3 =	vadd.s32 v1, v3  }
0xaa: {  	[tilespmem:s20], [sflag:$0x1] =	stream.indirect_vreg.gather [hbm4b:s4+s2], $0x80, v4, vm0, $0xb8;
	[tilespmem:$0x18080] =	vst v63  }
0xab: {  	_ = 	snop  }
0xac: {  	[tilespmem:s21], [sflag:$0x1] =	stream.indirect_vreg.gather [hbm4b:s5+s2], $0x80, v4, vm0, $0xb8;
	[tilespmem:$0x18080] =	vst v63  }
0xad: {  	_ = 	snop  }
0xae: {  	[tilespmem:s22], [sflag:$0x1] =	stream.indirect_vreg.gather [hbm4b:s3+s2], $0x80, v3, vm0, $0xb8;
	[tilespmem:$0x18080] =	vst v63  }
0xaf: {  	_ = 	snop  }
0xb0: {  	[tilespmem:s23], [sflag:$0x1] =	stream.indirect_vreg.gather [hbm4b:s4+s2], $0x80, v3, vm0, $0xb8;
	[tilespmem:$0x18080] =	vst v63  }
0xb1: {  	_ = 	snop  }
0xb2: {  	[tilespmem:s24], [sflag:$0x1] =	stream.indirect_vreg.gather [hbm4b:s5+s2], $0x80, v3, vm0, $0xb8;
	[tilespmem:$0x18080] =	vst v63  }
0xb3: {  	v3 =	vld [tilespmem:$0x70];
	_ =	sdelay $0x4  }
0xb4: {  	v63 =	vshrl.u32 v3, $0x3  }
0xb5: {  	v4 =	vmul.u32 $0x30, v63  }
0xb6: {  	v3 =	vand.u32 $0x7, v3  }
0xb7: {  	v3 =	vor.u32 v3, v4  }
0xb8: {  	v4 =	vperm.xlane v3, v0;
	_ =	sdelay $0x1  }
0xb9: {  	v4 =	vadd.s32 v1, v4;
	_ =	sdelay $0x3  }
0xba: {  	v3 =	vperm.xlane v3, v2  }
0xbb: {  	[tilespmem:s25], [sflag:$0x1] =	stream.indirect_vreg.gather [hbm4b:s3+s2], $0x80, v4, vm0, $0xb8;
	[tilespmem:$0x18080] =	vst v63  }
0xbc: {  	v3 =	vadd.s32 v1, v3  }
0xbd: {  	[tilespmem:s26], [sflag:$0x1] =	stream.indirect_vreg.gather [hbm4b:s4+s2], $0x80, v4, vm0, $0xb8;
	[tilespmem:$0x18080] =	vst v63  }
0xbe: {  	_ = 	snop  }
0xbf: {  	[tilespmem:s28], [sflag:$0x1] =	stream.indirect_vreg.gather [hbm4b:s5+s2], $0x80, v4, vm0, $0xb8;
	[tilespmem:$0x18080] =	vst v63  }
0xc0: {  	_ = 	snop  }
0xc1: {  	[tilespmem:s29], [sflag:$0x1] =	stream.indirect_vreg.gather [hbm4b:s3+s2], $0x80, v3, vm0, $0xb8;
	[tilespmem:$0x18080] =	vst v63  }
0xc2: {  	_ = 	snop  }
0xc3: {  	[tilespmem:s30], [sflag:$0x1] =	stream.indirect_vreg.gather [hbm4b:s4+s2], $0x80, v3, vm0, $0xb8;
	[tilespmem:$0x18080] =	vst v63  }
0xc4: {  	_ = 	snop  }
0xc5: {  	[tilespmem:s31], [sflag:$0x1] =	stream.indirect_vreg.gather [hbm4b:s5+s2], $0x80, v3, vm0, $0xb8;
	[tilespmem:$0x18080] =	vst v63  }
0xc6: {  	_ =	swait.ge [sflag:s1], $0x18000  }
0xc7: {  	p0 =	sne.s32 s6, $0x1;
	[sflag:s1] =	ssyncset.done $0x0  }
.Ltmp0:
0xc8: {  	s9 =	rddreg [dreg:$0x3];
	[sflag:s1] =	ssyncadd.s32 $0xFFFE8000;
	(pc) =	sbr.rel @p0 .LBB2_1-.Ltmp0, $4  }
0xc9: {  	[hbm4b:s9+s2] =	stream.linear.scatter [tilespmem:s8], [sflag:$0x2], $0x18000, $0x38;
	[tilespmem:$0x18080] =	vst v63  }
0xca: {  	_ =	swait.ge [sflag:s7], $0x18000  }
0xcb: {  	[sflag:s7] =	ssyncset.done $0x0  }
0xcc: {  	s6 =	sadd.s32 $0xFFFFFFFF, s6;
	[sflag:s7] =	ssyncadd.s32 $0xFFFE8000  }
0xcd: {  	_ =	sfence.sel $0x180000  }
0xce: {  	[bflag:$0x0] =	sbarrier.arrive $0xFFFF  }
0xcf: {  	_ =	strace $0x9000004A  }
0xd0: {  	s0 =	stileid.u32;
	[bflag:$0x2] =	sbarrier.arrive $0xFFFF  }
0xd1: {  	p0 =	sne.s32 s0, $0x0;
	s0 =	rddreg [dreg:$0x1]  }
0xd2: {  	s0 =	sadd.s32 @!p0 $0x100000, s0  }
0xd3: {  	[sflag:s0] =	ssyncadd.tile.s32 @!p0 $0x1;
	_ =	shalt  }
.Lfunc_end2:
_tile_overlayer_lowered:
.L_overlay_start_2:
0xd4: {  	(tag) =	ssettag $0x2  }
0xd5: {  	s0 =	rddreg [dreg:$0x0];
	s2 =	stileid.u32  }
0xd6: {  	s1 =	rddreg [dreg:$0x1];
	p0 =	sne.s32 s2, $0x0  }
0xd7: {  	s3 =	rddreg [dreg:$0x2];
	[bflag:$0x3] =	sbarrier.arrive $0xFFFF;
	s2 =	simm.s32 @!p0 $0x1C02  }
0xd8: {  	[timem:s3], [sflag:s2] =	dma.local @!p0 [hbm:s0], s1  }
0xd9: {  	s0 =	simm.s32 @!p0 $0x2  }
0xda: {  	_ =	swait.ge @!p0 [sflag:s0], s1  }
0xdb: {  	s1 =	ssub.s32 @!p0 $0x0, s1;
	[sflag:s0] =	ssyncset.done @!p0 $0x0  }
0xdc: {  	[sflag:s0] =	ssyncadd.s32 @!p0 s1  }
0xdd: {  	[bflag:$0x3] =	sbarrier.arrive $0xFFFF  }
0xde: {  	_ =	shalt  }

// kernel: kernel.24.cloned.1.call-start
scs
__scs_entry_jumppad:
0x0: {  	(pc) =	sbr.rel $0x88, $3  }
0x1: {  	(tag) =	ssettag $0x0;
	lr =	simm.s32 $0x1  }
0x2: {  	[smem:$0x3F88] =	sst lr;
	_ =	strace $0xD0000000  }
0x3: {  	_ = 	snop  }
0x4: {  	_ = 	snop  }
0x5: {  	_ = 	snop  }
0x6: {  	_ = 	snop  }
0x7: {  	_ = 	snop  }
__scs_overlays_trampoline_lowered:
0x8: {  	[smem:$0x3F97] =	sst s0  }
0x9: {  	[smem:$0x3F98] =	sst s1  }
0xa: {  	[smem:$0x3F99] =	sst s2  }
0xb: {  	[smem:$0x3F9A] =	sst s3  }
0xc: {  	[smem:$0x3F9B] =	sst s4  }
0xd: {  	[smem:$0x3F9C] =	sst s5  }
0xe: {  	[smem:$0x3F9D] =	sst s6  }
0xf: {  	[smem:$0x3F9E] =	sst s7  }
0x10: {  	[smem:$0x3F9F] =	sst s8  }
0x11: {  	[smem:$0x3FA0] =	sst s9;
	s0 =	simm.s32 @!p0 $0x0  }
0x12: {  	s1 =	sld [smem:$0x3F86];
	s0 =	simm.s32 @p0 $0x1  }
0x13: {  	[smem:$0x3FA1] =	sst s0;
	s0 =	simm.s32 @!p1 $0x0  }
0x14: {  	s2 =	sld [smem:$0x3F85];
	s0 =	simm.s32 @p1 $0x1  }
0x15: {  	[smem:$0x3FA2] =	sst s0;
	s0 =	simm.s32 @!p2 $0x0  }
0x16: {  	s3 =	sld [smem:$0x3FDB];
	s0 =	simm.s32 @p2 $0x1  }
0x17: {  	s4 =	simm.s32 $0x1BF5;
	[smem:$0x3FA4] =	sst s0  }
0x18: {  	s0 =	sld [smem:$0x3F87];
	_ =	swait.ge [sflag:s4], $0x0  }
0x19: {  	s7 =	sld [smem:$0x3F88]  }
0x1a: {  	s8 =	sadd.s32 $0xFFFFE003, lr  }
0x1b: {  	s9 =	sadd.s32 $0xFFFFFEF7, lr;
	s5 =	simm.s32 $0xFFFFFFFF;
	p2 =	slt.u32 s8, $0xFFFFF086  }
0x1c: {  	p1 =	slt.u32 s9, $0xF7A;
	s5 =	simm.s32 @!p2 $0x0  }
0x1d: {  	s5 =	simm.s32 @p1 $0x1;
	p0 =	seq.s32 s7, s2  }
0x1e: {  	s7 =	smul.u32 @!p0 $0xF7A, s2;
	p2 =	seq.s32 @!p0 s5, $0x0  }
0x1f: {  	s9 =	smul.u32 $0xF7A, s1;
	s8 =	simm.s32 @!p0 $0x1BF5;
	p2 =	por !p2, p0  }
0x20: {  	[sflag:s8] =	ssyncset.s32 @!p0 $0xFFFFF086;
	s6 =	sadd.s32 @!p0 s3, s7;
	s7 =	simm.s32 @!p0 $0x108  }
0x21: {  	s3 =	sadd.s32 s3, s9;
	s6 =	sadd.s32 @!p0 $0x88, s6;
	s7 =	simm.s32 @p2 $0x1082  }
0x22: {  	[simem:s7], [sflag:s8] =	dma.local @!p0 [hbm:s6], $0xF7A  }
0x23: {  	s9 =	sor.u32 $0xD0000000, s2;
	s6 =	simm.s32 $0x108;
	_ =	swait.ge @!p0 [sflag:s8], $0x0  }
0x24: {  	s3 =	sadd.s32 $0x88, s3;
	s6 =	simm.s32 @!p1 $0x1082;
	[sflag:s4] =	ssyncset.s32 $0xFFFFF086  }
0x25: {  	[simem:s6], [sflag:s4] =	dma.local [hbm:s3], $0xF7A  }
0x26: {  	[smem:$0x3F88] =	sst s1;
	(tag) =	ssettag s2;
	_ =	strace s9  }
0x27: {  	s1 =	sld [smem:$0x3F98]  }
0x28: {  	s2 =	sld [smem:$0x3F99]  }
0x29: {  	s4 =	sld [smem:$0x3F9B]  }
0x2a: {  	p0 =	seq.s32 s5, $0x0;
	s5 =	sld [smem:$0x3F9C]  }
0x2b: {  	s6 =	sld [smem:$0x3F9D]  }
0x2c: {  	s7 =	sld [smem:$0x3F9E]  }
0x2d: {  	s3 =	simm.s32 $0x108;
	s8 =	sld [smem:$0x3F9F]  }
0x2e: {  	s3 =	simm.s32 @!p0 $0x1082;
	s9 =	sld [smem:$0x3FA0]  }
0x2f: {  	lr =	sadd.s32 s0, s3;
	s0 =	sld [smem:$0x3F97]  }
0x30: {  	s3 =	sld [smem:$0x3F9A]  }
0x31: {  	[smem:$0x3FA3] =	sst s10  }
0x32: {  	s10 =	sld [smem:$0x3FA1];
	_ =	sdelay $0x3  }
0x33: {  	p0 =	seq.s32 s10, $0x1;
	s10 =	sld [smem:$0x3FA3];
	_ =	sdelay $0x3  }
0x34: {  	[smem:$0x3FA3] =	sst s10  }
0x35: {  	s10 =	sld [smem:$0x3FA2];
	_ =	sdelay $0x3  }
0x36: {  	p1 =	seq.s32 s10, $0x1;
	s10 =	sld [smem:$0x3FA3];
	_ =	sdelay $0x3  }
0x37: {  	[smem:$0x3FA3] =	sst s10  }
0x38: {  	s10 =	sld [smem:$0x3FA4]  }
0x39: {  	_ = 	snop;
	(pc) =	sbr.ind lr, $3  }
0x3a: {  	_ = 	snop  }
0x3b: {  	_ = 	snop  }
0x3c: {  	p2 =	seq.s32 s10, $0x1;
	s10 =	sld [smem:$0x3FA3]  }
0x3d: {  	_ =	shalt  }
0x3e: {  	_ =	shalt  }
0x3f: {  	_ =	shalt  }
0x40: {  	_ =	shalt  }
0x41: {  	_ =	shalt  }
0x42: {  	_ =	shalt  }
0x43: {  	_ =	shalt  }
0x44: {  	_ =	shalt  }
0x45: {  	_ =	shalt  }
0x46: {  	_ =	shalt  }
0x47: {  	_ =	shalt  }
0x48: {  	_ =	shalt  }
0x49: {  	_ =	shalt  }
0x4a: {  	_ =	shalt  }
0x4b: {  	_ =	shalt  }
0x4c: {  	_ =	shalt  }
0x4d: {  	_ =	shalt  }
0x4e: {  	_ =	shalt  }
0x4f: {  	_ =	shalt  }
0x50: {  	_ =	shalt  }
0x51: {  	_ =	shalt  }
0x52: {  	_ =	shalt  }
0x53: {  	_ =	shalt  }
0x54: {  	_ =	shalt  }
0x55: {  	_ =	shalt  }
0x56: {  	_ =	shalt  }
0x57: {  	_ =	shalt  }
0x58: {  	_ =	shalt  }
0x59: {  	_ =	shalt  }
0x5a: {  	_ =	shalt  }
0x5b: {  	_ =	shalt  }
0x5c: {  	_ =	shalt  }
0x5d: {  	_ =	shalt  }
0x5e: {  	_ =	shalt  }
0x5f: {  	_ =	shalt  }
0x60: {  	_ =	shalt  }
0x61: {  	_ =	shalt  }
0x62: {  	_ =	shalt  }
0x63: {  	_ =	shalt  }
0x64: {  	_ =	shalt  }
0x65: {  	_ =	shalt  }
0x66: {  	_ =	shalt  }
0x67: {  	_ =	shalt  }
0x68: {  	_ =	shalt  }
0x69: {  	_ =	shalt  }
0x6a: {  	_ =	shalt  }
0x6b: {  	_ =	shalt  }
0x6c: {  	_ =	shalt  }
0x6d: {  	_ =	shalt  }
0x6e: {  	_ =	shalt  }
0x6f: {  	_ =	shalt  }
0x70: {  	_ =	shalt  }
0x71: {  	_ =	shalt  }
0x72: {  	_ =	shalt  }
0x73: {  	_ =	shalt  }
0x74: {  	_ =	shalt  }
0x75: {  	_ =	shalt  }
0x76: {  	_ =	shalt  }
0x77: {  	_ =	shalt  }
0x78: {  	_ =	shalt  }
0x79: {  	_ =	shalt  }
0x7a: {  	_ =	shalt  }
0x7b: {  	_ =	shalt  }
0x7c: {  	_ =	shalt  }
0x7d: {  	_ =	shalt  }
0x7e: {  	_ =	shalt  }
0x7f: {  	_ =	shalt  }
0x80: {  	_ =	shalt  }
0x81: {  	_ =	shalt  }
0x82: {  	_ =	shalt  }
0x83: {  	_ =	shalt  }
0x84: {  	_ =	shalt  }
0x85: {  	_ =	shalt  }
0x86: {  	_ =	shalt  }
0x87: {  	_ =	shalt  }
.Lfunc_end0:
.L_simem_size_0:
called_computation.2_lowered:
.L_overlay_start_0:
0x88: {  	s2 =	sld [smem:$0x3FD9]  }
0x89: {  	s3 =	sld [smem:$0x3FFE];
	_ =	sdelay $0x1  }
0x8a: {  	s1 =	srdreg.scid  }
0x8b: {  	s0 =	sand.u32 $0x1, s1  }
0x8c: {  	s17 =	sshll.u32 s0, $0xA;
	s2 =	sadd.s32 s3, s2  }
0x8d: {  	s2 =	sadd.s32 s2, s17  }
0x8e: {  	[smem:$0x3FAF] =	sst s2  }
0x8f: {  	_ = 	snop  }
0x90: {  	s2 =	sld [smem:$0x3FD0];
	(tm) =	ssettm $0x1  }
0x91: {  	s18 =	sld [smem:$0x3FFB];
	_ =	sdelay $0x3  }
0x92: {  	_ =	strace s18  }
0x93: {  	s3 =	sld [smem:$0x3FFC];
	_ =	sdelay $0x3  }
0x94: {  	_ =	strace s3  }
0x95: {  	s3 =	sld [smem:$0x3FFD];
	_ =	sdelay $0x3  }
0x96: {  	_ =	strace s3  }
0x97: {  	_ =	strace $0x8FFFFFFF  }
0x98: {  	s19 =	sld [smem:$0x3FDB];
	_ =	sdelay $0x1  }
0x99: {  	s4 =	simm.s32 $_scs_section_size  }
0x9a: {  	s5 =	simm.s32 $_size__tile_overlayer_lowered;
	s6 =	simm.s32 $_tile_overlayer_lowered  }
0x9b: {  	s22 =	simm.s32 $0x1BFF;
	s21 =	sshll.u32 s6, $0x1;
	s3 =	sadd.s32 s4, s19  }
0x9c: {  	s7 =	simm.s32 $0x0;
	s20 =	sshll.u32 s5, $0x1;
	s5 =	sadd.s32 s21, s3  }
0x9d: {  	[timem:s7], [sflag:s22] =	dma.local [hbm:s5], s20  }
0x9e: {  	_ =	swait.ge [sflag:s22], s20  }
0x9f: {  	s4 =	ssub.s32 $0x0, s20;
	[sflag:s22] =	ssyncset.done $0x0  }
0xa0: {  	[sflag:s22] =	ssyncadd.s32 s4;
	_ =	sdelay $0x1  }
0xa1: {  	s23 =	simm.s32 $0x1B8B  }
0xa2: {  	_ =	swait.ge [sflag:s23], $0x1  }
0xa3: {  	[sflag:s23] =	ssyncset.done $0x0  }
0xa4: {  	s25 =	simm.s32 $0x1B8E;
	s24 =	sld [smem:$0x3FFE];
	[sflag:s23] =	ssyncadd.s32 $0xFFFFFFFF  }
0xa5: {  	s26 =	simm.s32 $execute0_lowered;
	[smem:$0x3FD2] =	sst s25  }
0xa6: {  	s5 =	sshll.u32 s26, $0x1;
	_ =	strace $0x8000004C;
	[dreg:$0x1] =	wrdreg $0xFFFFFFFF  }
0xa7: {  	s28 =	simm.s32 $_size_execute0_lowered;
	s3 =	sadd.s32 s3, s5;
	[dreg:$0x0] =	wrdreg $0x0  }
0xa8: {  	s5 =	sshll.u32 s28, $0x1;
	[dreg:$0x2] =	wrdreg s3  }
0xa9: {  	[dreg:$0x3] =	wrdreg s5  }
0xaa: {  	[dreg:$0x4] =	wrdreg $0xC0  }
0xab: {  	_ =	task [dreg:s7], $0x5FFFF  }
0xac: {  	[dreg:$0x1] =	wrdreg $0xFFFFFFFF  }
0xad: {  	[dreg:$0x0] =	wrdreg $0x60  }
0xae: {  	[dreg:$0x2] =	wrdreg s2  }
0xaf: {  	[dreg:$0x3] =	wrdreg s24  }
0xb0: {  	[dreg:$0x4] =	wrdreg $0x9  }
0xb1: {  	_ =	task.clear_ibuf [dreg:s7], $0x5FFFF;
	_ =	strace $0x9000004C  }
0xb2: {  	s29 =	simm.s32 $0x9;
	_ =	strace $0x8000004E  }
0xb3: {  	_ =	swait.ge [sflag:s29], $0x1  }
0xb4: {  	[sflag:s29] =	ssyncadd.s32 $0xFFFFFFFF  }
0xb5: {  	_ =	strace $0x9000004E  }
0xb6: {  	_ =	sfence  }
0xb7: {  	s30 =	sld [smem:$0x0];
	_ =	sdelay $0x2  }
0xb8: {  	s31 =	sshll.u32 s1, $0xD;
	s1 =	sshrl.u32 s1, $0x2  }
0xb9: {  	s3 =	sand.u32 $0x4000, s31;
	s1 =	sadd.s32 s1, s30  }
0xba: {  	s0 =	sor.u32 s3, s0;
	s1 =	sshll.u32 s1, $0x11  }
0xbb: {  	s0 =	sor.u32 s1, s0  }
0xbc: {  	s0 =	sadd.s32 $0x8F2B, s0  }
0xbd: {  	[sflag:s0] =	ssyncadd.remote.s32 $0x1  }
0xbe: {  	_ =	sfence.sel $0xFFFF  }
0xbf: {  	[dreg:$0x0] =	wrdreg $0xFFFFFFFF;
	(pc) =	sbr.abs _section_cstart, $3  }
0xc0: {  	[dreg:$0x1] =	wrdreg $0xFFFFFFFF  }
0xc1: {  	_ =	task.clear_ibuf [dreg:s7], $0x2FFFF;
	_ =	strace $0x9FFFFFFF  }
0xc2: {  	(tm) =	ssettm $0x7FFFFFFF  }
0xc3: {  	_ =	shalt  }
tec
execute0_lowered:
.L_overlay_start_1:
0x0: {  	(tag) =	ssettag $0x1  }
0x1: {  	s0 =	stileid.u32;
	s3 =	rddreg [dreg:$0x0]  }
0x2: {  	s1 =	rddreg [dreg:$0x1];
	s2 =	sshll.u32 s0, $0x1  }
0x3: {  	s5 =	sand.u32 $0xE, s2;
	s6 =	sand.u32 $0x10, s2;
	s2 =	simm.s32 $0x0  }
0x4: {  	s24 =	simm.s32 $0x880;
	[smem:$0x7FF] =	sst s2  }
0x5: {  	s25 =	simm.s32 $0x1080;
	_ =	strace $0x8000004D;
	[dreg:$0x5] =	wrdreg s24  }
0x6: {  	s26 =	simm.s32 $0x1880;
	[dreg:$0x6] =	wrdreg s25  }
0x7: {  	s0 =	simm.s32 $0x2080;
	[dreg:$0x7] =	wrdreg s26  }
0x8: {  	s8 =	simm.s32 $0x4080;
	[dreg:$0x8] =	wrdreg s0  }
0x9: {  	s9 =	simm.s32 $0x4880;
	[dreg:$0xc] =	wrdreg s8  }
0xa: {  	s10 =	simm.s32 $0x5080;
	[dreg:$0xd] =	wrdreg s9  }
0xb: {  	s11 =	simm.s32 $0x5880;
	[dreg:$0xe] =	wrdreg s10  }
0xc: {  	s12 =	simm.s32 $0x6080;
	[dreg:$0xf] =	wrdreg s11  }
0xd: {  	s4 =	srdreg.scid;
	s13 =	simm.s32 $0x6880;
	[dreg:$0x10] =	wrdreg s12  }
0xe: {  	s14 =	simm.s32 $0x7080;
	s15 =	simm.s32 $0x7880;
	[dreg:$0x11] =	wrdreg s13  }
0xf: {  	s16 =	simm.s32 $0x8080;
	s17 =	simm.s32 $0x8880;
	[dreg:$0x12] =	wrdreg s14  }
0x10: {  	s18 =	simm.s32 $0x9080;
	s20 =	simm.s32 $0x9880;
	[dreg:$0x13] =	wrdreg s15  }
0x11: {  	s21 =	simm.s32 $0xA080;
	s22 =	simm.s32 $0xA880;
	[dreg:$0x14] =	wrdreg s16  }
0x12: {  	s23 =	simm.s32 $0xB080;
	s28 =	simm.s32 $0x16080;
	[dreg:$0x15] =	wrdreg s17  }
0x13: {  	s29 =	simm.s32 $0x16880;
	s30 =	simm.s32 $0x17080;
	[dreg:$0x16] =	wrdreg s18  }
0x14: {  	s31 =	simm.s32 $0x17880;
	s4 =	sand.u32 $0x1, s4;
	[dreg:$0x17] =	wrdreg s20  }
0x15: {  	s5 =	sor.u32 s4, s5;
	s6 =	sadd.s32 s6, s1;
	[dreg:$0x18] =	wrdreg s21  }
0x16: {  	s4 =	ssub.s32 $0x2, s4;
	s7 =	sshll.u32 s5, $0x7;
	[dreg:$0x19] =	wrdreg s22  }
0x17: {  	s5 =	smul.u32 $0x3000, s5;
	s19 =	sshrl.u32 s4, $0x1;
	[dreg:$0x1a] =	wrdreg s23  }
0x18: {  	s24 =	simm.s32 $0xB880;
	s25 =	simm.s32 $0xC080;
	s8 =	simm.s32 $0x80  }
0x19: {  	s26 =	simm.s32 $0xC880;
	s10 =	simm.s32 $0xD880;
	s11 =	simm.s32 $0xE080  }
0x1a: {  	s12 =	simm.s32 $0xE880;
	s13 =	simm.s32 $0xF080;
	s14 =	simm.s32 $0xF880  }
0x1b: {  	s15 =	simm.s32 $0x10080;
	s16 =	simm.s32 $0x10880;
	s17 =	simm.s32 $0x11080  }
0x1c: {  	s18 =	simm.s32 $0x11880;
	s20 =	simm.s32 $0x12880;
	[dreg:$0x1b] =	wrdreg s24  }
0x1d: {  	s21 =	simm.s32 $0x13080;
	s22 =	simm.s32 $0x13880;
	[dreg:$0x1c] =	wrdreg s25  }
0x1e: {  	s6 =	sadd.s32 s7, s6;
	s7 =	simm.s32 $0x3880;
	[dreg:$0x1d] =	wrdreg s26  }
0x1f: {  	s23 =	simm.s32 $0x14080;
	s6 =	sadd.s32 $0x5000, s6;
	[dreg:$0xb] =	wrdreg s7  }
0x20: {  	s24 =	simm.s32 $0x14880;
	s3 =	sadd.s32 s3, s5;
	[dreg:$0x3] =	wrdreg s6  }
0x21: {  	s25 =	simm.s32 $0x15080;
	s5 =	simm.s32 $0x2880;
	[dreg:$0x4] =	wrdreg s3  }
0x22: {  	s26 =	simm.s32 $0x15880;
	s7 =	simm.s32 $0x2;
	[dreg:$0x9] =	wrdreg s5  }
0x23: {  	v2 =	vlaneseq.u32;
	s6 =	simm.s32 $0x3080;
	s3 =	sadd.s32 $0xD800, s1;
	s5 =	sadd.s32 $0xDA00, s1  }
0x24: {  	vm0 =	vmmov $0xffff;
	v1 =	vshrl.u32 v2, $0x3;
	[dreg:$0xa] =	wrdreg s6;
	s6 =	ssub.s32 s4, s19;
	s4 =	sadd.s32 $0xD900, s1  }
0x25: {  	v0 =	vand.u32 $0x7, v2;
	v2 =	vor.u32 $0x8, v2;
	v1 =	vmul.u32 $0x8, v1;
	s19 =	simm.s32 $0x12080;
	s1 =	simm.s32 $0x1;
	s6 =	smax.u32 s6, $0x1  }
.LBB2_1:
0x26: {  	s0 =	rddreg [dreg:$0x3]  }
0x27: {  	[tilespmem:s2], [sflag:$0x2] =	stream.linear.gather [hbm4b:s0+s2], $0x80, $0x38;
	[tilespmem:$0x18080] =	vst v63  }
0x28: {  	_ =	swait.ge [sflag:s7], $0x80  }
0x29: {  	[sflag:s7] =	ssyncset.done $0x0  }
0x2a: {  	s9 =	rddreg [dreg:$0x4];
	[sflag:s7] =	ssyncadd.s32 $0xFFFFFF80  }
0x2b: {  	[tilespmem:s8], [sflag:$0x2] =	stream.linear.gather [hbm4b:s9+s2], $0x18000, $0x38;
	[tilespmem:$0x18080] =	vst v63  }
0x2c: {  	_ =	swait.ge [sflag:s7], $0x18000  }
0x2d: {  	[sflag:s7] =	ssyncset.done $0x0  }
0x2e: {  	[sflag:s7] =	ssyncadd.s32 $0xFFFE8000  }
0x2f: {  	v3 =	vld [tilespmem:$0x0];
	_ =	sdelay $0x4  }
0x30: {  	v4 =	vshrl.u32 v3, $0x3  }
0x31: {  	v4 =	vmul.u32 $0x30, v4  }
0x32: {  	v3 =	vand.u32 $0x7, v3  }
0x33: {  	v3 =	vor.u32 v3, v4  }
0x34: {  	v4 =	vperm.xlane v3, v0;
	_ =	sdelay $0x1  }
0x35: {  	v4 =	vadd.s32 v1, v4;
	_ =	sdelay $0x3  }
0x36: {  	v3 =	vperm.xlane v3, v2  }
0x37: {  	[hbm4b:s3+s2] =	stream.indirect_vreg.scatter [tilespmem:s8], [sflag:$0x1], $0x80, v4, vm0, $0xb8;
	[tilespmem:$0x18080] =	vst v63  }
0x38: {  	s0 =	rddreg [dreg:$0x5];
	v3 =	vadd.s32 v1, v3  }
0x39: {  	[hbm4b:s4+s2] =	stream.indirect_vreg.scatter [tilespmem:s0], [sflag:$0x1], $0x80, v4, vm0, $0xb8;
	[tilespmem:$0x18080] =	vst v63  }
0x3a: {  	s9 =	rddreg [dreg:$0x6]  }
0x3b: {  	[hbm4b:s5+s2] =	stream.indirect_vreg.scatter [tilespmem:s9], [sflag:$0x1], $0x80, v4, vm0, $0xb8;
	[tilespmem:$0x18080] =	vst v63  }
0x3c: {  	s0 =	rddreg [dreg:$0x7]  }
0x3d: {  	[hbm4b:s3+s2] =	stream.indirect_vreg.scatter [tilespmem:s0], [sflag:$0x1], $0x80, v3, vm0, $0xb8;
	[tilespmem:$0x18080] =	vst v63  }
0x3e: {  	s9 =	rddreg [dreg:$0x8]  }
0x3f: {  	[hbm4b:s4+s2] =	stream.indirect_vreg.scatter [tilespmem:s9], [sflag:$0x1], $0x80, v3, vm0, $0xb8;
	[tilespmem:$0x18080] =	vst v63  }
0x40: {  	s0 =	rddreg [dreg:$0x9]  }
0x41: {  	[hbm4b:s5+s2] =	stream.indirect_vreg.scatter [tilespmem:s0], [sflag:$0x1], $0x80, v3, vm0, $0xb8;
	[tilespmem:$0x18080] =	vst v63  }
0x42: {  	v3 =	vld [tilespmem:$0x10];
	_ =	sdelay $0x4  }
0x43: {  	v57 =	vshrl.u32 v3, $0x3  }
0x44: {  	v4 =	vmul.u32 $0x30, v57  }
0x45: {  	v3 =	vand.u32 $0x7, v3  }
0x46: {  	v3 =	vor.u32 v3, v4  }
0x47: {  	v4 =	vperm.xlane v3, v0;
	_ =	sdelay $0x1  }
0x48: {  	v4 =	vadd.s32 v1, v4;
	_ =	sdelay $0x3  }
0x49: {  	s0 =	rddreg [dreg:$0xa];
	v3 =	vperm.xlane v3, v2  }
0x4a: {  	[hbm4b:s3+s2] =	stream.indirect_vreg.scatter [tilespmem:s0], [sflag:$0x1], $0x80, v4, vm0, $0xb8;
	[tilespmem:$0x18080] =	vst v63  }
0x4b: {  	s9 =	rddreg [dreg:$0xb];
	v3 =	vadd.s32 v1, v3  }
0x4c: {  	[hbm4b:s4+s2] =	stream.indirect_vreg.scatter [tilespmem:s9], [sflag:$0x1], $0x80, v4, vm0, $0xb8;
	[tilespmem:$0x18080] =	vst v63  }
0x4d: {  	s0 =	rddreg [dreg:$0xc]  }
0x4e: {  	[hbm4b:s5+s2] =	stream.indirect_vreg.scatter [tilespmem:s0], [sflag:$0x1], $0x80, v4, vm0, $0xb8;
	[tilespmem:$0x18080] =	vst v63  }
0x4f: {  	s9 =	rddreg [dreg:$0xd]  }
0x50: {  	[hbm4b:s3+s2] =	stream.indirect_vreg.scatter [tilespmem:s9], [sflag:$0x1], $0x80, v3, vm0, $0xb8;
	[tilespmem:$0x18080] =	vst v63  }
0x51: {  	s0 =	rddreg [dreg:$0xe]  }
0x52: {  	[hbm4b:s4+s2] =	stream.indirect_vreg.scatter [tilespmem:s0], [sflag:$0x1], $0x80, v3, vm0, $0xb8;
	[tilespmem:$0x18080] =	vst v63  }
0x53: {  	s9 =	rddreg [dreg:$0xf]  }
0x54: {  	[hbm4b:s5+s2] =	stream.indirect_vreg.scatter [tilespmem:s9], [sflag:$0x1], $0x80, v3, vm0, $0xb8;
	[tilespmem:$0x18080] =	vst v63  }
0x55: {  	v3 =	vld [tilespmem:$0x20];
	_ =	sdelay $0x4  }
0x56: {  	v58 =	vshrl.u32 v3, $0x3  }
0x57: {  	v4 =	vmul.u32 $0x30, v58  }
0x58: {  	v3 =	vand.u32 $0x7, v3  }
0x59: {  	v3 =	vor.u32 v3, v4  }
0x5a: {  	v4 =	vperm.xlane v3, v0;
	_ =	sdelay $0x1  }
0x5b: {  	v4 =	vadd.s32 v1, v4;
	_ =	sdelay $0x3  }
0x5c: {  	s0 =	rddreg [dreg:$0x10];
	v3 =	vperm.xlane v3, v2  }
0x5d: {  	[hbm4b:s3+s2] =	stream.indirect_vreg.scatter [tilespmem:s0], [sflag:$0x1], $0x80, v4, vm0, $0xb8;
	[tilespmem:$0x18080] =	vst v63  }
0x5e: {  	s9 =	rddreg [dreg:$0x11];
	v3 =	vadd.s32 v1, v3  }
0x5f: {  	[hbm4b:s4+s2] =	stream.indirect_vreg.scatter [tilespmem:s9], [sflag:$0x1], $0x80, v4, vm0, $0xb8;
	[tilespmem:$0x18080] =	vst v63  }
0x60: {  	s0 =	rddreg [dreg:$0x12]  }
0x61: {  	[hbm4b:s5+s2] =	stream.indirect_vreg.scatter [tilespmem:s0], [sflag:$0x1], $0x80, v4, vm0, $0xb8;
	[tilespmem:$0x18080] =	vst v63  }
0x62: {  	s9 =	rddreg [dreg:$0x13]  }
0x63: {  	[hbm4b:s3+s2] =	stream.indirect_vreg.scatter [tilespmem:s9], [sflag:$0x1], $0x80, v3, vm0, $0xb8;
	[tilespmem:$0x18080] =	vst v63  }
0x64: {  	s0 =	rddreg [dreg:$0x14]  }
0x65: {  	[hbm4b:s4+s2] =	stream.indirect_vreg.scatter [tilespmem:s0], [sflag:$0x1], $0x80, v3, vm0, $0xb8;
	[tilespmem:$0x18080] =	vst v63  }
0x66: {  	s9 =	rddreg [dreg:$0x15]  }
0x67: {  	[hbm4b:s5+s2] =	stream.indirect_vreg.scatter [tilespmem:s9], [sflag:$0x1], $0x80, v3, vm0, $0xb8;
	[tilespmem:$0x18080] =	vst v63  }
0x68: {  	v3 =	vld [tilespmem:$0x30];
	_ =	sdelay $0x4  }
0x69: {  	v59 =	vshrl.u32 v3, $0x3  }
0x6a: {  	v4 =	vmul.u32 $0x30, v59  }
0x6b: {  	v3 =	vand.u32 $0x7, v3  }
0x6c: {  	v3 =	vor.u32 v3, v4  }
0x6d: {  	v4 =	vperm.xlane v3, v0;
	_ =	sdelay $0x1  }
0x6e: {  	v4 =	vadd.s32 v1, v4;
	_ =	sdelay $0x3  }
0x6f: {  	s0 =	rddreg [dreg:$0x16];
	v3 =	vperm.xlane v3, v2  }
0x70: {  	[hbm4b:s3+s2] =	stream.indirect_vreg.scatter [tilespmem:s0], [sflag:$0x1], $0x80, v4, vm0, $0xb8;
	[tilespmem:$0x18080] =	vst v63  }
0x71: {  	s9 =	rddreg [dreg:$0x17];
	v3 =	vadd.s32 v1, v3  }
0x72: {  	[hbm4b:s4+s2] =	stream.indirect_vreg.scatter [tilespmem:s9], [sflag:$0x1], $0x80, v4, vm0, $0xb8;
	[tilespmem:$0x18080] =	vst v63  }
0x73: {  	s0 =	rddreg [dreg:$0x18]  }
0x74: {  	[hbm4b:s5+s2] =	stream.indirect_vreg.scatter [tilespmem:s0], [sflag:$0x1], $0x80, v4, vm0, $0xb8;
	[tilespmem:$0x18080] =	vst v63  }
0x75: {  	s9 =	rddreg [dreg:$0x19]  }
0x76: {  	[hbm4b:s3+s2] =	stream.indirect_vreg.scatter [tilespmem:s9], [sflag:$0x1], $0x80, v3, vm0, $0xb8;
	[tilespmem:$0x18080] =	vst v63  }
0x77: {  	s0 =	rddreg [dreg:$0x1a]  }
0x78: {  	[hbm4b:s4+s2] =	stream.indirect_vreg.scatter [tilespmem:s0], [sflag:$0x1], $0x80, v3, vm0, $0xb8;
	[tilespmem:$0x18080] =	vst v63  }
0x79: {  	s9 =	rddreg [dreg:$0x1b]  }
0x7a: {  	[hbm4b:s5+s2] =	stream.indirect_vreg.scatter [tilespmem:s9], [sflag:$0x1], $0x80, v3, vm0, $0xb8;
	[tilespmem:$0x18080] =	vst v63  }
0x7b: {  	v3 =	vld [tilespmem:$0x40];
	_ =	sdelay $0x4  }
0x7c: {  	v60 =	vshrl.u32 v3, $0x3  }
0x7d: {  	v4 =	vmul.u32 $0x30, v60  }
0x7e: {  	v3 =	vand.u32 $0x7, v3  }
0x7f: {  	v3 =	vor.u32 v3, v4  }
0x80: {  	v4 =	vperm.xlane v3, v0;
	_ =	sdelay $0x1  }
0x81: {  	v4 =	vadd.s32 v1, v4;
	_ =	sdelay $0x3  }
0x82: {  	s0 =	rddreg [dreg:$0x1c];
	v3 =	vperm.xlane v3, v2  }
0x83: {  	[hbm4b:s3+s2] =	stream.indirect_vreg.scatter [tilespmem:s0], [sflag:$0x1], $0x80, v4, vm0, $0xb8;
	[tilespmem:$0x18080] =	vst v63  }
0x84: {  	s9 =	rddreg [dreg:$0x1d];
	v3 =	vadd.s32 v1, v3  }
0x85: {  	[hbm4b:s4+s2] =	stream.indirect_vreg.scatter [tilespmem:s9], [sflag:$0x1], $0x80, v4, vm0, $0xb8;
	[tilespmem:$0x18080] =	vst v63  }
0x86: {  	s9 =	simm.s32 $0xD080  }
0x87: {  	[hbm4b:s5+s2] =	stream.indirect_vreg.scatter [tilespmem:s9], [sflag:$0x1], $0x80, v4, vm0, $0xb8;
	[tilespmem:$0x18080] =	vst v63  }
0x88: {  	_ = 	snop  }
0x89: {  	[hbm4b:s3+s2] =	stream.indirect_vreg.scatter [tilespmem:s10], [sflag:$0x1], $0x80, v3, vm0, $0xb8;
	[tilespmem:$0x18080] =	vst v63  }
0x8a: {  	_ = 	snop  }
0x8b: {  	[hbm4b:s4+s2] =	stream.indirect_vreg.scatter [tilespmem:s11], [sflag:$0x1], $0x80, v3, vm0, $0xb8;
	[tilespmem:$0x18080] =	vst v63  }
0x8c: {  	_ = 	snop  }
0x8d: {  	[hbm4b:s5+s2] =	stream.indirect_vreg.scatter [tilespmem:s12], [sflag:$0x1], $0x80, v3, vm0, $0xb8;
	[tilespmem:$0x18080] =	vst v63  }
0x8e: {  	v3 =	vld [tilespmem:$0x50];
	_ =	sdelay $0x4  }
0x8f: {  	v61 =	vshrl.u32 v3, $0x3  }
0x90: {  	v4 =	vmul.u32 $0x30, v61  }
0x91: {  	v3 =	vand.u32 $0x7, v3  }
0x92: {  	v3 =	vor.u32 v3, v4  }
0x93: {  	v4 =	vperm.xlane v3, v0;
	_ =	sdelay $0x1  }
0x94: {  	v4 =	vadd.s32 v1, v4;
	_ =	sdelay $0x3  }
0x95: {  	v3 =	vperm.xlane v3, v2  }
0x96: {  	[hbm4b:s3+s2] =	stream.indirect_vreg.scatter [tilespmem:s13], [sflag:$0x1], $0x80, v4, vm0, $0xb8;
	[tilespmem:$0x18080] =	vst v63  }
0x97: {  	v3 =	vadd.s32 v1, v3  }
0x98: {  	[hbm4b:s4+s2] =	stream.indirect_vreg.scatter [tilespmem:s14], [sflag:$0x1], $0x80, v4, vm0, $0xb8;
	[tilespmem:$0x18080] =	vst v63  }
0x99: {  	_ = 	snop  }
0x9a: {  	[hbm4b:s5+s2] =	stream.indirect_vreg.scatter [tilespmem:s15], [sflag:$0x1], $0x80, v4, vm0, $0xb8;
	[tilespmem:$0x18080] =	vst v63  }
0x9b: {  	_ = 	snop  }
0x9c: {  	[hbm4b:s3+s2] =	stream.indirect_vreg.scatter [tilespmem:s16], [sflag:$0x1], $0x80, v3, vm0, $0xb8;
	[tilespmem:$0x18080] =	vst v63  }
0x9d: {  	_ = 	snop  }
0x9e: {  	[hbm4b:s4+s2] =	stream.indirect_vreg.scatter [tilespmem:s17], [sflag:$0x1], $0x80, v3, vm0, $0xb8;
	[tilespmem:$0x18080] =	vst v63  }
0x9f: {  	_ = 	snop  }
0xa0: {  	[hbm4b:s5+s2] =	stream.indirect_vreg.scatter [tilespmem:s18], [sflag:$0x1], $0x80, v3, vm0, $0xb8;
	[tilespmem:$0x18080] =	vst v63  }
0xa1: {  	v3 =	vld [tilespmem:$0x60];
	_ =	sdelay $0x4  }
0xa2: {  	v62 =	vshrl.u32 v3, $0x3  }
0xa3: {  	v4 =	vmul.u32 $0x30, v62  }
0xa4: {  	v3 =	vand.u32 $0x7, v3  }
0xa5: {  	v3 =	vor.u32 v3, v4  }
0xa6: {  	v4 =	vperm.xlane v3, v0;
	_ =	sdelay $0x1  }
0xa7: {  	v4 =	vadd.s32 v1, v4;
	_ =	sdelay $0x3  }
0xa8: {  	v3 =	vperm.xlane v3, v2  }
0xa9: {  	[hbm4b:s3+s2] =	stream.indirect_vreg.scatter [tilespmem:s19], [sflag:$0x1], $0x80, v4, vm0, $0xb8;
	[tilespmem:$0x18080] =	vst v63  }
0xaa: {  	v3 =	vadd.s32 v1, v3  }
0xab: {  	[hbm4b:s4+s2] =	stream.indirect_vreg.scatter [tilespmem:s20], [sflag:$0x1], $0x80, v4, vm0, $0xb8;
	[tilespmem:$0x18080] =	vst v63  }
0xac: {  	_ = 	snop  }
0xad: {  	[hbm4b:s5+s2] =	stream.indirect_vreg.scatter [tilespmem:s21], [sflag:$0x1], $0x80, v4, vm0, $0xb8;
	[tilespmem:$0x18080] =	vst v63  }
0xae: {  	_ = 	snop  }
0xaf: {  	[hbm4b:s3+s2] =	stream.indirect_vreg.scatter [tilespmem:s22], [sflag:$0x1], $0x80, v3, vm0, $0xb8;
	[tilespmem:$0x18080] =	vst v63  }
0xb0: {  	_ = 	snop  }
0xb1: {  	[hbm4b:s4+s2] =	stream.indirect_vreg.scatter [tilespmem:s23], [sflag:$0x1], $0x80, v3, vm0, $0xb8;
	[tilespmem:$0x18080] =	vst v63  }
0xb2: {  	_ = 	snop  }
0xb3: {  	[hbm4b:s5+s2] =	stream.indirect_vreg.scatter [tilespmem:s24], [sflag:$0x1], $0x80, v3, vm0, $0xb8;
	[tilespmem:$0x18080] =	vst v63  }
0xb4: {  	v3 =	vld [tilespmem:$0x70];
	_ =	sdelay $0x4  }
0xb5: {  	v63 =	vshrl.u32 v3, $0x3  }
0xb6: {  	v4 =	vmul.u32 $0x30, v63  }
0xb7: {  	v3 =	vand.u32 $0x7, v3  }
0xb8: {  	v3 =	vor.u32 v3, v4  }
0xb9: {  	v4 =	vperm.xlane v3, v0;
	_ =	sdelay $0x1  }
0xba: {  	v4 =	vadd.s32 v1, v4;
	_ =	sdelay $0x3  }
0xbb: {  	v3 =	vperm.xlane v3, v2  }
0xbc: {  	[hbm4b:s3+s2] =	stream.indirect_vreg.scatter [tilespmem:s25], [sflag:$0x1], $0x80, v4, vm0, $0xb8;
	[tilespmem:$0x18080] =	vst v63  }
0xbd: {  	v3 =	vadd.s32 v1, v3  }
0xbe: {  	[hbm4b:s4+s2] =	stream.indirect_vreg.scatter [tilespmem:s26], [sflag:$0x1], $0x80, v4, vm0, $0xb8;
	[tilespmem:$0x18080] =	vst v63  }
0xbf: {  	_ = 	snop  }
0xc0: {  	[hbm4b:s5+s2] =	stream.indirect_vreg.scatter [tilespmem:s28], [sflag:$0x1], $0x80, v4, vm0, $0xb8;
	[tilespmem:$0x18080] =	vst v63  }
0xc1: {  	_ = 	snop  }
0xc2: {  	[hbm4b:s3+s2] =	stream.indirect_vreg.scatter [tilespmem:s29], [sflag:$0x1], $0x80, v3, vm0, $0xb8;
	[tilespmem:$0x18080] =	vst v63  }
0xc3: {  	p0 =	sne.s32 s6, $0x1  }
0xc4: {  	[hbm4b:s4+s2] =	stream.indirect_vreg.scatter [tilespmem:s30], [sflag:$0x1], $0x80, v3, vm0, $0xb8;
	[tilespmem:$0x18080] =	vst v63  }
.Ltmp0:
0xc5: {  	_ = 	snop;
	(pc) =	sbr.rel @p0 .LBB2_1-.Ltmp0, $4  }
0xc6: {  	[hbm4b:s5+s2] =	stream.indirect_vreg.scatter [tilespmem:s31], [sflag:$0x1], $0x80, v3, vm0, $0xb8;
	[tilespmem:$0x18080] =	vst v63  }
0xc7: {  	_ =	swait.ge [sflag:s1], $0x18000  }
0xc8: {  	[sflag:s1] =	ssyncset.done $0x0  }
0xc9: {  	s6 =	sadd.s32 $0xFFFFFFFF, s6;
	[sflag:s1] =	ssyncadd.s32 $0xFFFE8000  }
0xca: {  	_ =	sfence.sel $0x180000  }
0xcb: {  	[bflag:$0x0] =	sbarrier.arrive $0xFFFF  }
0xcc: {  	_ =	strace $0x9000004D  }
0xcd: {  	s0 =	stileid.u32;
	[bflag:$0x2] =	sbarrier.arrive $0xFFFF  }
0xce: {  	p0 =	sne.s32 s0, $0x0;
	s0 =	rddreg [dreg:$0x2]  }
0xcf: {  	s0 =	sadd.s32 @!p0 $0x100000, s0  }
0xd0: {  	[sflag:s0] =	ssyncadd.tile.s32 @!p0 $0x1;
	_ =	shalt  }
.Lfunc_end2:
_tile_overlayer_lowered:
.L_overlay_start_2:
0xd1: {  	(tag) =	ssettag $0x2  }
0xd2: {  	s0 =	rddreg [dreg:$0x0];
	s2 =	stileid.u32  }
0xd3: {  	s1 =	rddreg [dreg:$0x1];
	p0 =	sne.s32 s2, $0x0  }
0xd4: {  	s3 =	rddreg [dreg:$0x2];
	[bflag:$0x3] =	sbarrier.arrive $0xFFFF;
	s2 =	simm.s32 @!p0 $0x1C02  }
0xd5: {  	[timem:s3], [sflag:s2] =	dma.local @!p0 [hbm:s0], s1  }
0xd6: {  	s0 =	simm.s32 @!p0 $0x2  }
0xd7: {  	_ =	swait.ge @!p0 [sflag:s0], s1  }
0xd8: {  	s1 =	ssub.s32 @!p0 $0x0, s1;
	[sflag:s0] =	ssyncset.done @!p0 $0x0  }
0xd9: {  	[sflag:s0] =	ssyncadd.s32 @!p0 s1  }
0xda: {  	[bflag:$0x3] =	sbarrier.arrive $0xFFFF  }
0xdb: {  	_ =	shalt  }

// kernel: kernel.27.cloned.1.call-start
scs
__scs_entry_jumppad:
0x0: {  	(pc) =	sbr.rel $0x88, $3  }
0x1: {  	(tag) =	ssettag $0x0;
	lr =	simm.s32 $0x1  }
0x2: {  	[smem:$0x3F88] =	sst lr;
	_ =	strace $0xD0000000  }
0x3: {  	_ = 	snop  }
0x4: {  	_ = 	snop  }
0x5: {  	_ = 	snop  }
0x6: {  	_ = 	snop  }
0x7: {  	_ = 	snop  }
__scs_overlays_trampoline_lowered:
0x8: {  	[smem:$0x3F97] =	sst s0  }
0x9: {  	[smem:$0x3F98] =	sst s1  }
0xa: {  	[smem:$0x3F99] =	sst s2  }
0xb: {  	[smem:$0x3F9A] =	sst s3  }
0xc: {  	[smem:$0x3F9B] =	sst s4  }
0xd: {  	[smem:$0x3F9C] =	sst s5  }
0xe: {  	[smem:$0x3F9D] =	sst s6  }
0xf: {  	[smem:$0x3F9E] =	sst s7  }
0x10: {  	[smem:$0x3F9F] =	sst s8  }
0x11: {  	[smem:$0x3FA0] =	sst s9;
	s0 =	simm.s32 @!p0 $0x0  }
0x12: {  	s1 =	sld [smem:$0x3F86];
	s0 =	simm.s32 @p0 $0x1  }
0x13: {  	[smem:$0x3FA1] =	sst s0;
	s0 =	simm.s32 @!p1 $0x0  }
0x14: {  	s2 =	sld [smem:$0x3F85];
	s0 =	simm.s32 @p1 $0x1  }
0x15: {  	[smem:$0x3FA2] =	sst s0;
	s0 =	simm.s32 @!p2 $0x0  }
0x16: {  	s3 =	sld [smem:$0x3FDB];
	s0 =	simm.s32 @p2 $0x1  }
0x17: {  	s4 =	simm.s32 $0x1BF5;
	[smem:$0x3FA4] =	sst s0  }
0x18: {  	s0 =	sld [smem:$0x3F87];
	_ =	swait.ge [sflag:s4], $0x0  }
0x19: {  	s7 =	sld [smem:$0x3F88]  }
0x1a: {  	s8 =	sadd.s32 $0xFFFFE003, lr  }
0x1b: {  	s9 =	sadd.s32 $0xFFFFFEF7, lr;
	s5 =	simm.s32 $0xFFFFFFFF;
	p2 =	slt.u32 s8, $0xFFFFF086  }
0x1c: {  	p1 =	slt.u32 s9, $0xF7A;
	s5 =	simm.s32 @!p2 $0x0  }
0x1d: {  	s5 =	simm.s32 @p1 $0x1;
	p0 =	seq.s32 s7, s2  }
0x1e: {  	s7 =	smul.u32 @!p0 $0xF7A, s2;
	p2 =	seq.s32 @!p0 s5, $0x0  }
0x1f: {  	s9 =	smul.u32 $0xF7A, s1;
	s8 =	simm.s32 @!p0 $0x1BF5;
	p2 =	por !p2, p0  }
0x20: {  	[sflag:s8] =	ssyncset.s32 @!p0 $0xFFFFF086;
	s6 =	sadd.s32 @!p0 s3, s7;
	s7 =	simm.s32 @!p0 $0x108  }
0x21: {  	s3 =	sadd.s32 s3, s9;
	s6 =	sadd.s32 @!p0 $0x88, s6;
	s7 =	simm.s32 @p2 $0x1082  }
0x22: {  	[simem:s7], [sflag:s8] =	dma.local @!p0 [hbm:s6], $0xF7A  }
0x23: {  	s9 =	sor.u32 $0xD0000000, s2;
	s6 =	simm.s32 $0x108;
	_ =	swait.ge @!p0 [sflag:s8], $0x0  }
0x24: {  	s3 =	sadd.s32 $0x88, s3;
	s6 =	simm.s32 @!p1 $0x1082;
	[sflag:s4] =	ssyncset.s32 $0xFFFFF086  }
0x25: {  	[simem:s6], [sflag:s4] =	dma.local [hbm:s3], $0xF7A  }
0x26: {  	[smem:$0x3F88] =	sst s1;
	(tag) =	ssettag s2;
	_ =	strace s9  }
0x27: {  	s1 =	sld [smem:$0x3F98]  }
0x28: {  	s2 =	sld [smem:$0x3F99]  }
0x29: {  	s4 =	sld [smem:$0x3F9B]  }
0x2a: {  	p0 =	seq.s32 s5, $0x0;
	s5 =	sld [smem:$0x3F9C]  }
0x2b: {  	s6 =	sld [smem:$0x3F9D]  }
0x2c: {  	s7 =	sld [smem:$0x3F9E]  }
0x2d: {  	s3 =	simm.s32 $0x108;
	s8 =	sld [smem:$0x3F9F]  }
0x2e: {  	s3 =	simm.s32 @!p0 $0x1082;
	s9 =	sld [smem:$0x3FA0]  }
0x2f: {  	lr =	sadd.s32 s0, s3;
	s0 =	sld [smem:$0x3F97]  }
0x30: {  	s3 =	sld [smem:$0x3F9A]  }
0x31: {  	[smem:$0x3FA3] =	sst s10  }
0x32: {  	s10 =	sld [smem:$0x3FA1];
	_ =	sdelay $0x3  }
0x33: {  	p0 =	seq.s32 s10, $0x1;
	s10 =	sld [smem:$0x3FA3];
	_ =	sdelay $0x3  }
0x34: {  	[smem:$0x3FA3] =	sst s10  }
0x35: {  	s10 =	sld [smem:$0x3FA2];
	_ =	sdelay $0x3  }
0x36: {  	p1 =	seq.s32 s10, $0x1;
	s10 =	sld [smem:$0x3FA3];
	_ =	sdelay $0x3  }
0x37: {  	[smem:$0x3FA3] =	sst s10  }
0x38: {  	s10 =	sld [smem:$0x3FA4]  }
0x39: {  	_ = 	snop;
	(pc) =	sbr.ind lr, $3  }
0x3a: {  	_ = 	snop  }
0x3b: {  	_ = 	snop  }
0x3c: {  	p2 =	seq.s32 s10, $0x1;
	s10 =	sld [smem:$0x3FA3]  }
0x3d: {  	_ =	shalt  }
0x3e: {  	_ =	shalt  }
0x3f: {  	_ =	shalt  }
0x40: {  	_ =	shalt  }
0x41: {  	_ =	shalt  }
0x42: {  	_ =	shalt  }
0x43: {  	_ =	shalt  }
0x44: {  	_ =	shalt  }
0x45: {  	_ =	shalt  }
0x46: {  	_ =	shalt  }
0x47: {  	_ =	shalt  }
0x48: {  	_ =	shalt  }
0x49: {  	_ =	shalt  }
0x4a: {  	_ =	shalt  }
0x4b: {  	_ =	shalt  }
0x4c: {  	_ =	shalt  }
0x4d: {  	_ =	shalt  }
0x4e: {  	_ =	shalt  }
0x4f: {  	_ =	shalt  }
0x50: {  	_ =	shalt  }
0x51: {  	_ =	shalt  }
0x52: {  	_ =	shalt  }
0x53: {  	_ =	shalt  }
0x54: {  	_ =	shalt  }
0x55: {  	_ =	shalt  }
0x56: {  	_ =	shalt  }
0x57: {  	_ =	shalt  }
0x58: {  	_ =	shalt  }
0x59: {  	_ =	shalt  }
0x5a: {  	_ =	shalt  }
0x5b: {  	_ =	shalt  }
0x5c: {  	_ =	shalt  }
0x5d: {  	_ =	shalt  }
0x5e: {  	_ =	shalt  }
0x5f: {  	_ =	shalt  }
0x60: {  	_ =	shalt  }
0x61: {  	_ =	shalt  }
0x62: {  	_ =	shalt  }
0x63: {  	_ =	shalt  }
0x64: {  	_ =	shalt  }
0x65: {  	_ =	shalt  }
0x66: {  	_ =	shalt  }
0x67: {  	_ =	shalt  }
0x68: {  	_ =	shalt  }
0x69: {  	_ =	shalt  }
0x6a: {  	_ =	shalt  }
0x6b: {  	_ =	shalt  }
0x6c: {  	_ =	shalt  }
0x6d: {  	_ =	shalt  }
0x6e: {  	_ =	shalt  }
0x6f: {  	_ =	shalt  }
0x70: {  	_ =	shalt  }
0x71: {  	_ =	shalt  }
0x72: {  	_ =	shalt  }
0x73: {  	_ =	shalt  }
0x74: {  	_ =	shalt  }
0x75: {  	_ =	shalt  }
0x76: {  	_ =	shalt  }
0x77: {  	_ =	shalt  }
0x78: {  	_ =	shalt  }
0x79: {  	_ =	shalt  }
0x7a: {  	_ =	shalt  }
0x7b: {  	_ =	shalt  }
0x7c: {  	_ =	shalt  }
0x7d: {  	_ =	shalt  }
0x7e: {  	_ =	shalt  }
0x7f: {  	_ =	shalt  }
0x80: {  	_ =	shalt  }
0x81: {  	_ =	shalt  }
0x82: {  	_ =	shalt  }
0x83: {  	_ =	shalt  }
0x84: {  	_ =	shalt  }
0x85: {  	_ =	shalt  }
0x86: {  	_ =	shalt  }
0x87: {  	_ =	shalt  }
.Lfunc_end0:
.L_simem_size_0:
called_computation.3_lowered:
.L_overlay_start_0:
0x88: {  	s2 =	sld [smem:$0x3FD9]  }
0x89: {  	s3 =	sld [smem:$0x3FFE];
	_ =	sdelay $0x1  }
0x8a: {  	s1 =	srdreg.scid  }
0x8b: {  	s0 =	sand.u32 $0x1, s1  }
0x8c: {  	s16 =	sshll.u32 s0, $0xA;
	s2 =	sadd.s32 s3, s2  }
0x8d: {  	s2 =	sadd.s32 s2, s16  }
0x8e: {  	[smem:$0x3FAF] =	sst s2  }
0x8f: {  	_ = 	snop  }
0x90: {  	(tm) =	ssettm $0x1  }
0x91: {  	s17 =	sld [smem:$0x3FFB];
	_ =	sdelay $0x3  }
0x92: {  	_ =	strace s17  }
0x93: {  	s2 =	sld [smem:$0x3FFC];
	_ =	sdelay $0x3  }
0x94: {  	_ =	strace s2  }
0x95: {  	s2 =	sld [smem:$0x3FFD];
	_ =	sdelay $0x3  }
0x96: {  	_ =	strace s2  }
0x97: {  	_ =	strace $0x8FFFFFFF  }
0x98: {  	s18 =	sld [smem:$0x3FDB];
	_ =	sdelay $0x1  }
0x99: {  	s19 =	simm.s32 $_scs_section_size  }
0x9a: {  	s4 =	simm.s32 $_size__tile_overlayer_lowered;
	s5 =	simm.s32 $_tile_overlayer_lowered  }
0x9b: {  	s22 =	simm.s32 $0x1BFF;
	s21 =	sshll.u32 s5, $0x1;
	s2 =	sadd.s32 s19, s18  }
0x9c: {  	s6 =	simm.s32 $0x0;
	s20 =	sshll.u32 s4, $0x1;
	s4 =	sadd.s32 s21, s2  }
0x9d: {  	[timem:s6], [sflag:s22] =	dma.local [hbm:s4], s20  }
0x9e: {  	_ =	swait.ge [sflag:s22], s20  }
0x9f: {  	s3 =	ssub.s32 $0x0, s20;
	[sflag:s22] =	ssyncset.done $0x0  }
0xa0: {  	[sflag:s22] =	ssyncadd.s32 s3;
	_ =	sdelay $0x1  }
0xa1: {  	s23 =	simm.s32 $0x1B8B  }
0xa2: {  	_ =	swait.ge [sflag:s23], $0x1  }
0xa3: {  	[sflag:s23] =	ssyncset.done $0x0  }
0xa4: {  	s25 =	simm.s32 $0x1B8E;
	s24 =	sld [smem:$0x3FFE];
	[sflag:s23] =	ssyncadd.s32 $0xFFFFFFFF  }
0xa5: {  	s26 =	simm.s32 $execute0_lowered;
	[smem:$0x3FD2] =	sst s25  }
0xa6: {  	s4 =	sshll.u32 s26, $0x1;
	_ =	strace $0x8000004F;
	[dreg:$0x1] =	wrdreg $0xFFFFFFFF  }
0xa7: {  	s28 =	simm.s32 $_size_execute0_lowered;
	s2 =	sadd.s32 s2, s4;
	[dreg:$0x0] =	wrdreg $0x0  }
0xa8: {  	s4 =	sshll.u32 s28, $0x1;
	[dreg:$0x2] =	wrdreg s2  }
0xa9: {  	[dreg:$0x3] =	wrdreg s4  }
0xaa: {  	[dreg:$0x4] =	wrdreg $0xC0  }
0xab: {  	_ =	task [dreg:s6], $0x5FFFF  }
0xac: {  	[dreg:$0x1] =	wrdreg $0xFFFFFFFF  }
0xad: {  	[dreg:$0x0] =	wrdreg $0x60  }
0xae: {  	[dreg:$0x2] =	wrdreg s24  }
0xaf: {  	[dreg:$0x3] =	wrdreg $0x9  }
0xb0: {  	_ =	task.clear_ibuf [dreg:s6], $0x4FFFF;
	_ =	strace $0x9000004F  }
0xb1: {  	s29 =	simm.s32 $0x9;
	_ =	strace $0x80000051  }
0xb2: {  	_ =	swait.ge [sflag:s29], $0x1  }
0xb3: {  	[sflag:s29] =	ssyncadd.s32 $0xFFFFFFFF  }
0xb4: {  	_ =	strace $0x90000051  }
0xb5: {  	_ =	sfence  }
0xb6: {  	s30 =	sld [smem:$0x0];
	_ =	sdelay $0x2  }
0xb7: {  	s31 =	sshll.u32 s1, $0xD;
	s1 =	sshrl.u32 s1, $0x2  }
0xb8: {  	s3 =	sand.u32 $0x4000, s31;
	s1 =	sadd.s32 s1, s30  }
0xb9: {  	s0 =	sor.u32 s3, s0;
	s1 =	sshll.u32 s1, $0x11  }
0xba: {  	s0 =	sor.u32 s1, s0  }
0xbb: {  	s0 =	sadd.s32 $0x8F2B, s0  }
0xbc: {  	[sflag:s0] =	ssyncadd.remote.s32 $0x1  }
0xbd: {  	_ =	sfence.sel $0xFFFF  }
0xbe: {  	[dreg:$0x0] =	wrdreg $0xFFFFFFFF;
	(pc) =	sbr.abs _section_cstart, $3  }
0xbf: {  	[dreg:$0x1] =	wrdreg $0xFFFFFFFF  }
0xc0: {  	_ =	task.clear_ibuf [dreg:s6], $0x2FFFF;
	_ =	strace $0x9FFFFFFF  }
0xc1: {  	(tm) =	ssettm $0x7FFFFFFF  }
tec
execute0_lowered:
.L_overlay_start_1:
0x0: {  	(tag) =	ssettag $0x1  }
0x1: {  	s0 =	stileid.u32  }
0x2: {  	s1 =	srdreg.scid;
	s2 =	sshll.u32 s0, $0x1  }
0x3: {  	s1 =	sand.u32 $0x1, s1;
	s2 =	sand.u32 $0xE, s2  }
0x4: {  	s5 =	rddreg [dreg:$0x0];
	s3 =	sshrl.u32 s0, $0x3;
	s2 =	sor.u32 s1, s2  }
0x5: {  	s22 =	sshll.u32 s3, $0xB;
	s3 =	sshll.u32 s3, $0x4;
	s4 =	sshll.u32 s2, $0x7  }
0x6: {  	s3 =	sadd.s32 s3, s5;
	s2 =	sor.u32 s22, s4  }
0x7: {  	s3 =	sadd.s32 s4, s3;
	s6 =	sshrl.u32 s2, $0x3;
	s2 =	simm.s32 $0x0  }
0x8: {  	s3 =	sadd.s32 $0x5000, s3;
	[smem:$0x7FF] =	sst s2  }
0x9: {  	s25 =	simm.s32 $0x880;
	_ =	strace $0x80000050;
	[dreg:$0x2] =	wrdreg s3  }
0xa: {  	s26 =	simm.s32 $0x1080;
	[dreg:$0x4] =	wrdreg s25  }
0xb: {  	s0 =	simm.s32 $0x1880;
	[dreg:$0x5] =	wrdreg s26  }
0xc: {  	s4 =	simm.s32 $0x2080;
	[dreg:$0x6] =	wrdreg s0  }
0xd: {  	s7 =	simm.s32 $0x3080;
	[dreg:$0x7] =	wrdreg s4  }
0xe: {  	s8 =	simm.s32 $0x3880;
	[dreg:$0x9] =	wrdreg s7  }
0xf: {  	s9 =	simm.s32 $0x4080;
	[dreg:$0xa] =	wrdreg s8  }
0x10: {  	s10 =	simm.s32 $0x4880;
	[dreg:$0xb] =	wrdreg s9  }
0x11: {  	s11 =	simm.s32 $0x5080;
	[dreg:$0xc] =	wrdreg s10  }
0x12: {  	s12 =	simm.s32 $0x5880;
	[dreg:$0xd] =	wrdreg s11  }
0x13: {  	s13 =	simm.s32 $0x6080;
	s14 =	simm.s32 $0x6880;
	[dreg:$0xe] =	wrdreg s12  }
0x14: {  	s15 =	simm.s32 $0x7080;
	s16 =	simm.s32 $0x7880;
	[dreg:$0xf] =	wrdreg s13  }
0x15: {  	s17 =	simm.s32 $0x8080;
	s18 =	simm.s32 $0x8880;
	[dreg:$0x10] =	wrdreg s14  }
0x16: {  	s19 =	simm.s32 $0x9080;
	s21 =	simm.s32 $0x9880;
	[dreg:$0x11] =	wrdreg s15  }
0x17: {  	s28 =	simm.s32 $0x16080;
	s29 =	simm.s32 $0x16880;
	[dreg:$0x12] =	wrdreg s16  }
0x18: {  	s30 =	simm.s32 $0x17080;
	s1 =	ssub.s32 $0x2, s1;
	[dreg:$0x13] =	wrdreg s17  }
0x19: {  	s31 =	simm.s32 $0x17880;
	s20 =	sshrl.u32 s1, $0x1;
	[dreg:$0x14] =	wrdreg s18  }
0x1a: {  	s1 =	ssub.s32 s1, s20;
	s22 =	simm.s32 $0xA080;
	[dreg:$0x15] =	wrdreg s19  }
0x1b: {  	s20 =	simm.s32 $0x12880;
	s6 =	smul.u32 $0x300, s6;
	[dreg:$0x16] =	wrdreg s21  }
0x1c: {  	s3 =	sadd.s32 $0xCDC00, s5;
	s4 =	sadd.s32 $0xCDD00, s5;
	[dreg:$0x17] =	wrdreg s22  }
0x1d: {  	s7 =	simm.s32 $0xB080;
	s25 =	simm.s32 $0xC080;
	s8 =	simm.s32 $0x80  }
0x1e: {  	s26 =	simm.s32 $0xC880;
	s10 =	simm.s32 $0xD880;
	s11 =	simm.s32 $0xE080  }
0x1f: {  	s12 =	simm.s32 $0xE880;
	s13 =	simm.s32 $0xF080;
	s14 =	simm.s32 $0xF880  }
0x20: {  	s15 =	simm.s32 $0x10080;
	s16 =	simm.s32 $0x10880;
	s17 =	simm.s32 $0x11080  }
0x21: {  	s18 =	simm.s32 $0x11880;
	s19 =	simm.s32 $0x12080;
	s21 =	simm.s32 $0x13080  }
0x22: {  	s22 =	simm.s32 $0x13880;
	s23 =	sadd.s32 s6, s5;
	[dreg:$0x19] =	wrdreg s7  }
0x23: {  	s6 =	simm.s32 $0x2880;
	s5 =	sadd.s32 $0xCDE00, s5;
	[dreg:$0x1b] =	wrdreg s25  }
0x24: {  	s7 =	simm.s32 $0x2;
	[dreg:$0x1c] =	wrdreg s26;
	s25 =	simm.s32 $0x15080  }
0x25: {  	s26 =	simm.s32 $0x15880;
	s24 =	sadd.s32 $0xD800, s23;
	[dreg:$0x8] =	wrdreg s6  }
0x26: {  	v2 =	vlaneseq.u32;
	s23 =	simm.s32 $0xA880;
	s6 =	smax.u32 s1, $0x1;
	[dreg:$0x3] =	wrdreg s24  }
0x27: {  	vm0 =	vmmov $0xffff;
	v1 =	vshrl.u32 v2, $0x3;
	s1 =	simm.s32 $0x1;
	[dreg:$0x18] =	wrdreg s23;
	s24 =	simm.s32 $0xB880  }
0x28: {  	v0 =	vand.u32 $0x7, v2;
	v2 =	vor.u32 $0x8, v2;
	v1 =	vmul.u32 $0x8, v1;
	s23 =	simm.s32 $0x14080;
	[dreg:$0x1a] =	wrdreg s24;
	s24 =	simm.s32 $0x14880  }
.LBB2_1:
0x29: {  	s0 =	rddreg [dreg:$0x2]  }
0x2a: {  	[tilespmem:s2], [sflag:$0x2] =	stream.linear.gather [hbm4b:s0+s2], $0x80, $0x38;
	[tilespmem:$0x18080] =	vst v63  }
0x2b: {  	_ =	swait.ge [sflag:s7], $0x80  }
0x2c: {  	[sflag:s7] =	ssyncset.done $0x0  }
0x2d: {  	[sflag:s7] =	ssyncadd.s32 $0xFFFFFF80  }
0x2e: {  	v3 =	vld [tilespmem:$0x0];
	_ =	sdelay $0x4  }
0x2f: {  	v4 =	vshrl.u32 v3, $0x3  }
0x30: {  	v4 =	vmul.u32 $0x30, v4  }
0x31: {  	v3 =	vand.u32 $0x7, v3  }
0x32: {  	v3 =	vor.u32 v3, v4  }
0x33: {  	v4 =	vperm.xlane v3, v0;
	_ =	sdelay $0x1  }
0x34: {  	v4 =	vadd.s32 v1, v4;
	_ =	sdelay $0x3  }
0x35: {  	v3 =	vperm.xlane v3, v2  }
0x36: {  	[tilespmem:s8], [sflag:$0x1] =	stream.indirect_vreg.gather [hbm4b:s3+s2], $0x80, v4, vm0, $0xb8;
	[tilespmem:$0x18080] =	vst v63  }
0x37: {  	s0 =	rddreg [dreg:$0x4];
	v3 =	vadd.s32 v1, v3  }
0x38: {  	[tilespmem:s0], [sflag:$0x1] =	stream.indirect_vreg.gather [hbm4b:s4+s2], $0x80, v4, vm0, $0xb8;
	[tilespmem:$0x18080] =	vst v63  }
0x39: {  	s9 =	rddreg [dreg:$0x5]  }
0x3a: {  	[tilespmem:s9], [sflag:$0x1] =	stream.indirect_vreg.gather [hbm4b:s5+s2], $0x80, v4, vm0, $0xb8;
	[tilespmem:$0x18080] =	vst v63  }
0x3b: {  	s0 =	rddreg [dreg:$0x6]  }
0x3c: {  	[tilespmem:s0], [sflag:$0x1] =	stream.indirect_vreg.gather [hbm4b:s3+s2], $0x80, v3, vm0, $0xb8;
	[tilespmem:$0x18080] =	vst v63  }
0x3d: {  	s9 =	rddreg [dreg:$0x7]  }
0x3e: {  	[tilespmem:s9], [sflag:$0x1] =	stream.indirect_vreg.gather [hbm4b:s4+s2], $0x80, v3, vm0, $0xb8;
	[tilespmem:$0x18080] =	vst v63  }
0x3f: {  	s0 =	rddreg [dreg:$0x8]  }
0x40: {  	[tilespmem:s0], [sflag:$0x1] =	stream.indirect_vreg.gather [hbm4b:s5+s2], $0x80, v3, vm0, $0xb8;
	[tilespmem:$0x18080] =	vst v63  }
0x41: {  	v3 =	vld [tilespmem:$0x10];
	_ =	sdelay $0x4  }
0x42: {  	v57 =	vshrl.u32 v3, $0x3  }
0x43: {  	v4 =	vmul.u32 $0x30, v57  }
0x44: {  	v3 =	vand.u32 $0x7, v3  }
0x45: {  	v3 =	vor.u32 v3, v4  }
0x46: {  	v4 =	vperm.xlane v3, v0;
	_ =	sdelay $0x1  }
0x47: {  	v4 =	vadd.s32 v1, v4;
	_ =	sdelay $0x3  }
0x48: {  	s0 =	rddreg [dreg:$0x9];
	v3 =	vperm.xlane v3, v2  }
0x49: {  	[tilespmem:s0], [sflag:$0x1] =	stream.indirect_vreg.gather [hbm4b:s3+s2], $0x80, v4, vm0, $0xb8;
	[tilespmem:$0x18080] =	vst v63  }
0x4a: {  	s9 =	rddreg [dreg:$0xa];
	v3 =	vadd.s32 v1, v3  }
0x4b: {  	[tilespmem:s9], [sflag:$0x1] =	stream.indirect_vreg.gather [hbm4b:s4+s2], $0x80, v4, vm0, $0xb8;
	[tilespmem:$0x18080] =	vst v63  }
0x4c: {  	s0 =	rddreg [dreg:$0xb]  }
0x4d: {  	[tilespmem:s0], [sflag:$0x1] =	stream.indirect_vreg.gather [hbm4b:s5+s2], $0x80, v4, vm0, $0xb8;
	[tilespmem:$0x18080] =	vst v63  }
0x4e: {  	s9 =	rddreg [dreg:$0xc]  }
0x4f: {  	[tilespmem:s9], [sflag:$0x1] =	stream.indirect_vreg.gather [hbm4b:s3+s2], $0x80, v3, vm0, $0xb8;
	[tilespmem:$0x18080] =	vst v63  }
0x50: {  	s0 =	rddreg [dreg:$0xd]  }
0x51: {  	[tilespmem:s0], [sflag:$0x1] =	stream.indirect_vreg.gather [hbm4b:s4+s2], $0x80, v3, vm0, $0xb8;
	[tilespmem:$0x18080] =	vst v63  }
0x52: {  	s9 =	rddreg [dreg:$0xe]  }
0x53: {  	[tilespmem:s9], [sflag:$0x1] =	stream.indirect_vreg.gather [hbm4b:s5+s2], $0x80, v3, vm0, $0xb8;
	[tilespmem:$0x18080] =	vst v63  }
0x54: {  	v3 =	vld [tilespmem:$0x20];
	_ =	sdelay $0x4  }
0x55: {  	v58 =	vshrl.u32 v3, $0x3  }
0x56: {  	v4 =	vmul.u32 $0x30, v58  }
0x57: {  	v3 =	vand.u32 $0x7, v3  }
0x58: {  	v3 =	vor.u32 v3, v4  }
0x59: {  	v4 =	vperm.xlane v3, v0;
	_ =	sdelay $0x1  }
0x5a: {  	v4 =	vadd.s32 v1, v4;
	_ =	sdelay $0x3  }
0x5b: {  	s0 =	rddreg [dreg:$0xf];
	v3 =	vperm.xlane v3, v2  }
0x5c: {  	[tilespmem:s0], [sflag:$0x1] =	stream.indirect_vreg.gather [hbm4b:s3+s2], $0x80, v4, vm0, $0xb8;
	[tilespmem:$0x18080] =	vst v63  }
0x5d: {  	s9 =	rddreg [dreg:$0x10];
	v3 =	vadd.s32 v1, v3  }
0x5e: {  	[tilespmem:s9], [sflag:$0x1] =	stream.indirect_vreg.gather [hbm4b:s4+s2], $0x80, v4, vm0, $0xb8;
	[tilespmem:$0x18080] =	vst v63  }
0x5f: {  	s0 =	rddreg [dreg:$0x11]  }
0x60: {  	[tilespmem:s0], [sflag:$0x1] =	stream.indirect_vreg.gather [hbm4b:s5+s2], $0x80, v4, vm0, $0xb8;
	[tilespmem:$0x18080] =	vst v63  }
0x61: {  	s9 =	rddreg [dreg:$0x12]  }
0x62: {  	[tilespmem:s9], [sflag:$0x1] =	stream.indirect_vreg.gather [hbm4b:s3+s2], $0x80, v3, vm0, $0xb8;
	[tilespmem:$0x18080] =	vst v63  }
0x63: {  	s0 =	rddreg [dreg:$0x13]  }
0x64: {  	[tilespmem:s0], [sflag:$0x1] =	stream.indirect_vreg.gather [hbm4b:s4+s2], $0x80, v3, vm0, $0xb8;
	[tilespmem:$0x18080] =	vst v63  }
0x65: {  	s9 =	rddreg [dreg:$0x14]  }
0x66: {  	[tilespmem:s9], [sflag:$0x1] =	stream.indirect_vreg.gather [hbm4b:s5+s2], $0x80, v3, vm0, $0xb8;
	[tilespmem:$0x18080] =	vst v63  }
0x67: {  	v3 =	vld [tilespmem:$0x30];
	_ =	sdelay $0x4  }
0x68: {  	v59 =	vshrl.u32 v3, $0x3  }
0x69: {  	v4 =	vmul.u32 $0x30, v59  }
0x6a: {  	v3 =	vand.u32 $0x7, v3  }
0x6b: {  	v3 =	vor.u32 v3, v4  }
0x6c: {  	v4 =	vperm.xlane v3, v0;
	_ =	sdelay $0x1  }
0x6d: {  	v4 =	vadd.s32 v1, v4;
	_ =	sdelay $0x3  }
0x6e: {  	s0 =	rddreg [dreg:$0x15];
	v3 =	vperm.xlane v3, v2  }
0x6f: {  	[tilespmem:s0], [sflag:$0x1] =	stream.indirect_vreg.gather [hbm4b:s3+s2], $0x80, v4, vm0, $0xb8;
	[tilespmem:$0x18080] =	vst v63  }
0x70: {  	s9 =	rddreg [dreg:$0x16];
	v3 =	vadd.s32 v1, v3  }
0x71: {  	[tilespmem:s9], [sflag:$0x1] =	stream.indirect_vreg.gather [hbm4b:s4+s2], $0x80, v4, vm0, $0xb8;
	[tilespmem:$0x18080] =	vst v63  }
0x72: {  	s0 =	rddreg [dreg:$0x17]  }
0x73: {  	[tilespmem:s0], [sflag:$0x1] =	stream.indirect_vreg.gather [hbm4b:s5+s2], $0x80, v4, vm0, $0xb8;
	[tilespmem:$0x18080] =	vst v63  }
0x74: {  	s9 =	rddreg [dreg:$0x18]  }
0x75: {  	[tilespmem:s9], [sflag:$0x1] =	stream.indirect_vreg.gather [hbm4b:s3+s2], $0x80, v3, vm0, $0xb8;
	[tilespmem:$0x18080] =	vst v63  }
0x76: {  	s0 =	rddreg [dreg:$0x19]  }
0x77: {  	[tilespmem:s0], [sflag:$0x1] =	stream.indirect_vreg.gather [hbm4b:s4+s2], $0x80, v3, vm0, $0xb8;
	[tilespmem:$0x18080] =	vst v63  }
0x78: {  	s9 =	rddreg [dreg:$0x1a]  }
0x79: {  	[tilespmem:s9], [sflag:$0x1] =	stream.indirect_vreg.gather [hbm4b:s5+s2], $0x80, v3, vm0, $0xb8;
	[tilespmem:$0x18080] =	vst v63  }
0x7a: {  	v3 =	vld [tilespmem:$0x40];
	_ =	sdelay $0x4  }
0x7b: {  	v60 =	vshrl.u32 v3, $0x3  }
0x7c: {  	v4 =	vmul.u32 $0x30, v60  }
0x7d: {  	v3 =	vand.u32 $0x7, v3  }
0x7e: {  	v3 =	vor.u32 v3, v4  }
0x7f: {  	v4 =	vperm.xlane v3, v0;
	_ =	sdelay $0x1  }
0x80: {  	v4 =	vadd.s32 v1, v4;
	_ =	sdelay $0x3  }
0x81: {  	s0 =	rddreg [dreg:$0x1b];
	v3 =	vperm.xlane v3, v2  }
0x82: {  	[tilespmem:s0], [sflag:$0x1] =	stream.indirect_vreg.gather [hbm4b:s3+s2], $0x80, v4, vm0, $0xb8;
	[tilespmem:$0x18080] =	vst v63  }
0x83: {  	s9 =	rddreg [dreg:$0x1c];
	v3 =	vadd.s32 v1, v3  }
0x84: {  	[tilespmem:s9], [sflag:$0x1] =	stream.indirect_vreg.gather [hbm4b:s4+s2], $0x80, v4, vm0, $0xb8;
	[tilespmem:$0x18080] =	vst v63  }
0x85: {  	s9 =	simm.s32 $0xD080  }
0x86: {  	[tilespmem:s9], [sflag:$0x1] =	stream.indirect_vreg.gather [hbm4b:s5+s2], $0x80, v4, vm0, $0xb8;
	[tilespmem:$0x18080] =	vst v63  }
0x87: {  	_ = 	snop  }
0x88: {  	[tilespmem:s10], [sflag:$0x1] =	stream.indirect_vreg.gather [hbm4b:s3+s2], $0x80, v3, vm0, $0xb8;
	[tilespmem:$0x18080] =	vst v63  }
0x89: {  	_ = 	snop  }
0x8a: {  	[tilespmem:s11], [sflag:$0x1] =	stream.indirect_vreg.gather [hbm4b:s4+s2], $0x80, v3, vm0, $0xb8;
	[tilespmem:$0x18080] =	vst v63  }
0x8b: {  	_ = 	snop  }
0x8c: {  	[tilespmem:s12], [sflag:$0x1] =	stream.indirect_vreg.gather [hbm4b:s5+s2], $0x80, v3, vm0, $0xb8;
	[tilespmem:$0x18080] =	vst v63  }
0x8d: {  	v3 =	vld [tilespmem:$0x50];
	_ =	sdelay $0x4  }
0x8e: {  	v61 =	vshrl.u32 v3, $0x3  }
0x8f: {  	v4 =	vmul.u32 $0x30, v61  }
0x90: {  	v3 =	vand.u32 $0x7, v3  }
0x91: {  	v3 =	vor.u32 v3, v4  }
0x92: {  	v4 =	vperm.xlane v3, v0;
	_ =	sdelay $0x1  }
0x93: {  	v4 =	vadd.s32 v1, v4;
	_ =	sdelay $0x3  }
0x94: {  	v3 =	vperm.xlane v3, v2  }
0x95: {  	[tilespmem:s13], [sflag:$0x1] =	stream.indirect_vreg.gather [hbm4b:s3+s2], $0x80, v4, vm0, $0xb8;
	[tilespmem:$0x18080] =	vst v63  }
0x96: {  	v3 =	vadd.s32 v1, v3  }
0x97: {  	[tilespmem:s14], [sflag:$0x1] =	stream.indirect_vreg.gather [hbm4b:s4+s2], $0x80, v4, vm0, $0xb8;
	[tilespmem:$0x18080] =	vst v63  }
0x98: {  	_ = 	snop  }
0x99: {  	[tilespmem:s15], [sflag:$0x1] =	stream.indirect_vreg.gather [hbm4b:s5+s2], $0x80, v4, vm0, $0xb8;
	[tilespmem:$0x18080] =	vst v63  }
0x9a: {  	_ = 	snop  }
0x9b: {  	[tilespmem:s16], [sflag:$0x1] =	stream.indirect_vreg.gather [hbm4b:s3+s2], $0x80, v3, vm0, $0xb8;
	[tilespmem:$0x18080] =	vst v63  }
0x9c: {  	_ = 	snop  }
0x9d: {  	[tilespmem:s17], [sflag:$0x1] =	stream.indirect_vreg.gather [hbm4b:s4+s2], $0x80, v3, vm0, $0xb8;
	[tilespmem:$0x18080] =	vst v63  }
0x9e: {  	_ = 	snop  }
0x9f: {  	[tilespmem:s18], [sflag:$0x1] =	stream.indirect_vreg.gather [hbm4b:s5+s2], $0x80, v3, vm0, $0xb8;
	[tilespmem:$0x18080] =	vst v63  }
0xa0: {  	v3 =	vld [tilespmem:$0x60];
	_ =	sdelay $0x4  }
0xa1: {  	v62 =	vshrl.u32 v3, $0x3  }
0xa2: {  	v4 =	vmul.u32 $0x30, v62  }
0xa3: {  	v3 =	vand.u32 $0x7, v3  }
0xa4: {  	v3 =	vor.u32 v3, v4  }
0xa5: {  	v4 =	vperm.xlane v3, v0;
	_ =	sdelay $0x1  }
0xa6: {  	v4 =	vadd.s32 v1, v4;
	_ =	sdelay $0x3  }
0xa7: {  	v3 =	vperm.xlane v3, v2  }
0xa8: {  	[tilespmem:s19], [sflag:$0x1] =	stream.indirect_vreg.gather [hbm4b:s3+s2], $0x80, v4, vm0, $0xb8;
	[tilespmem:$0x18080] =	vst v63  }
0xa9: {  	v3 =	vadd.s32 v1, v3  }
0xaa: {  	[tilespmem:s20], [sflag:$0x1] =	stream.indirect_vreg.gather [hbm4b:s4+s2], $0x80, v4, vm0, $0xb8;
	[tilespmem:$0x18080] =	vst v63  }
0xab: {  	_ = 	snop  }
0xac: {  	[tilespmem:s21], [sflag:$0x1] =	stream.indirect_vreg.gather [hbm4b:s5+s2], $0x80, v4, vm0, $0xb8;
	[tilespmem:$0x18080] =	vst v63  }
0xad: {  	_ = 	snop  }
0xae: {  	[tilespmem:s22], [sflag:$0x1] =	stream.indirect_vreg.gather [hbm4b:s3+s2], $0x80, v3, vm0, $0xb8;
	[tilespmem:$0x18080] =	vst v63  }
0xaf: {  	_ = 	snop  }
0xb0: {  	[tilespmem:s23], [sflag:$0x1] =	stream.indirect_vreg.gather [hbm4b:s4+s2], $0x80, v3, vm0, $0xb8;
	[tilespmem:$0x18080] =	vst v63  }
0xb1: {  	_ = 	snop  }
0xb2: {  	[tilespmem:s24], [sflag:$0x1] =	stream.indirect_vreg.gather [hbm4b:s5+s2], $0x80, v3, vm0, $0xb8;
	[tilespmem:$0x18080] =	vst v63  }
0xb3: {  	v3 =	vld [tilespmem:$0x70];
	_ =	sdelay $0x4  }
0xb4: {  	v63 =	vshrl.u32 v3, $0x3  }
0xb5: {  	v4 =	vmul.u32 $0x30, v63  }
0xb6: {  	v3 =	vand.u32 $0x7, v3  }
0xb7: {  	v3 =	vor.u32 v3, v4  }
0xb8: {  	v4 =	vperm.xlane v3, v0;
	_ =	sdelay $0x1  }
0xb9: {  	v4 =	vadd.s32 v1, v4;
	_ =	sdelay $0x3  }
0xba: {  	v3 =	vperm.xlane v3, v2  }
0xbb: {  	[tilespmem:s25], [sflag:$0x1] =	stream.indirect_vreg.gather [hbm4b:s3+s2], $0x80, v4, vm0, $0xb8;
	[tilespmem:$0x18080] =	vst v63  }
0xbc: {  	v3 =	vadd.s32 v1, v3  }
0xbd: {  	[tilespmem:s26], [sflag:$0x1] =	stream.indirect_vreg.gather [hbm4b:s4+s2], $0x80, v4, vm0, $0xb8;
	[tilespmem:$0x18080] =	vst v63  }
0xbe: {  	_ = 	snop  }
0xbf: {  	[tilespmem:s28], [sflag:$0x1] =	stream.indirect_vreg.gather [hbm4b:s5+s2], $0x80, v4, vm0, $0xb8;
	[tilespmem:$0x18080] =	vst v63  }
0xc0: {  	_ = 	snop  }
0xc1: {  	[tilespmem:s29], [sflag:$0x1] =	stream.indirect_vreg.gather [hbm4b:s3+s2], $0x80, v3, vm0, $0xb8;
	[tilespmem:$0x18080] =	vst v63  }
0xc2: {  	_ = 	snop  }
0xc3: {  	[tilespmem:s30], [sflag:$0x1] =	stream.indirect_vreg.gather [hbm4b:s4+s2], $0x80, v3, vm0, $0xb8;
	[tilespmem:$0x18080] =	vst v63  }
0xc4: {  	_ = 	snop  }
0xc5: {  	[tilespmem:s31], [sflag:$0x1] =	stream.indirect_vreg.gather [hbm4b:s5+s2], $0x80, v3, vm0, $0xb8;
	[tilespmem:$0x18080] =	vst v63  }
0xc6: {  	_ =	swait.ge [sflag:s1], $0x18000  }
0xc7: {  	p0 =	sne.s32 s6, $0x1;
	[sflag:s1] =	ssyncset.done $0x0  }
.Ltmp0:
0xc8: {  	s9 =	rddreg [dreg:$0x3];
	[sflag:s1] =	ssyncadd.s32 $0xFFFE8000;
	(pc) =	sbr.rel @p0 .LBB2_1-.Ltmp0, $4  }
0xc9: {  	[hbm4b:s9+s2] =	stream.linear.scatter [tilespmem:s8], [sflag:$0x2], $0x18000, $0x38;
	[tilespmem:$0x18080] =	vst v63  }
0xca: {  	_ =	swait.ge [sflag:s7], $0x18000  }
0xcb: {  	[sflag:s7] =	ssyncset.done $0x0  }
0xcc: {  	s6 =	sadd.s32 $0xFFFFFFFF, s6;
	[sflag:s7] =	ssyncadd.s32 $0xFFFE8000  }
0xcd: {  	_ =	sfence.sel $0x180000  }
0xce: {  	[bflag:$0x0] =	sbarrier.arrive $0xFFFF  }
0xcf: {  	_ =	strace $0x90000050  }
0xd0: {  	s0 =	stileid.u32;
	[bflag:$0x2] =	sbarrier.arrive $0xFFFF  }
0xd1: {  	p0 =	sne.s32 s0, $0x0;
	s0 =	rddreg [dreg:$0x1]  }
0xd2: {  	s0 =	sadd.s32 @!p0 $0x100000, s0  }
0xd3: {  	[sflag:s0] =	ssyncadd.tile.s32 @!p0 $0x1;
	_ =	shalt  }
.Lfunc_end2:
_tile_overlayer_lowered:
.L_overlay_start_2:
0xd4: {  	(tag) =	ssettag $0x2  }
0xd5: {  	s0 =	rddreg [dreg:$0x0];
	s2 =	stileid.u32  }
0xd6: {  	s1 =	rddreg [dreg:$0x1];
	p0 =	sne.s32 s2, $0x0  }
0xd7: {  	s3 =	rddreg [dreg:$0x2];
	[bflag:$0x3] =	sbarrier.arrive $0xFFFF;
	s2 =	simm.s32 @!p0 $0x1C02  }
0xd8: {  	[timem:s3], [sflag:s2] =	dma.local @!p0 [hbm:s0], s1  }
0xd9: {  	s0 =	simm.s32 @!p0 $0x2  }
0xda: {  	_ =	swait.ge @!p0 [sflag:s0], s1  }
0xdb: {  	s1 =	ssub.s32 @!p0 $0x0, s1;
	[sflag:s0] =	ssyncset.done @!p0 $0x0  }
0xdc: {  	[sflag:s0] =	ssyncadd.s32 @!p0 s1  }
0xdd: {  	[bflag:$0x3] =	sbarrier.arrive $0xFFFF  }
0xde: {  	_ =	shalt  }

</sc_bundles>
